<compile_context>
chip_gen: v7x
topology: tpu7x:2x2x1
jax: 0.10.2.dev20260603
libtpu: 0.0.44.dev20260713+nightly
codegen_flags: <defaults>
</compile_context>

<pallas_src>
import functools

import jax
import jax.numpy as jnp
from jax import lax
from jax.experimental import pallas as pl
from jax.experimental.pallas import tpu as pltpu
from jax.experimental.pallas import tpu_sc as plsc

_N_NODES = 10000
_N_EDGES = 160000
_EDGE_DIM = 16
_HI_B = 41
_FEAT = 32
_EHID = 32
_DP = 48
_W = 128
_WS = 48
_KN = _EHID * _FEAT
_NC = 2
_NS = 16
_NW = _NC * _NS
_EH = _N_EDGES // 2
_GC = 800
_NCH = _EH // _GC
_NT = 10240
_RPT = _NT // _NS

_BE = 3200
_BN = 2000


def _make_gather_body(half):
    def body(x1_hbm, src_hbm, out_hbm, idx_v, rows_v, sem):
        cid = lax.axis_index("c")
        sid = lax.axis_index("s")
        wid = sid * _NC + cid

        def chunk(c):
            base = c * _GC
            pltpu.sync_copy(src_hbm.at[pl.ds(half * _EH + base, _GC)], idx_v)
            pltpu.async_copy(x1_hbm.at[idx_v], rows_v, sem).wait()
            pltpu.sync_copy(rows_v, out_hbm.at[pl.ds(base, _GC)])

        for j in range(_NCH // _NW):
            chunk(wid + _NW * j)
        c_tail = wid + _NW * (_NCH // _NW)
        if _NCH % _NW:
            @pl.when(c_tail < _NCH)
            def _():
                chunk(c_tail)
    return body


def _sc_gather(x1p, src, half):
    mesh = plsc.VectorSubcoreMesh(core_axis_name="c", subcore_axis_name="s")
    run = pl.kernel(
        _make_gather_body(half),
        out_type=jax.ShapeDtypeStruct((_EH, _W), jnp.float32),
        mesh=mesh,
        scratch_types=[
            pltpu.VMEM((_GC,), jnp.int32),
            pltpu.VMEM((_GC, _W), jnp.float32),
            pltpu.SemaphoreType.DMA,
        ],
    )
    return run(x1p, src)


def _scatter_body(msg0_hbm, msg1_hbm, dst_hbm, zero_hbm, out_hbm,
                  idx_v, rows_v, table_sh):
    cid = lax.axis_index("c")
    sid = lax.axis_index("s")
    wid = sid * _NC + cid
    pltpu.sync_copy(zero_hbm, table_sh.at[pl.ds(sid * _RPT, _RPT)])
    plsc.subcore_barrier()

    def chunk(msg_hbm, half, c):
        base = c * _GC
        pltpu.sync_copy(dst_hbm.at[pl.ds(half * _EH + base, _GC)], idx_v)
        pltpu.sync_copy(msg_hbm.at[pl.ds(base, _GC)], rows_v)
        pltpu.sync_copy(rows_v, table_sh.at[idx_v], add=True)

    for half, msg_hbm in ((0, msg0_hbm), (1, msg1_hbm)):
        for j in range(_NCH // _NW):
            chunk(msg_hbm, half, wid + _NW * j)
        c_tail = wid + _NW * (_NCH // _NW)
        if _NCH % _NW:
            @pl.when(c_tail < _NCH)
            def _():
                chunk(msg_hbm, half, c_tail)
    plsc.subcore_barrier()
    pltpu.sync_copy(table_sh.at[pl.ds(sid * _RPT, _RPT)],
                    out_hbm.at[cid, pl.ds(sid * _RPT, _RPT)])


def _sc_scatter(msg0, msg1, dst, zeros):
    mesh = plsc.VectorSubcoreMesh(core_axis_name="c", subcore_axis_name="s")
    run = pl.kernel(
        _scatter_body,
        out_type=jax.ShapeDtypeStruct((_NC, _NT, _WS), jnp.float32),
        mesh=mesh,
        scratch_types=[
            pltpu.VMEM((_GC,), jnp.int32),
            pltpu.VMEM((_GC, _WS), jnp.float32),
            pltpu.VMEM_SHARED((_NT, _WS), jnp.float32),
        ],
        compiler_params=pltpu.CompilerParams(use_tc_tiling_on_sc=False),
    )
    return run(msg0, msg1, dst, zeros)


def _edge_body(ea_ref, xs_ref, w1_ref, b1t_ref, w2_ref, out_ref):
    h_t = jnp.maximum(
        lax.dot_general(w1_ref[...], ea_ref[...], (((0,), (1,)), ((), ())),
                        preferred_element_type=jnp.float32)
        + b1t_ref[...], 0.0)
    xs48 = xs_ref[:, :_DP]
    G_t = lax.dot_general(w2_ref[...], xs48, (((0,), (1,)), ((), ())),
                          preferred_element_type=jnp.float32)
    acc = G_t[_KN:_KN + _FEAT, :]
    for k in range(_EHID):
        acc = acc + h_t[k:k + 1, :] * G_t[k * _FEAT:(k + 1) * _FEAT, :]
    out_ref[:, :_FEAT] = acc.T
    ones_col = (lax.broadcasted_iota(jnp.int32, (_BE, _WS - _FEAT), 1) == 0
                ).astype(jnp.float32)
    out_ref[:, _FEAT:] = ones_col


def _tc_edges(ea, xs, w1, b1t, w2aug, half):
    grid = _EH // _BE
    off = half * grid
    return pl.pallas_call(
        _edge_body,
        grid=(grid,),
        in_specs=[
            pl.BlockSpec((_BE, _EDGE_DIM), lambda i: (i + off, 0)),
            pl.BlockSpec((_BE, _W), lambda i: (i, 0)),
            pl.BlockSpec((_EDGE_DIM, _EHID), lambda i: (0, 0)),
            pl.BlockSpec((_EHID, 1), lambda i: (0, 0)),
            pl.BlockSpec((_DP, _KN + _FEAT), lambda i: (0, 0)),
        ],
        out_specs=pl.BlockSpec((_BE, _WS), lambda i: (i, 0)),
        out_shape=jax.ShapeDtypeStruct((_EH, _WS), jnp.float32),
    )(ea, xs, w1, b1t, w2aug)


def _node_body(x1_ref, p_ref, rw_ref, b_ref, out_ref):
    s = p_ref[0] + p_ref[1]
    agg = s[:, :_FEAT] / jnp.maximum(s[:, _FEAT:_FEAT + 1], 1.0)
    out = (jnp.dot(x1_ref[...], rw_ref[...], preferred_element_type=jnp.float32)
           + agg + b_ref[...])
    out_ref[...] = jnp.maximum(out, 0.0)


def _tc_nodes(x1p, parts, rootp, bias2):
    grid = _N_NODES // _BN
    return pl.pallas_call(
        _node_body,
        grid=(grid,),
        in_specs=[
            pl.BlockSpec((_BN, _W), lambda i: (i, 0)),
            pl.BlockSpec((_NC, _BN, _WS), lambda i: (0, i, 0)),
            pl.BlockSpec((_W, _FEAT), lambda i: (0, 0)),
            pl.BlockSpec((1, _FEAT), lambda i: (0, 0)),
        ],
        out_specs=pl.BlockSpec((_BN, _FEAT), lambda i: (i, 0)),
        out_shape=jax.ShapeDtypeStruct((_N_NODES, _FEAT), jnp.float32),
    )(x1p, parts, rootp, bias2)


@jax.jit
def kernel(x, edge_index, edge_attr, lin1_w, lin1_b, lin2_w, lin2_b,
           root_w, bias):
    x1p = jnp.pad(x[:, :_HI_B], ((0, 0), (0, _W - _HI_B)))
    src = edge_index[0]
    dst = edge_index[1]
    w2r = jnp.pad(
        lin2_w.reshape(_EHID, _HI_B, _FEAT).transpose(1, 0, 2)
        .reshape(_HI_B, _KN), ((0, _DP - _HI_B), (0, 0)))
    b2p = jnp.pad(lin2_b.reshape(_HI_B, _FEAT), ((0, _DP - _HI_B), (0, 0)))
    w2aug = jnp.concatenate([w2r, b2p], axis=1)
    rootp = jnp.pad(root_w, ((0, _W - _HI_B), (0, 0)))

    zeros = jnp.zeros((_RPT, _WS), jnp.float32)
    b1t = lin1_b.reshape(-1, 1)
    xs0 = _sc_gather(x1p, src, 0)
    xs1 = _sc_gather(x1p, src, 1)
    msg0 = _tc_edges(edge_attr, xs0, lin1_w, b1t, w2aug, 0)
    msg1 = _tc_edges(edge_attr, xs1, lin1_w, b1t, w2aug, 1)
    parts = _sc_scatter(msg0, msg1, dst, zeros)
    return _tc_nodes(x1p, parts, rootp, bias.reshape(1, -1))

# --- scband reference (transcript-rebuilt; emitter-appended) ---
"""Pipeline reference for scband-meso-net-51771535786249 (READ-ONLY COPY).

The authoritative reference and input builder live on the scoring server;
editing this copy changes nothing except your own understanding.
"""

import jax, jax.numpy as jnp
import numpy as np

N_NODES = 10000
N_EDGES = 160000
NODE_DIM = 214
EDGE_DIM = 16
HI_B = 41
FEAT = 32
EDGE_HID = 32


def setup_inputs(seed: int = 0) -> dict:
    key = jax.random.key(seed)
    ks = jax.random.split(key, 10)
    x = jax.random.normal(ks[0], (N_NODES, NODE_DIM), dtype=jnp.float32)
    edge_index = jax.random.randint(ks[1], (2, N_EDGES), 0, N_NODES, dtype=jnp.int64 if jax.config.jax_enable_x64 else jnp.int32).astype(jnp.int32)
    edge_attr = jax.random.normal(ks[2], (N_EDGES, EDGE_DIM), dtype=jnp.float32)
    # NNConv a11 parameters: edge network Linear(16,32)->ReLU->Linear(32, 41*32), root weight, bias
    lin1_w = jax.random.normal(ks[3], (EDGE_DIM, EDGE_HID), dtype=jnp.float32) * (1.0 / np.sqrt(EDGE_DIM))
    lin1_b = jnp.zeros((EDGE_HID,), dtype=jnp.float32)
    lin2_w = jax.random.normal(ks[4], (EDGE_HID, HI_B * FEAT), dtype=jnp.float32) * (1.0 / np.sqrt(EDGE_HID))
    lin2_b = jnp.zeros((HI_B * FEAT,), dtype=jnp.float32)
    root_w = jax.random.normal(ks[5], (HI_B, FEAT), dtype=jnp.float32) * (1.0 / np.sqrt(HI_B))
    bias = jnp.zeros((FEAT,), dtype=jnp.float32)
    return {"x": x, "edge_index": edge_index, "edge_attr": edge_attr,
            "lin1_w": lin1_w, "lin1_b": lin1_b, "lin2_w": lin2_w, "lin2_b": lin2_b,
            "root_w": root_w, "bias": bias}


def reference(x, edge_index, edge_attr, lin1_w, lin1_b, lin2_w, lin2_b, root_w, bias):
    # Core message-passing stage of MesoNet.process_subgraph (full-graph mask):
    #   x1 = x[:, :hi_b_dim]; x1 = relu(NNConv(x1, edge_index, edge_attr)) with aggr='mean'
    x1 = x[:, :HI_B]
    src = edge_index[0]
    dst = edge_index[1]
    # edge-conditioned weight matrices: MLP(edge_attr) -> [E, HI_B, FEAT]
    h = jnp.maximum(edge_attr @ lin1_w + lin1_b, 0.0)
    w_e = (h @ lin2_w + lin2_b).reshape(-1, HI_B, FEAT)
    # gather source features and transform per-edge
    x_src = jnp.take(x1, src, axis=0)  # [E, HI_B]
    msg = jnp.einsum('ed,edf->ef', x_src, w_e)  # [E, FEAT]
    # scatter-mean into destination nodes
    agg_sum = jax.ops.segment_sum(msg, dst, num_segments=N_NODES)
    cnt = jax.ops.segment_sum(jnp.ones((msg.shape[0],), dtype=jnp.float32), dst, num_segments=N_NODES)
    agg = agg_sum / jnp.clip(cnt, 1.0, None)[:, None]
    out = x1 @ root_w + agg + bias
    return jnp.maximum(out, 0.0)

if __name__ == "__main__":
    import jax
    _d = setup_inputs()
    print(jax.jit(kernel)(*tuple(_d.values())))

</pallas_src>

<mosaic_0001>
#map = affine_map<(d0, d1) -> (0, 0)>
#map1 = affine_map<(d0, d1) -> (0)>
#map2 = affine_map<(d0, d1) -> (0, 0, 0)>
module attributes {stable_mosaic.version = 14 : i64} {
  func.func @_scatter_body(%arg0: i32, %arg1: i32, %arg2: memref<80000x48xf32, #tpu.memory_space<hbm>>, %arg3: memref<80000x48xf32, #tpu.memory_space<hbm>>, %arg4: memref<160000xi32, #tpu.memory_space<hbm>>, %arg5: memref<640x48xf32, #tpu.memory_space<hbm>>, %arg6: memref<2x10240x48xf32, #tpu.memory_space<hbm>>, %arg7: memref<800xi32, #tpu.memory_space<vmem>>, %arg8: memref<800x48xf32, #tpu.memory_space<vmem>>, %arg9: memref<10240x48xf32, #tpu.memory_space<vmem_shared>>) attributes {dimension_semantics = [#tpu.dimension_semantics<core_parallel>, #tpu.dimension_semantics<subcore_parallel>], iteration_bounds = array<i64: 2, 16>, scalar_prefetch = 0 : i64, scratch_operands = 3 : i64, tpu.core_type = #tpu.core_type<sc_vector_subcore>, window_params = [{transform_indices = #map}, {transform_indices = #map}, {transform_indices = #map1}, {transform_indices = #map}, {transform_indices = #map2}]} {
    %mul3A = arith.constant 2 : i32
    %mul3A_0 = arith.muli %arg1, %mul3A : i32
    %add3A = arith.addi %mul3A_0, %arg0 : i32
    %mul3A_1 = arith.constant 640 : i32
    %mul3A_2 = arith.muli %arg1, %mul3A_1 : i32
    "tpu.region"() ({
      %run_scoped3A = tpu.sem_alloc : memref<!tpu.dma_semaphore, #tpu.memory_space<semaphore_mem>>
      %dma_start3A = arith.constant 0 : i32
      %dma_start3A_55 = tpu.memref_slice %arg9[%mul3A_2, %dma_start3A] : memref<10240x48xf32, #tpu.memory_space<vmem_shared>> -> memref<640x48xf32, #tpu.memory_space<vmem_shared>>
      tpu.enqueue_dma source(%arg5 : memref<640x48xf32, #tpu.memory_space<hbm>>) target(%dma_start3A_55 : memref<640x48xf32, #tpu.memory_space<vmem_shared>>) target_semaphore(%run_scoped3A : memref<!tpu.dma_semaphore, #tpu.memory_space<semaphore_mem>>)
      %dma_wait3A = arith.constant 0 : i32
      %dma_wait3A_56 = tpu.memref_slice %arg9[%mul3A_2, %dma_wait3A] : memref<10240x48xf32, #tpu.memory_space<vmem_shared>> -> memref<640x48xf32, #tpu.memory_space<vmem_shared>>
      tpu.wait_dma2 semaphore(%run_scoped3A : memref<!tpu.dma_semaphore, #tpu.memory_space<semaphore_mem>>) src(%arg5 : memref<640x48xf32, #tpu.memory_space<hbm>>) dst(%dma_wait3A_56 : memref<640x48xf32, #tpu.memory_space<vmem_shared>>)
      tpu.yield
    }) : () -> ()
    %barrier3A = arith.constant 0 : index
    tpu.barrier barrier_id(%barrier3A)
    %add3A_3 = arith.constant 0 : i32
    %add3A_4 = arith.addi %add3A, %add3A_3 : i32
    %mul3A_5 = arith.constant 800 : i32
    %mul3A_6 = arith.muli %add3A_4, %mul3A_5 : i32
    %add3A_7 = arith.constant 0 : i32
    %add3A_8 = arith.addi %add3A_7, %mul3A_6 : i32
    "tpu.region"() ({
      %run_scoped3A = tpu.sem_alloc : memref<!tpu.dma_semaphore, #tpu.memory_space<semaphore_mem>>
      %dma_start3A = tpu.memref_slice %arg4[%add3A_8] : memref<160000xi32, #tpu.memory_space<hbm>> -> memref<800xi32, #tpu.memory_space<hbm>>
      %dma_start3A_55 = tpu.memref_slice %arg4[%add3A_8] : memref<160000xi32, #tpu.memory_space<hbm>> -> memref<800xi32, #tpu.memory_space<hbm>>
      tpu.enqueue_dma source(%dma_start3A_55 : memref<800xi32, #tpu.memory_space<hbm>>) target(%arg7 : memref<800xi32, #tpu.memory_space<vmem>>) target_semaphore(%run_scoped3A : memref<!tpu.dma_semaphore, #tpu.memory_space<semaphore_mem>>)
      %dma_wait3A = tpu.memref_slice %arg4[%add3A_8] : memref<160000xi32, #tpu.memory_space<hbm>> -> memref<800xi32, #tpu.memory_space<hbm>>
      %dma_wait3A_56 = tpu.memref_slice %arg4[%add3A_8] : memref<160000xi32, #tpu.memory_space<hbm>> -> memref<800xi32, #tpu.memory_space<hbm>>
      tpu.wait_dma2 semaphore(%run_scoped3A : memref<!tpu.dma_semaphore, #tpu.memory_space<semaphore_mem>>) src(%dma_wait3A_56 : memref<800xi32, #tpu.memory_space<hbm>>) dst(%arg7 : memref<800xi32, #tpu.memory_space<vmem>>)
      tpu.yield
    }) : () -> ()
    "tpu.region"() ({
      %run_scoped3A = tpu.sem_alloc : memref<!tpu.dma_semaphore, #tpu.memory_space<semaphore_mem>>
      %dma_start3A = arith.constant 0 : i32
      %dma_start3A_55 = tpu.memref_slice %arg2[%mul3A_6, %dma_start3A] : memref<80000x48xf32, #tpu.memory_space<hbm>> -> memref<800x48xf32, #tpu.memory_space<hbm>>
      %dma_start3A_56 = arith.constant 0 : i32
      %dma_start3A_57 = tpu.memref_slice %arg2[%mul3A_6, %dma_start3A_56] : memref<80000x48xf32, #tpu.memory_space<hbm>> -> memref<800x48xf32, #tpu.memory_space<hbm>>
      tpu.enqueue_dma source(%dma_start3A_57 : memref<800x48xf32, #tpu.memory_space<hbm>>) target(%arg8 : memref<800x48xf32, #tpu.memory_space<vmem>>) target_semaphore(%run_scoped3A : memref<!tpu.dma_semaphore, #tpu.memory_space<semaphore_mem>>)
      %dma_wait3A = arith.constant 0 : i32
      %dma_wait3A_58 = tpu.memref_slice %arg2[%mul3A_6, %dma_wait3A] : memref<80000x48xf32, #tpu.memory_space<hbm>> -> memref<800x48xf32, #tpu.memory_space<hbm>>
      %dma_wait3A_59 = arith.constant 0 : i32
      %dma_wait3A_60 = tpu.memref_slice %arg2[%mul3A_6, %dma_wait3A_59] : memref<80000x48xf32, #tpu.memory_space<hbm>> -> memref<800x48xf32, #tpu.memory_space<hbm>>
      tpu.wait_dma2 semaphore(%run_scoped3A : memref<!tpu.dma_semaphore, #tpu.memory_space<semaphore_mem>>) src(%dma_wait3A_60 : memref<800x48xf32, #tpu.memory_space<hbm>>) dst(%arg8 : memref<800x48xf32, #tpu.memory_space<vmem>>)
      tpu.yield
    }) : () -> ()
    "tpu.region"() ({
      %run_scoped3A = tpu.sem_alloc : memref<!tpu.dma_semaphore, #tpu.memory_space<semaphore_mem>>
      %dma_start3A = arith.constant 0 : i32
      %dma_start3A_55 = arith.constant 0 : i32
      %dma_start3A_56 = tpu.memref_slice %arg9[%dma_start3A, %dma_start3A_55] : memref<10240x48xf32, #tpu.memory_space<vmem_shared>> -> memref<10240x48xf32, #tpu.memory_space<vmem_shared>>
      tpu.enqueue_indirect_dma source(%arg8 : memref<800x48xf32, #tpu.memory_space<vmem>>) target(%dma_start3A_56 : memref<10240x48xf32, #tpu.memory_space<vmem_shared>>) offsets(%arg7 : memref<800xi32, #tpu.memory_space<vmem>>) semaphore(%run_scoped3A : memref<!tpu.dma_semaphore, #tpu.memory_space<semaphore_mem>>) {add = true}
      %dma_wait3A = arith.constant 0 : i32
      %dma_wait3A_57 = arith.constant 0 : i32
      %dma_wait3A_58 = tpu.memref_slice %arg9[%dma_wait3A, %dma_wait3A_57] : memref<10240x48xf32, #tpu.memory_space<vmem_shared>> -> memref<10240x48xf32, #tpu.memory_space<vmem_shared>>
      tpu.wait_indirect_dma semaphore(%run_scoped3A : memref<!tpu.dma_semaphore, #tpu.memory_space<semaphore_mem>>) src(%arg8 : memref<800x48xf32, #tpu.memory_space<vmem>>) dst(%dma_wait3A_58 : memref<10240x48xf32, #tpu.memory_space<vmem_shared>>)
      tpu.yield
    }) : () -> ()
    %add3A_9 = arith.constant 32 : i32
    %add3A_10 = arith.addi %add3A, %add3A_9 : i32
    %mul3A_11 = arith.constant 800 : i32
    %mul3A_12 = arith.muli %add3A_10, %mul3A_11 : i32
    %add3A_13 = arith.constant 0 : i32
    %add3A_14 = arith.addi %add3A_13, %mul3A_12 : i32
    "tpu.region"() ({
      %run_scoped3A = tpu.sem_alloc : memref<!tpu.dma_semaphore, #tpu.memory_space<semaphore_mem>>
      %dma_start3A = tpu.memref_slice %arg4[%add3A_14] : memref<160000xi32, #tpu.memory_space<hbm>> -> memref<800xi32, #tpu.memory_space<hbm>>
      %dma_start3A_55 = tpu.memref_slice %arg4[%add3A_14] : memref<160000xi32, #tpu.memory_space<hbm>> -> memref<800xi32, #tpu.memory_space<hbm>>
      tpu.enqueue_dma source(%dma_start3A_55 : memref<800xi32, #tpu.memory_space<hbm>>) target(%arg7 : memref<800xi32, #tpu.memory_space<vmem>>) target_semaphore(%run_scoped3A : memref<!tpu.dma_semaphore, #tpu.memory_space<semaphore_mem>>)
      %dma_wait3A = tpu.memref_slice %arg4[%add3A_14] : memref<160000xi32, #tpu.memory_space<hbm>> -> memref<800xi32, #tpu.memory_space<hbm>>
      %dma_wait3A_56 = tpu.memref_slice %arg4[%add3A_14] : memref<160000xi32, #tpu.memory_space<hbm>> -> memref<800xi32, #tpu.memory_space<hbm>>
      tpu.wait_dma2 semaphore(%run_scoped3A : memref<!tpu.dma_semaphore, #tpu.memory_space<semaphore_mem>>) src(%dma_wait3A_56 : memref<800xi32, #tpu.memory_space<hbm>>) dst(%arg7 : memref<800xi32, #tpu.memory_space<vmem>>)
      tpu.yield
    }) : () -> ()
    "tpu.region"() ({
      %run_scoped3A = tpu.sem_alloc : memref<!tpu.dma_semaphore, #tpu.memory_space<semaphore_mem>>
      %dma_start3A = arith.constant 0 : i32
      %dma_start3A_55 = tpu.memref_slice %arg2[%mul3A_12, %dma_start3A] : memref<80000x48xf32, #tpu.memory_space<hbm>> -> memref<800x48xf32, #tpu.memory_space<hbm>>
      %dma_start3A_56 = arith.constant 0 : i32
      %dma_start3A_57 = tpu.memref_slice %arg2[%mul3A_12, %dma_start3A_56] : memref<80000x48xf32, #tpu.memory_space<hbm>> -> memref<800x48xf32, #tpu.memory_space<hbm>>
      tpu.enqueue_dma source(%dma_start3A_57 : memref<800x48xf32, #tpu.memory_space<hbm>>) target(%arg8 : memref<800x48xf32, #tpu.memory_space<vmem>>) target_semaphore(%run_scoped3A : memref<!tpu.dma_semaphore, #tpu.memory_space<semaphore_mem>>)
      %dma_wait3A = arith.constant 0 : i32
      %dma_wait3A_58 = tpu.memref_slice %arg2[%mul3A_12, %dma_wait3A] : memref<80000x48xf32, #tpu.memory_space<hbm>> -> memref<800x48xf32, #tpu.memory_space<hbm>>
      %dma_wait3A_59 = arith.constant 0 : i32
      %dma_wait3A_60 = tpu.memref_slice %arg2[%mul3A_12, %dma_wait3A_59] : memref<80000x48xf32, #tpu.memory_space<hbm>> -> memref<800x48xf32, #tpu.memory_space<hbm>>
      tpu.wait_dma2 semaphore(%run_scoped3A : memref<!tpu.dma_semaphore, #tpu.memory_space<semaphore_mem>>) src(%dma_wait3A_60 : memref<800x48xf32, #tpu.memory_space<hbm>>) dst(%arg8 : memref<800x48xf32, #tpu.memory_space<vmem>>)
      tpu.yield
    }) : () -> ()
    "tpu.region"() ({
      %run_scoped3A = tpu.sem_alloc : memref<!tpu.dma_semaphore, #tpu.memory_space<semaphore_mem>>
      %dma_start3A = arith.constant 0 : i32
      %dma_start3A_55 = arith.constant 0 : i32
      %dma_start3A_56 = tpu.memref_slice %arg9[%dma_start3A, %dma_start3A_55] : memref<10240x48xf32, #tpu.memory_space<vmem_shared>> -> memref<10240x48xf32, #tpu.memory_space<vmem_shared>>
      tpu.enqueue_indirect_dma source(%arg8 : memref<800x48xf32, #tpu.memory_space<vmem>>) target(%dma_start3A_56 : memref<10240x48xf32, #tpu.memory_space<vmem_shared>>) offsets(%arg7 : memref<800xi32, #tpu.memory_space<vmem>>) semaphore(%run_scoped3A : memref<!tpu.dma_semaphore, #tpu.memory_space<semaphore_mem>>) {add = true}
      %dma_wait3A = arith.constant 0 : i32
      %dma_wait3A_57 = arith.constant 0 : i32
      %dma_wait3A_58 = tpu.memref_slice %arg9[%dma_wait3A, %dma_wait3A_57] : memref<10240x48xf32, #tpu.memory_space<vmem_shared>> -> memref<10240x48xf32, #tpu.memory_space<vmem_shared>>
      tpu.wait_indirect_dma semaphore(%run_scoped3A : memref<!tpu.dma_semaphore, #tpu.memory_space<semaphore_mem>>) src(%arg8 : memref<800x48xf32, #tpu.memory_space<vmem>>) dst(%dma_wait3A_58 : memref<10240x48xf32, #tpu.memory_space<vmem_shared>>)
      tpu.yield
    }) : () -> ()
    %add3A_15 = arith.constant 64 : i32
    %add3A_16 = arith.addi %add3A, %add3A_15 : i32
    %mul3A_17 = arith.constant 800 : i32
    %mul3A_18 = arith.muli %add3A_16, %mul3A_17 : i32
    %add3A_19 = arith.constant 0 : i32
    %add3A_20 = arith.addi %add3A_19, %mul3A_18 : i32
    "tpu.region"() ({
      %run_scoped3A = tpu.sem_alloc : memref<!tpu.dma_semaphore, #tpu.memory_space<semaphore_mem>>
      %dma_start3A = tpu.memref_slice %arg4[%add3A_20] : memref<160000xi32, #tpu.memory_space<hbm>> -> memref<800xi32, #tpu.memory_space<hbm>>
      %dma_start3A_55 = tpu.memref_slice %arg4[%add3A_20] : memref<160000xi32, #tpu.memory_space<hbm>> -> memref<800xi32, #tpu.memory_space<hbm>>
      tpu.enqueue_dma source(%dma_start3A_55 : memref<800xi32, #tpu.memory_space<hbm>>) target(%arg7 : memref<800xi32, #tpu.memory_space<vmem>>) target_semaphore(%run_scoped3A : memref<!tpu.dma_semaphore, #tpu.memory_space<semaphore_mem>>)
      %dma_wait3A = tpu.memref_slice %arg4[%add3A_20] : memref<160000xi32, #tpu.memory_space<hbm>> -> memref<800xi32, #tpu.memory_space<hbm>>
      %dma_wait3A_56 = tpu.memref_slice %arg4[%add3A_20] : memref<160000xi32, #tpu.memory_space<hbm>> -> memref<800xi32, #tpu.memory_space<hbm>>
      tpu.wait_dma2 semaphore(%run_scoped3A : memref<!tpu.dma_semaphore, #tpu.memory_space<semaphore_mem>>) src(%dma_wait3A_56 : memref<800xi32, #tpu.memory_space<hbm>>) dst(%arg7 : memref<800xi32, #tpu.memory_space<vmem>>)
      tpu.yield
    }) : () -> ()
    "tpu.region"() ({
      %run_scoped3A = tpu.sem_alloc : memref<!tpu.dma_semaphore, #tpu.memory_space<semaphore_mem>>
      %dma_start3A = arith.constant 0 : i32
      %dma_start3A_55 = tpu.memref_slice %arg2[%mul3A_18, %dma_start3A] : memref<80000x48xf32, #tpu.memory_space<hbm>> -> memref<800x48xf32, #tpu.memory_space<hbm>>
      %dma_start3A_56 = arith.constant 0 : i32
      %dma_start3A_57 = tpu.memref_slice %arg2[%mul3A_18, %dma_start3A_56] : memref<80000x48xf32, #tpu.memory_space<hbm>> -> memref<800x48xf32, #tpu.memory_space<hbm>>
      tpu.enqueue_dma source(%dma_start3A_57 : memref<800x48xf32, #tpu.memory_space<hbm>>) target(%arg8 : memref<800x48xf32, #tpu.memory_space<vmem>>) target_semaphore(%run_scoped3A : memref<!tpu.dma_semaphore, #tpu.memory_space<semaphore_mem>>)
      %dma_wait3A = arith.constant 0 : i32
      %dma_wait3A_58 = tpu.memref_slice %arg2[%mul3A_18, %dma_wait3A] : memref<80000x48xf32, #tpu.memory_space<hbm>> -> memref<800x48xf32, #tpu.memory_space<hbm>>
      %dma_wait3A_59 = arith.constant 0 : i32
      %dma_wait3A_60 = tpu.memref_slice %arg2[%mul3A_18, %dma_wait3A_59] : memref<80000x48xf32, #tpu.memory_space<hbm>> -> memref<800x48xf32, #tpu.memory_space<hbm>>
      tpu.wait_dma2 semaphore(%run_scoped3A : memref<!tpu.dma_semaphore, #tpu.memory_space<semaphore_mem>>) src(%dma_wait3A_60 : memref<800x48xf32, #tpu.memory_space<hbm>>) dst(%arg8 : memref<800x48xf32, #tpu.memory_space<vmem>>)
      tpu.yield
    }) : () -> ()
    "tpu.region"() ({
      %run_scoped3A = tpu.sem_alloc : memref<!tpu.dma_semaphore, #tpu.memory_space<semaphore_mem>>
      %dma_start3A = arith.constant 0 : i32
      %dma_start3A_55 = arith.constant 0 : i32
      %dma_start3A_56 = tpu.memref_slice %arg9[%dma_start3A, %dma_start3A_55] : memref<10240x48xf32, #tpu.memory_space<vmem_shared>> -> memref<10240x48xf32, #tpu.memory_space<vmem_shared>>
      tpu.enqueue_indirect_dma source(%arg8 : memref<800x48xf32, #tpu.memory_space<vmem>>) target(%dma_start3A_56 : memref<10240x48xf32, #tpu.memory_space<vmem_shared>>) offsets(%arg7 : memref<800xi32, #tpu.memory_space<vmem>>) semaphore(%run_scoped3A : memref<!tpu.dma_semaphore, #tpu.memory_space<semaphore_mem>>) {add = true}
      %dma_wait3A = arith.constant 0 : i32
      %dma_wait3A_57 = arith.constant 0 : i32
      %dma_wait3A_58 = tpu.memref_slice %arg9[%dma_wait3A, %dma_wait3A_57] : memref<10240x48xf32, #tpu.memory_space<vmem_shared>> -> memref<10240x48xf32, #tpu.memory_space<vmem_shared>>
      tpu.wait_indirect_dma semaphore(%run_scoped3A : memref<!tpu.dma_semaphore, #tpu.memory_space<semaphore_mem>>) src(%arg8 : memref<800x48xf32, #tpu.memory_space<vmem>>) dst(%dma_wait3A_58 : memref<10240x48xf32, #tpu.memory_space<vmem_shared>>)
      tpu.yield
    }) : () -> ()
    %add3A_21 = arith.constant 96 : i32
    %add3A_22 = arith.addi %add3A, %add3A_21 : i32
    %lt3A = arith.constant 100 : i32
    %lt3A_23 = arith.cmpi slt, %add3A_22, %lt3A : i32
    %convert_element_type3A = arith.extui %lt3A_23 : i1 to i32
    %cond3A = arith.constant 0 : i32
    %cond3A_24 = arith.cmpi ne, %convert_element_type3A, %cond3A : i32
    scf.if %cond3A_24 {
      %mul3A_55 = arith.constant 800 : i32
      %mul3A_56 = arith.muli %add3A_22, %mul3A_55 : i32
      %add3A_57 = arith.constant 0 : i32
      %add3A_58 = arith.addi %add3A_57, %mul3A_56 : i32
      "tpu.region"() ({
        %run_scoped3A = tpu.sem_alloc : memref<!tpu.dma_semaphore, #tpu.memory_space<semaphore_mem>>
        %dma_start3A = tpu.memref_slice %arg4[%add3A_58] : memref<160000xi32, #tpu.memory_space<hbm>> -> memref<800xi32, #tpu.memory_space<hbm>>
        %dma_start3A_59 = tpu.memref_slice %arg4[%add3A_58] : memref<160000xi32, #tpu.memory_space<hbm>> -> memref<800xi32, #tpu.memory_space<hbm>>
        tpu.enqueue_dma source(%dma_start3A_59 : memref<800xi32, #tpu.memory_space<hbm>>) target(%arg7 : memref<800xi32, #tpu.memory_space<vmem>>) target_semaphore(%run_scoped3A : memref<!tpu.dma_semaphore, #tpu.memory_space<semaphore_mem>>)
        %dma_wait3A = tpu.memref_slice %arg4[%add3A_58] : memref<160000xi32, #tpu.memory_space<hbm>> -> memref<800xi32, #tpu.memory_space<hbm>>
        %dma_wait3A_60 = tpu.memref_slice %arg4[%add3A_58] : memref<160000xi32, #tpu.memory_space<hbm>> -> memref<800xi32, #tpu.memory_space<hbm>>
        tpu.wait_dma2 semaphore(%run_scoped3A : memref<!tpu.dma_semaphore, #tpu.memory_space<semaphore_mem>>) src(%dma_wait3A_60 : memref<800xi32, #tpu.memory_space<hbm>>) dst(%arg7 : memref<800xi32, #tpu.memory_space<vmem>>)
        tpu.yield
      }) : () -> ()
      "tpu.region"() ({
        %run_scoped3A = tpu.sem_alloc : memref<!tpu.dma_semaphore, #tpu.memory_space<semaphore_mem>>
        %dma_start3A = arith.constant 0 : i32
        %dma_start3A_59 = tpu.memref_slice %arg2[%mul3A_56, %dma_start3A] : memref<80000x48xf32, #tpu.memory_space<hbm>> -> memref<800x48xf32, #tpu.memory_space<hbm>>
        %dma_start3A_60 = arith.constant 0 : i32
        %dma_start3A_61 = tpu.memref_slice %arg2[%mul3A_56, %dma_start3A_60] : memref<80000x48xf32, #tpu.memory_space<hbm>> -> memref<800x48xf32, #tpu.memory_space<hbm>>
        tpu.enqueue_dma source(%dma_start3A_61 : memref<800x48xf32, #tpu.memory_space<hbm>>) target(%arg8 : memref<800x48xf32, #tpu.memory_space<vmem>>) target_semaphore(%run_scoped3A : memref<!tpu.dma_semaphore, #tpu.memory_space<semaphore_mem>>)
        %dma_wait3A = arith.constant 0 : i32
        %dma_wait3A_62 = tpu.memref_slice %arg2[%mul3A_56, %dma_wait3A] : memref<80000x48xf32, #tpu.memory_space<hbm>> -> memref<800x48xf32, #tpu.memory_space<hbm>>
        %dma_wait3A_63 = arith.constant 0 : i32
        %dma_wait3A_64 = tpu.memref_slice %arg2[%mul3A_56, %dma_wait3A_63] : memref<80000x48xf32, #tpu.memory_space<hbm>> -> memref<800x48xf32, #tpu.memory_space<hbm>>
        tpu.wait_dma2 semaphore(%run_scoped3A : memref<!tpu.dma_semaphore, #tpu.memory_space<semaphore_mem>>) src(%dma_wait3A_64 : memref<800x48xf32, #tpu.memory_space<hbm>>) dst(%arg8 : memref<800x48xf32, #tpu.memory_space<vmem>>)
        tpu.yield
      }) : () -> ()
      "tpu.region"() ({
        %run_scoped3A = tpu.sem_alloc : memref<!tpu.dma_semaphore, #tpu.memory_space<semaphore_mem>>
        %dma_start3A = arith.constant 0 : i32
        %dma_start3A_59 = arith.constant 0 : i32
        %dma_start3A_60 = tpu.memref_slice %arg9[%dma_start3A, %dma_start3A_59] : memref<10240x48xf32, #tpu.memory_space<vmem_shared>> -> memref<10240x48xf32, #tpu.memory_space<vmem_shared>>
        tpu.enqueue_indirect_dma source(%arg8 : memref<800x48xf32, #tpu.memory_space<vmem>>) target(%dma_start3A_60 : memref<10240x48xf32, #tpu.memory_space<vmem_shared>>) offsets(%arg7 : memref<800xi32, #tpu.memory_space<vmem>>) semaphore(%run_scoped3A : memref<!tpu.dma_semaphore, #tpu.memory_space<semaphore_mem>>) {add = true}
        %dma_wait3A = arith.constant 0 : i32
        %dma_wait3A_61 = arith.constant 0 : i32
        %dma_wait3A_62 = tpu.memref_slice %arg9[%dma_wait3A, %dma_wait3A_61] : memref<10240x48xf32, #tpu.memory_space<vmem_shared>> -> memref<10240x48xf32, #tpu.memory_space<vmem_shared>>
        tpu.wait_indirect_dma semaphore(%run_scoped3A : memref<!tpu.dma_semaphore, #tpu.memory_space<semaphore_mem>>) src(%arg8 : memref<800x48xf32, #tpu.memory_space<vmem>>) dst(%dma_wait3A_62 : memref<10240x48xf32, #tpu.memory_space<vmem_shared>>)
        tpu.yield
      }) : () -> ()
    } else {
    }
    %add3A_25 = arith.constant 0 : i32
    %add3A_26 = arith.addi %add3A, %add3A_25 : i32
    %mul3A_27 = arith.constant 800 : i32
    %mul3A_28 = arith.muli %add3A_26, %mul3A_27 : i32
    %add3A_29 = arith.constant 80000 : i32
    %add3A_30 = arith.addi %add3A_29, %mul3A_28 : i32
    "tpu.region"() ({
      %run_scoped3A = tpu.sem_alloc : memref<!tpu.dma_semaphore, #tpu.memory_space<semaphore_mem>>
      %dma_start3A = tpu.memref_slice %arg4[%add3A_30] : memref<160000xi32, #tpu.memory_space<hbm>> -> memref<800xi32, #tpu.memory_space<hbm>>
      %dma_start3A_55 = tpu.memref_slice %arg4[%add3A_30] : memref<160000xi32, #tpu.memory_space<hbm>> -> memref<800xi32, #tpu.memory_space<hbm>>
      tpu.enqueue_dma source(%dma_start3A_55 : memref<800xi32, #tpu.memory_space<hbm>>) target(%arg7 : memref<800xi32, #tpu.memory_space<vmem>>) target_semaphore(%run_scoped3A : memref<!tpu.dma_semaphore, #tpu.memory_space<semaphore_mem>>)
      %dma_wait3A = tpu.memref_slice %arg4[%add3A_30] : memref<160000xi32, #tpu.memory_space<hbm>> -> memref<800xi32, #tpu.memory_space<hbm>>
      %dma_wait3A_56 = tpu.memref_slice %arg4[%add3A_30] : memref<160000xi32, #tpu.memory_space<hbm>> -> memref<800xi32, #tpu.memory_space<hbm>>
      tpu.wait_dma2 semaphore(%run_scoped3A : memref<!tpu.dma_semaphore, #tpu.memory_space<semaphore_mem>>) src(%dma_wait3A_56 : memref<800xi32, #tpu.memory_space<hbm>>) dst(%arg7 : memref<800xi32, #tpu.memory_space<vmem>>)
      tpu.yield
    }) : () -> ()
    "tpu.region"() ({
      %run_scoped3A = tpu.sem_alloc : memref<!tpu.dma_semaphore, #tpu.memory_space<semaphore_mem>>
      %dma_start3A = arith.constant 0 : i32
      %dma_start3A_55 = tpu.memref_slice %arg3[%mul3A_28, %dma_start3A] : memref<80000x48xf32, #tpu.memory_space<hbm>> -> memref<800x48xf32, #tpu.memory_space<hbm>>
      %dma_start3A_56 = arith.constant 0 : i32
      %dma_start3A_57 = tpu.memref_slice %arg3[%mul3A_28, %dma_start3A_56] : memref<80000x48xf32, #tpu.memory_space<hbm>> -> memref<800x48xf32, #tpu.memory_space<hbm>>
      tpu.enqueue_dma source(%dma_start3A_57 : memref<800x48xf32, #tpu.memory_space<hbm>>) target(%arg8 : memref<800x48xf32, #tpu.memory_space<vmem>>) target_semaphore(%run_scoped3A : memref<!tpu.dma_semaphore, #tpu.memory_space<semaphore_mem>>)
      %dma_wait3A = arith.constant 0 : i32
      %dma_wait3A_58 = tpu.memref_slice %arg3[%mul3A_28, %dma_wait3A] : memref<80000x48xf32, #tpu.memory_space<hbm>> -> memref<800x48xf32, #tpu.memory_space<hbm>>
      %dma_wait3A_59 = arith.constant 0 : i32
      %dma_wait3A_60 = tpu.memref_slice %arg3[%mul3A_28, %dma_wait3A_59] : memref<80000x48xf32, #tpu.memory_space<hbm>> -> memref<800x48xf32, #tpu.memory_space<hbm>>
      tpu.wait_dma2 semaphore(%run_scoped3A : memref<!tpu.dma_semaphore, #tpu.memory_space<semaphore_mem>>) src(%dma_wait3A_60 : memref<800x48xf32, #tpu.memory_space<hbm>>) dst(%arg8 : memref<800x48xf32, #tpu.memory_space<vmem>>)
      tpu.yield
    }) : () -> ()
    "tpu.region"() ({
      %run_scoped3A = tpu.sem_alloc : memref<!tpu.dma_semaphore, #tpu.memory_space<semaphore_mem>>
      %dma_start3A = arith.constant 0 : i32
      %dma_start3A_55 = arith.constant 0 : i32
      %dma_start3A_56 = tpu.memref_slice %arg9[%dma_start3A, %dma_start3A_55] : memref<10240x48xf32, #tpu.memory_space<vmem_shared>> -> memref<10240x48xf32, #tpu.memory_space<vmem_shared>>
      tpu.enqueue_indirect_dma source(%arg8 : memref<800x48xf32, #tpu.memory_space<vmem>>) target(%dma_start3A_56 : memref<10240x48xf32, #tpu.memory_space<vmem_shared>>) offsets(%arg7 : memref<800xi32, #tpu.memory_space<vmem>>) semaphore(%run_scoped3A : memref<!tpu.dma_semaphore, #tpu.memory_space<semaphore_mem>>) {add = true}
      %dma_wait3A = arith.constant 0 : i32
      %dma_wait3A_57 = arith.constant 0 : i32
      %dma_wait3A_58 = tpu.memref_slice %arg9[%dma_wait3A, %dma_wait3A_57] : memref<10240x48xf32, #tpu.memory_space<vmem_shared>> -> memref<10240x48xf32, #tpu.memory_space<vmem_shared>>
      tpu.wait_indirect_dma semaphore(%run_scoped3A : memref<!tpu.dma_semaphore, #tpu.memory_space<semaphore_mem>>) src(%arg8 : memref<800x48xf32, #tpu.memory_space<vmem>>) dst(%dma_wait3A_58 : memref<10240x48xf32, #tpu.memory_space<vmem_shared>>)
      tpu.yield
    }) : () -> ()
    %add3A_31 = arith.constant 32 : i32
    %add3A_32 = arith.addi %add3A, %add3A_31 : i32
    %mul3A_33 = arith.constant 800 : i32
    %mul3A_34 = arith.muli %add3A_32, %mul3A_33 : i32
    %add3A_35 = arith.constant 80000 : i32
    %add3A_36 = arith.addi %add3A_35, %mul3A_34 : i32
    "tpu.region"() ({
      %run_scoped3A = tpu.sem_alloc : memref<!tpu.dma_semaphore, #tpu.memory_space<semaphore_mem>>
      %dma_start3A = tpu.memref_slice %arg4[%add3A_36] : memref<160000xi32, #tpu.memory_space<hbm>> -> memref<800xi32, #tpu.memory_space<hbm>>
      %dma_start3A_55 = tpu.memref_slice %arg4[%add3A_36] : memref<160000xi32, #tpu.memory_space<hbm>> -> memref<800xi32, #tpu.memory_space<hbm>>
      tpu.enqueue_dma source(%dma_start3A_55 : memref<800xi32, #tpu.memory_space<hbm>>) target(%arg7 : memref<800xi32, #tpu.memory_space<vmem>>) target_semaphore(%run_scoped3A : memref<!tpu.dma_semaphore, #tpu.memory_space<semaphore_mem>>)
      %dma_wait3A = tpu.memref_slice %arg4[%add3A_36] : memref<160000xi32, #tpu.memory_space<hbm>> -> memref<800xi32, #tpu.memory_space<hbm>>
      %dma_wait3A_56 = tpu.memref_slice %arg4[%add3A_36] : memref<160000xi32, #tpu.memory_space<hbm>> -> memref<800xi32, #tpu.memory_space<hbm>>
      tpu.wait_dma2 semaphore(%run_scoped3A : memref<!tpu.dma_semaphore, #tpu.memory_space<semaphore_mem>>) src(%dma_wait3A_56 : memref<800xi32, #tpu.memory_space<hbm>>) dst(%arg7 : memref<800xi32, #tpu.memory_space<vmem>>)
      tpu.yield
    }) : () -> ()
    "tpu.region"() ({
      %run_scoped3A = tpu.sem_alloc : memref<!tpu.dma_semaphore, #tpu.memory_space<semaphore_mem>>
      %dma_start3A = arith.constant 0 : i32
      %dma_start3A_55 = tpu.memref_slice %arg3[%mul3A_34, %dma_start3A] : memref<80000x48xf32, #tpu.memory_space<hbm>> -> memref<800x48xf32, #tpu.memory_space<hbm>>
      %dma_start3A_56 = arith.constant 0 : i32
      %dma_start3A_57 = tpu.memref_slice %arg3[%mul3A_34, %dma_start3A_56] : memref<80000x48xf32, #tpu.memory_space<hbm>> -> memref<800x48xf32, #tpu.memory_space<hbm>>
      tpu.enqueue_dma source(%dma_start3A_57 : memref<800x48xf32, #tpu.memory_space<hbm>>) target(%arg8 : memref<800x48xf32, #tpu.memory_space<vmem>>) target_semaphore(%run_scoped3A : memref<!tpu.dma_semaphore, #tpu.memory_space<semaphore_mem>>)
      %dma_wait3A = arith.constant 0 : i32
      %dma_wait3A_58 = tpu.memref_slice %arg3[%mul3A_34, %dma_wait3A] : memref<80000x48xf32, #tpu.memory_space<hbm>> -> memref<800x48xf32, #tpu.memory_space<hbm>>
      %dma_wait3A_59 = arith.constant 0 : i32
      %dma_wait3A_60 = tpu.memref_slice %arg3[%mul3A_34, %dma_wait3A_59] : memref<80000x48xf32, #tpu.memory_space<hbm>> -> memref<800x48xf32, #tpu.memory_space<hbm>>
      tpu.wait_dma2 semaphore(%run_scoped3A : memref<!tpu.dma_semaphore, #tpu.memory_space<semaphore_mem>>) src(%dma_wait3A_60 : memref<800x48xf32, #tpu.memory_space<hbm>>) dst(%arg8 : memref<800x48xf32, #tpu.memory_space<vmem>>)
      tpu.yield
    }) : () -> ()
    "tpu.region"() ({
      %run_scoped3A = tpu.sem_alloc : memref<!tpu.dma_semaphore, #tpu.memory_space<semaphore_mem>>
      %dma_start3A = arith.constant 0 : i32
      %dma_start3A_55 = arith.constant 0 : i32
      %dma_start3A_56 = tpu.memref_slice %arg9[%dma_start3A, %dma_start3A_55] : memref<10240x48xf32, #tpu.memory_space<vmem_shared>> -> memref<10240x48xf32, #tpu.memory_space<vmem_shared>>
      tpu.enqueue_indirect_dma source(%arg8 : memref<800x48xf32, #tpu.memory_space<vmem>>) target(%dma_start3A_56 : memref<10240x48xf32, #tpu.memory_space<vmem_shared>>) offsets(%arg7 : memref<800xi32, #tpu.memory_space<vmem>>) semaphore(%run_scoped3A : memref<!tpu.dma_semaphore, #tpu.memory_space<semaphore_mem>>) {add = true}
      %dma_wait3A = arith.constant 0 : i32
      %dma_wait3A_57 = arith.constant 0 : i32
      %dma_wait3A_58 = tpu.memref_slice %arg9[%dma_wait3A, %dma_wait3A_57] : memref<10240x48xf32, #tpu.memory_space<vmem_shared>> -> memref<10240x48xf32, #tpu.memory_space<vmem_shared>>
      tpu.wait_indirect_dma semaphore(%run_scoped3A : memref<!tpu.dma_semaphore, #tpu.memory_space<semaphore_mem>>) src(%arg8 : memref<800x48xf32, #tpu.memory_space<vmem>>) dst(%dma_wait3A_58 : memref<10240x48xf32, #tpu.memory_space<vmem_shared>>)
      tpu.yield
    }) : () -> ()
    %add3A_37 = arith.constant 64 : i32
    %add3A_38 = arith.addi %add3A, %add3A_37 : i32
    %mul3A_39 = arith.constant 800 : i32
    %mul3A_40 = arith.muli %add3A_38, %mul3A_39 : i32
    %add3A_41 = arith.constant 80000 : i32
    %add3A_42 = arith.addi %add3A_41, %mul3A_40 : i32
    "tpu.region"() ({
      %run_scoped3A = tpu.sem_alloc : memref<!tpu.dma_semaphore, #tpu.memory_space<semaphore_mem>>
      %dma_start3A = tpu.memref_slice %arg4[%add3A_42] : memref<160000xi32, #tpu.memory_space<hbm>> -> memref<800xi32, #tpu.memory_space<hbm>>
      %dma_start3A_55 = tpu.memref_slice %arg4[%add3A_42] : memref<160000xi32, #tpu.memory_space<hbm>> -> memref<800xi32, #tpu.memory_space<hbm>>
      tpu.enqueue_dma source(%dma_start3A_55 : memref<800xi32, #tpu.memory_space<hbm>>) target(%arg7 : memref<800xi32, #tpu.memory_space<vmem>>) target_semaphore(%run_scoped3A : memref<!tpu.dma_semaphore, #tpu.memory_space<semaphore_mem>>)
      %dma_wait3A = tpu.memref_slice %arg4[%add3A_42] : memref<160000xi32, #tpu.memory_space<hbm>> -> memref<800xi32, #tpu.memory_space<hbm>>
      %dma_wait3A_56 = tpu.memref_slice %arg4[%add3A_42] : memref<160000xi32, #tpu.memory_space<hbm>> -> memref<800xi32, #tpu.memory_space<hbm>>
      tpu.wait_dma2 semaphore(%run_scoped3A : memref<!tpu.dma_semaphore, #tpu.memory_space<semaphore_mem>>) src(%dma_wait3A_56 : memref<800xi32, #tpu.memory_space<hbm>>) dst(%arg7 : memref<800xi32, #tpu.memory_space<vmem>>)
      tpu.yield
    }) : () -> ()
    "tpu.region"() ({
      %run_scoped3A = tpu.sem_alloc : memref<!tpu.dma_semaphore, #tpu.memory_space<semaphore_mem>>
      %dma_start3A = arith.constant 0 : i32
      %dma_start3A_55 = tpu.memref_slice %arg3[%mul3A_40, %dma_start3A] : memref<80000x48xf32, #tpu.memory_space<hbm>> -> memref<800x48xf32, #tpu.memory_space<hbm>>
      %dma_start3A_56 = arith.constant 0 : i32
      %dma_start3A_57 = tpu.memref_slice %arg3[%mul3A_40, %dma_start3A_56] : memref<80000x48xf32, #tpu.memory_space<hbm>> -> memref<800x48xf32, #tpu.memory_space<hbm>>
      tpu.enqueue_dma source(%dma_start3A_57 : memref<800x48xf32, #tpu.memory_space<hbm>>) target(%arg8 : memref<800x48xf32, #tpu.memory_space<vmem>>) target_semaphore(%run_scoped3A : memref<!tpu.dma_semaphore, #tpu.memory_space<semaphore_mem>>)
      %dma_wait3A = arith.constant 0 : i32
      %dma_wait3A_58 = tpu.memref_slice %arg3[%mul3A_40, %dma_wait3A] : memref<80000x48xf32, #tpu.memory_space<hbm>> -> memref<800x48xf32, #tpu.memory_space<hbm>>
      %dma_wait3A_59 = arith.constant 0 : i32
      %dma_wait3A_60 = tpu.memref_slice %arg3[%mul3A_40, %dma_wait3A_59] : memref<80000x48xf32, #tpu.memory_space<hbm>> -> memref<800x48xf32, #tpu.memory_space<hbm>>
      tpu.wait_dma2 semaphore(%run_scoped3A : memref<!tpu.dma_semaphore, #tpu.memory_space<semaphore_mem>>) src(%dma_wait3A_60 : memref<800x48xf32, #tpu.memory_space<hbm>>) dst(%arg8 : memref<800x48xf32, #tpu.memory_space<vmem>>)
      tpu.yield
    }) : () -> ()
    "tpu.region"() ({
      %run_scoped3A = tpu.sem_alloc : memref<!tpu.dma_semaphore, #tpu.memory_space<semaphore_mem>>
      %dma_start3A = arith.constant 0 : i32
      %dma_start3A_55 = arith.constant 0 : i32
      %dma_start3A_56 = tpu.memref_slice %arg9[%dma_start3A, %dma_start3A_55] : memref<10240x48xf32, #tpu.memory_space<vmem_shared>> -> memref<10240x48xf32, #tpu.memory_space<vmem_shared>>
      tpu.enqueue_indirect_dma source(%arg8 : memref<800x48xf32, #tpu.memory_space<vmem>>) target(%dma_start3A_56 : memref<10240x48xf32, #tpu.memory_space<vmem_shared>>) offsets(%arg7 : memref<800xi32, #tpu.memory_space<vmem>>) semaphore(%run_scoped3A : memref<!tpu.dma_semaphore, #tpu.memory_space<semaphore_mem>>) {add = true}
      %dma_wait3A = arith.constant 0 : i32
      %dma_wait3A_57 = arith.constant 0 : i32
      %dma_wait3A_58 = tpu.memref_slice %arg9[%dma_wait3A, %dma_wait3A_57] : memref<10240x48xf32, #tpu.memory_space<vmem_shared>> -> memref<10240x48xf32, #tpu.memory_space<vmem_shared>>
      tpu.wait_indirect_dma semaphore(%run_scoped3A : memref<!tpu.dma_semaphore, #tpu.memory_space<semaphore_mem>>) src(%arg8 : memref<800x48xf32, #tpu.memory_space<vmem>>) dst(%dma_wait3A_58 : memref<10240x48xf32, #tpu.memory_space<vmem_shared>>)
      tpu.yield
    }) : () -> ()
    %add3A_43 = arith.constant 96 : i32
    %add3A_44 = arith.addi %add3A, %add3A_43 : i32
    %lt3A_45 = arith.constant 100 : i32
    %lt3A_46 = arith.cmpi slt, %add3A_44, %lt3A_45 : i32
    %convert_element_type3A_47 = arith.extui %lt3A_46 : i1 to i32
    %cond3A_48 = arith.constant 0 : i32
    %cond3A_49 = arith.cmpi ne, %convert_element_type3A_47, %cond3A_48 : i32
    scf.if %cond3A_49 {
      %mul3A_55 = arith.constant 800 : i32
      %mul3A_56 = arith.muli %add3A_44, %mul3A_55 : i32
      %add3A_57 = arith.constant 80000 : i32
      %add3A_58 = arith.addi %add3A_57, %mul3A_56 : i32
      "tpu.region"() ({
        %run_scoped3A = tpu.sem_alloc : memref<!tpu.dma_semaphore, #tpu.memory_space<semaphore_mem>>
        %dma_start3A = tpu.memref_slice %arg4[%add3A_58] : memref<160000xi32, #tpu.memory_space<hbm>> -> memref<800xi32, #tpu.memory_space<hbm>>
        %dma_start3A_59 = tpu.memref_slice %arg4[%add3A_58] : memref<160000xi32, #tpu.memory_space<hbm>> -> memref<800xi32, #tpu.memory_space<hbm>>
        tpu.enqueue_dma source(%dma_start3A_59 : memref<800xi32, #tpu.memory_space<hbm>>) target(%arg7 : memref<800xi32, #tpu.memory_space<vmem>>) target_semaphore(%run_scoped3A : memref<!tpu.dma_semaphore, #tpu.memory_space<semaphore_mem>>)
        %dma_wait3A = tpu.memref_slice %arg4[%add3A_58] : memref<160000xi32, #tpu.memory_space<hbm>> -> memref<800xi32, #tpu.memory_space<hbm>>
        %dma_wait3A_60 = tpu.memref_slice %arg4[%add3A_58] : memref<160000xi32, #tpu.memory_space<hbm>> -> memref<800xi32, #tpu.memory_space<hbm>>
        tpu.wait_dma2 semaphore(%run_scoped3A : memref<!tpu.dma_semaphore, #tpu.memory_space<semaphore_mem>>) src(%dma_wait3A_60 : memref<800xi32, #tpu.memory_space<hbm>>) dst(%arg7 : memref<800xi32, #tpu.memory_space<vmem>>)
        tpu.yield
      }) : () -> ()
      "tpu.region"() ({
        %run_scoped3A = tpu.sem_alloc : memref<!tpu.dma_semaphore, #tpu.memory_space<semaphore_mem>>
        %dma_start3A = arith.constant 0 : i32
        %dma_start3A_59 = tpu.memref_slice %arg3[%mul3A_56, %dma_start3A] : memref<80000x48xf32, #tpu.memory_space<hbm>> -> memref<800x48xf32, #tpu.memory_space<hbm>>
        %dma_start3A_60 = arith.constant 0 : i32
        %dma_start3A_61 = tpu.memref_slice %arg3[%mul3A_56, %dma_start3A_60] : memref<80000x48xf32, #tpu.memory_space<hbm>> -> memref<800x48xf32, #tpu.memory_space<hbm>>
        tpu.enqueue_dma source(%dma_start3A_61 : memref<800x48xf32, #tpu.memory_space<hbm>>) target(%arg8 : memref<800x48xf32, #tpu.memory_space<vmem>>) target_semaphore(%run_scoped3A : memref<!tpu.dma_semaphore, #tpu.memory_space<semaphore_mem>>)
        %dma_wait3A = arith.constant 0 : i32
        %dma_wait3A_62 = tpu.memref_slice %arg3[%mul3A_56, %dma_wait3A] : memref<80000x48xf32, #tpu.memory_space<hbm>> -> memref<800x48xf32, #tpu.memory_space<hbm>>
        %dma_wait3A_63 = arith.constant 0 : i32
        %dma_wait3A_64 = tpu.memref_slice %arg3[%mul3A_56, %dma_wait3A_63] : memref<80000x48xf32, #tpu.memory_space<hbm>> -> memref<800x48xf32, #tpu.memory_space<hbm>>
        tpu.wait_dma2 semaphore(%run_scoped3A : memref<!tpu.dma_semaphore, #tpu.memory_space<semaphore_mem>>) src(%dma_wait3A_64 : memref<800x48xf32, #tpu.memory_space<hbm>>) dst(%arg8 : memref<800x48xf32, #tpu.memory_space<vmem>>)
        tpu.yield
      }) : () -> ()
      "tpu.region"() ({
        %run_scoped3A = tpu.sem_alloc : memref<!tpu.dma_semaphore, #tpu.memory_space<semaphore_mem>>
        %dma_start3A = arith.constant 0 : i32
        %dma_start3A_59 = arith.constant 0 : i32
        %dma_start3A_60 = tpu.memref_slice %arg9[%dma_start3A, %dma_start3A_59] : memref<10240x48xf32, #tpu.memory_space<vmem_shared>> -> memref<10240x48xf32, #tpu.memory_space<vmem_shared>>
        tpu.enqueue_indirect_dma source(%arg8 : memref<800x48xf32, #tpu.memory_space<vmem>>) target(%dma_start3A_60 : memref<10240x48xf32, #tpu.memory_space<vmem_shared>>) offsets(%arg7 : memref<800xi32, #tpu.memory_space<vmem>>) semaphore(%run_scoped3A : memref<!tpu.dma_semaphore, #tpu.memory_space<semaphore_mem>>) {add = true}
        %dma_wait3A = arith.constant 0 : i32
        %dma_wait3A_61 = arith.constant 0 : i32
        %dma_wait3A_62 = tpu.memref_slice %arg9[%dma_wait3A, %dma_wait3A_61] : memref<10240x48xf32, #tpu.memory_space<vmem_shared>> -> memref<10240x48xf32, #tpu.memory_space<vmem_shared>>
        tpu.wait_indirect_dma semaphore(%run_scoped3A : memref<!tpu.dma_semaphore, #tpu.memory_space<semaphore_mem>>) src(%arg8 : memref<800x48xf32, #tpu.memory_space<vmem>>) dst(%dma_wait3A_62 : memref<10240x48xf32, #tpu.memory_space<vmem_shared>>)
        tpu.yield
      }) : () -> ()
    } else {
    }
    %barrier3A_50 = arith.constant 0 : index
    tpu.barrier barrier_id(%barrier3A_50)
    %mul3A_51 = arith.constant 640 : i32
    %mul3A_52 = arith.muli %arg1, %mul3A_51 : i32
    %mul3A_53 = arith.constant 640 : i32
    %mul3A_54 = arith.muli %arg1, %mul3A_53 : i32
    "tpu.region"() ({
      %run_scoped3A = tpu.sem_alloc : memref<!tpu.dma_semaphore, #tpu.memory_space<semaphore_mem>>
      %dma_start3A = arith.constant 0 : i32
      %dma_start3A_55 = tpu.memref_slice %arg6[%arg0, %mul3A_54, %dma_start3A] : memref<2x10240x48xf32, #tpu.memory_space<hbm>> -> memref<1x640x48xf32, #tpu.memory_space<hbm>>
      %dma_start3A_56 = tpu.memref_squeeze %dma_start3A_55 : memref<1x640x48xf32, #tpu.memory_space<hbm>> -> memref<640x48xf32, #tpu.memory_space<hbm>>
      %dma_start3A_57 = arith.constant 0 : i32
      %dma_start3A_58 = tpu.memref_slice %arg9[%mul3A_52, %dma_start3A_57] : memref<10240x48xf32, #tpu.memory_space<vmem_shared>> -> memref<640x48xf32, #tpu.memory_space<vmem_shared>>
      tpu.enqueue_dma source(%dma_start3A_58 : memref<640x48xf32, #tpu.memory_space<vmem_shared>>) target(%dma_start3A_56 : memref<640x48xf32, #tpu.memory_space<hbm>>) target_semaphore(%run_scoped3A : memref<!tpu.dma_semaphore, #tpu.memory_space<semaphore_mem>>)
      %dma_wait3A = arith.constant 0 : i32
      %dma_wait3A_59 = tpu.memref_slice %arg6[%arg0, %mul3A_54, %dma_wait3A] : memref<2x10240x48xf32, #tpu.memory_space<hbm>> -> memref<1x640x48xf32, #tpu.memory_space<hbm>>
      %dma_wait3A_60 = tpu.memref_squeeze %dma_wait3A_59 : memref<1x640x48xf32, #tpu.memory_space<hbm>> -> memref<640x48xf32, #tpu.memory_space<hbm>>
      %dma_wait3A_61 = arith.constant 0 : i32
      %dma_wait3A_62 = tpu.memref_slice %arg9[%mul3A_52, %dma_wait3A_61] : memref<10240x48xf32, #tpu.memory_space<vmem_shared>> -> memref<640x48xf32, #tpu.memory_space<vmem_shared>>
      tpu.wait_dma2 semaphore(%run_scoped3A : memref<!tpu.dma_semaphore, #tpu.memory_space<semaphore_mem>>) src(%dma_wait3A_62 : memref<640x48xf32, #tpu.memory_space<vmem_shared>>) dst(%dma_wait3A_60 : memref<640x48xf32, #tpu.memory_space<hbm>>)
      tpu.yield
    }) : () -> ()
    return
  }
}

#map = affine_map<(d0, d1) -> (0, 0)>
#map1 = affine_map<(d0, d1) -> (0)>
module attributes {stable_mosaic.version = 14 : i64} {
  func.func @body(%arg0: i32, %arg1: i32, %arg2: memref<10000x128xf32, #tpu.memory_space<hbm>>, %arg3: memref<160000xi32, #tpu.memory_space<hbm>>, %arg4: memref<80000x128xf32, #tpu.memory_space<hbm>>, %arg5: memref<800xi32, #tpu.memory_space<vmem>>, %arg6: memref<800x128xf32, #tpu.memory_space<vmem>>, %arg7: memref<!tpu.dma_semaphore, #tpu.memory_space<semaphore_mem>>) attributes {dimension_semantics = [#tpu.dimension_semantics<core_parallel>, #tpu.dimension_semantics<subcore_parallel>], iteration_bounds = array<i64: 2, 16>, scalar_prefetch = 0 : i64, scratch_operands = 3 : i64, tpu.core_type = #tpu.core_type<sc_vector_subcore>, window_params = [{transform_indices = #map}, {transform_indices = #map1}, {transform_indices = #map}]} {
    %mul3A = arith.constant 2 : i32
    %mul3A_0 = arith.muli %arg1, %mul3A : i32
    %add3A = arith.addi %mul3A_0, %arg0 : i32
    %add3A_1 = arith.constant 0 : i32
    %add3A_2 = arith.addi %add3A, %add3A_1 : i32
    %mul3A_3 = arith.constant 800 : i32
    %mul3A_4 = arith.muli %add3A_2, %mul3A_3 : i32
    %add3A_5 = arith.constant 80000 : i32
    %add3A_6 = arith.addi %add3A_5, %mul3A_4 : i32
    "tpu.region"() ({
      %run_scoped3A = tpu.sem_alloc : memref<!tpu.dma_semaphore, #tpu.memory_space<semaphore_mem>>
      %dma_start3A_39 = tpu.memref_slice %arg3[%add3A_6] : memref<160000xi32, #tpu.memory_space<hbm>> -> memref<800xi32, #tpu.memory_space<hbm>>
      %dma_start3A_40 = tpu.memref_slice %arg3[%add3A_6] : memref<160000xi32, #tpu.memory_space<hbm>> -> memref<800xi32, #tpu.memory_space<hbm>>
      tpu.enqueue_dma source(%dma_start3A_40 : memref<800xi32, #tpu.memory_space<hbm>>) target(%arg5 : memref<800xi32, #tpu.memory_space<vmem>>) target_semaphore(%run_scoped3A : memref<!tpu.dma_semaphore, #tpu.memory_space<semaphore_mem>>)
      %dma_wait3A_41 = tpu.memref_slice %arg3[%add3A_6] : memref<160000xi32, #tpu.memory_space<hbm>> -> memref<800xi32, #tpu.memory_space<hbm>>
      %dma_wait3A_42 = tpu.memref_slice %arg3[%add3A_6] : memref<160000xi32, #tpu.memory_space<hbm>> -> memref<800xi32, #tpu.memory_space<hbm>>
      tpu.wait_dma2 semaphore(%run_scoped3A : memref<!tpu.dma_semaphore, #tpu.memory_space<semaphore_mem>>) src(%dma_wait3A_42 : memref<800xi32, #tpu.memory_space<hbm>>) dst(%arg5 : memref<800xi32, #tpu.memory_space<vmem>>)
      tpu.yield
    }) : () -> ()
    %dma_start3A = arith.constant 0 : i32
    %dma_start3A_7 = arith.constant 0 : i32
    %dma_start3A_8 = tpu.memref_slice %arg2[%dma_start3A, %dma_start3A_7] : memref<10000x128xf32, #tpu.memory_space<hbm>> -> memref<10000x128xf32, #tpu.memory_space<hbm>>
    tpu.enqueue_indirect_dma source(%dma_start3A_8 : memref<10000x128xf32, #tpu.memory_space<hbm>>) target(%arg6 : memref<800x128xf32, #tpu.memory_space<vmem>>) offsets(%arg5 : memref<800xi32, #tpu.memory_space<vmem>>) semaphore(%arg7 : memref<!tpu.dma_semaphore, #tpu.memory_space<semaphore_mem>>)
    %dma_wait3A = arith.constant 0 : i32
    %dma_wait3A_9 = arith.constant 0 : i32
    %dma_wait3A_10 = tpu.memref_slice %arg2[%dma_wait3A, %dma_wait3A_9] : memref<10000x128xf32, #tpu.memory_space<hbm>> -> memref<10000x128xf32, #tpu.memory_space<hbm>>
    tpu.wait_indirect_dma semaphore(%arg7 : memref<!tpu.dma_semaphore, #tpu.memory_space<semaphore_mem>>) src(%dma_wait3A_10 : memref<10000x128xf32, #tpu.memory_space<hbm>>) dst(%arg6 : memref<800x128xf32, #tpu.memory_space<vmem>>)
    "tpu.region"() ({
      %run_scoped3A = tpu.sem_alloc : memref<!tpu.dma_semaphore, #tpu.memory_space<semaphore_mem>>
      %dma_start3A_39 = arith.constant 0 : i32
      %dma_start3A_40 = tpu.memref_slice %arg4[%mul3A_4, %dma_start3A_39] : memref<80000x128xf32, #tpu.memory_space<hbm>> -> memref<800x128xf32, #tpu.memory_space<hbm>>
      %dma_start3A_41 = arith.constant 0 : i32
      %dma_start3A_42 = tpu.memref_slice %arg4[%mul3A_4, %dma_start3A_41] : memref<80000x128xf32, #tpu.memory_space<hbm>> -> memref<800x128xf32, #tpu.memory_space<hbm>>
      tpu.enqueue_dma source(%arg6 : memref<800x128xf32, #tpu.memory_space<vmem>>) target(%dma_start3A_42 : memref<800x128xf32, #tpu.memory_space<hbm>>) target_semaphore(%run_scoped3A : memref<!tpu.dma_semaphore, #tpu.memory_space<semaphore_mem>>)
      %dma_wait3A_43 = arith.constant 0 : i32
      %dma_wait3A_44 = tpu.memref_slice %arg4[%mul3A_4, %dma_wait3A_43] : memref<80000x128xf32, #tpu.memory_space<hbm>> -> memref<800x128xf32, #tpu.memory_space<hbm>>
      %dma_wait3A_45 = arith.constant 0 : i32
      %dma_wait3A_46 = tpu.memref_slice %arg4[%mul3A_4, %dma_wait3A_45] : memref<80000x128xf32, #tpu.memory_space<hbm>> -> memref<800x128xf32, #tpu.memory_space<hbm>>
      tpu.wait_dma2 semaphore(%run_scoped3A : memref<!tpu.dma_semaphore, #tpu.memory_space<semaphore_mem>>) src(%arg6 : memref<800x128xf32, #tpu.memory_space<vmem>>) dst(%dma_wait3A_46 : memref<800x128xf32, #tpu.memory_space<hbm>>)
      tpu.yield
    }) : () -> ()
    %add3A_11 = arith.constant 32 : i32
    %add3A_12 = arith.addi %add3A, %add3A_11 : i32
    %mul3A_13 = arith.constant 800 : i32
    %mul3A_14 = arith.muli %add3A_12, %mul3A_13 : i32
    %add3A_15 = arith.constant 80000 : i32
    %add3A_16 = arith.addi %add3A_15, %mul3A_14 : i32
    "tpu.region"() ({
      %run_scoped3A = tpu.sem_alloc : memref<!tpu.dma_semaphore, #tpu.memory_space<semaphore_mem>>
      %dma_start3A_39 = tpu.memref_slice %arg3[%add3A_16] : memref<160000xi32, #tpu.memory_space<hbm>> -> memref<800xi32, #tpu.memory_space<hbm>>
      %dma_start3A_40 = tpu.memref_slice %arg3[%add3A_16] : memref<160000xi32, #tpu.memory_space<hbm>> -> memref<800xi32, #tpu.memory_space<hbm>>
      tpu.enqueue_dma source(%dma_start3A_40 : memref<800xi32, #tpu.memory_space<hbm>>) target(%arg5 : memref<800xi32, #tpu.memory_space<vmem>>) target_semaphore(%run_scoped3A : memref<!tpu.dma_semaphore, #tpu.memory_space<semaphore_mem>>)
      %dma_wait3A_41 = tpu.memref_slice %arg3[%add3A_16] : memref<160000xi32, #tpu.memory_space<hbm>> -> memref<800xi32, #tpu.memory_space<hbm>>
      %dma_wait3A_42 = tpu.memref_slice %arg3[%add3A_16] : memref<160000xi32, #tpu.memory_space<hbm>> -> memref<800xi32, #tpu.memory_space<hbm>>
      tpu.wait_dma2 semaphore(%run_scoped3A : memref<!tpu.dma_semaphore, #tpu.memory_space<semaphore_mem>>) src(%dma_wait3A_42 : memref<800xi32, #tpu.memory_space<hbm>>) dst(%arg5 : memref<800xi32, #tpu.memory_space<vmem>>)
      tpu.yield
    }) : () -> ()
    %dma_start3A_17 = arith.constant 0 : i32
    %dma_start3A_18 = arith.constant 0 : i32
    %dma_start3A_19 = tpu.memref_slice %arg2[%dma_start3A_17, %dma_start3A_18] : memref<10000x128xf32, #tpu.memory_space<hbm>> -> memref<10000x128xf32, #tpu.memory_space<hbm>>
    tpu.enqueue_indirect_dma source(%dma_start3A_19 : memref<10000x128xf32, #tpu.memory_space<hbm>>) target(%arg6 : memref<800x128xf32, #tpu.memory_space<vmem>>) offsets(%arg5 : memref<800xi32, #tpu.memory_space<vmem>>) semaphore(%arg7 : memref<!tpu.dma_semaphore, #tpu.memory_space<semaphore_mem>>)
    %dma_wait3A_20 = arith.constant 0 : i32
    %dma_wait3A_21 = arith.constant 0 : i32
    %dma_wait3A_22 = tpu.memref_slice %arg2[%dma_wait3A_20, %dma_wait3A_21] : memref<10000x128xf32, #tpu.memory_space<hbm>> -> memref<10000x128xf32, #tpu.memory_space<hbm>>
    tpu.wait_indirect_dma semaphore(%arg7 : memref<!tpu.dma_semaphore, #tpu.memory_space<semaphore_mem>>) src(%dma_wait3A_22 : memref<10000x128xf32, #tpu.memory_space<hbm>>) dst(%arg6 : memref<800x128xf32, #tpu.memory_space<vmem>>)
    "tpu.region"() ({
      %run_scoped3A = tpu.sem_alloc : memref<!tpu.dma_semaphore, #tpu.memory_space<semaphore_mem>>
      %dma_start3A_39 = arith.constant 0 : i32
      %dma_start3A_40 = tpu.memref_slice %arg4[%mul3A_14, %dma_start3A_39] : memref<80000x128xf32, #tpu.memory_space<hbm>> -> memref<800x128xf32, #tpu.memory_space<hbm>>
      %dma_start3A_41 = arith.constant 0 : i32
      %dma_start3A_42 = tpu.memref_slice %arg4[%mul3A_14, %dma_start3A_41] : memref<80000x128xf32, #tpu.memory_space<hbm>> -> memref<800x128xf32, #tpu.memory_space<hbm>>
      tpu.enqueue_dma source(%arg6 : memref<800x128xf32, #tpu.memory_space<vmem>>) target(%dma_start3A_42 : memref<800x128xf32, #tpu.memory_space<hbm>>) target_semaphore(%run_scoped3A : memref<!tpu.dma_semaphore, #tpu.memory_space<semaphore_mem>>)
      %dma_wait3A_43 = arith.constant 0 : i32
      %dma_wait3A_44 = tpu.memref_slice %arg4[%mul3A_14, %dma_wait3A_43] : memref<80000x128xf32, #tpu.memory_space<hbm>> -> memref<800x128xf32, #tpu.memory_space<hbm>>
      %dma_wait3A_45 = arith.constant 0 : i32
      %dma_wait3A_46 = tpu.memref_slice %arg4[%mul3A_14, %dma_wait3A_45] : memref<80000x128xf32, #tpu.memory_space<hbm>> -> memref<800x128xf32, #tpu.memory_space<hbm>>
      tpu.wait_dma2 semaphore(%run_scoped3A : memref<!tpu.dma_semaphore, #tpu.memory_space<semaphore_mem>>) src(%arg6 : memref<800x128xf32, #tpu.memory_space<vmem>>) dst(%dma_wait3A_46 : memref<800x128xf32, #tpu.memory_space<hbm>>)
      tpu.yield
    }) : () -> ()
    %add3A_23 = arith.constant 64 : i32
    %add3A_24 = arith.addi %add3A, %add3A_23 : i32
    %mul3A_25 = arith.constant 800 : i32
    %mul3A_26 = arith.muli %add3A_24, %mul3A_25 : i32
    %add3A_27 = arith.constant 80000 : i32
    %add3A_28 = arith.addi %add3A_27, %mul3A_26 : i32
    "tpu.region"() ({
      %run_scoped3A = tpu.sem_alloc : memref<!tpu.dma_semaphore, #tpu.memory_space<semaphore_mem>>
      %dma_start3A_39 = tpu.memref_slice %arg3[%add3A_28] : memref<160000xi32, #tpu.memory_space<hbm>> -> memref<800xi32, #tpu.memory_space<hbm>>
      %dma_start3A_40 = tpu.memref_slice %arg3[%add3A_28] : memref<160000xi32, #tpu.memory_space<hbm>> -> memref<800xi32, #tpu.memory_space<hbm>>
      tpu.enqueue_dma source(%dma_start3A_40 : memref<800xi32, #tpu.memory_space<hbm>>) target(%arg5 : memref<800xi32, #tpu.memory_space<vmem>>) target_semaphore(%run_scoped3A : memref<!tpu.dma_semaphore, #tpu.memory_space<semaphore_mem>>)
      %dma_wait3A_41 = tpu.memref_slice %arg3[%add3A_28] : memref<160000xi32, #tpu.memory_space<hbm>> -> memref<800xi32, #tpu.memory_space<hbm>>
      %dma_wait3A_42 = tpu.memref_slice %arg3[%add3A_28] : memref<160000xi32, #tpu.memory_space<hbm>> -> memref<800xi32, #tpu.memory_space<hbm>>
      tpu.wait_dma2 semaphore(%run_scoped3A : memref<!tpu.dma_semaphore, #tpu.memory_space<semaphore_mem>>) src(%dma_wait3A_42 : memref<800xi32, #tpu.memory_space<hbm>>) dst(%arg5 : memref<800xi32, #tpu.memory_space<vmem>>)
      tpu.yield
    }) : () -> ()
    %dma_start3A_29 = arith.constant 0 : i32
    %dma_start3A_30 = arith.constant 0 : i32
    %dma_start3A_31 = tpu.memref_slice %arg2[%dma_start3A_29, %dma_start3A_30] : memref<10000x128xf32, #tpu.memory_space<hbm>> -> memref<10000x128xf32, #tpu.memory_space<hbm>>
    tpu.enqueue_indirect_dma source(%dma_start3A_31 : memref<10000x128xf32, #tpu.memory_space<hbm>>) target(%arg6 : memref<800x128xf32, #tpu.memory_space<vmem>>) offsets(%arg5 : memref<800xi32, #tpu.memory_space<vmem>>) semaphore(%arg7 : memref<!tpu.dma_semaphore, #tpu.memory_space<semaphore_mem>>)
    %dma_wait3A_32 = arith.constant 0 : i32
    %dma_wait3A_33 = arith.constant 0 : i32
    %dma_wait3A_34 = tpu.memref_slice %arg2[%dma_wait3A_32, %dma_wait3A_33] : memref<10000x128xf32, #tpu.memory_space<hbm>> -> memref<10000x128xf32, #tpu.memory_space<hbm>>
    tpu.wait_indirect_dma semaphore(%arg7 : memref<!tpu.dma_semaphore, #tpu.memory_space<semaphore_mem>>) src(%dma_wait3A_34 : memref<10000x128xf32, #tpu.memory_space<hbm>>) dst(%arg6 : memref<800x128xf32, #tpu.memory_space<vmem>>)
    "tpu.region"() ({
      %run_scoped3A = tpu.sem_alloc : memref<!tpu.dma_semaphore, #tpu.memory_space<semaphore_mem>>
      %dma_start3A_39 = arith.constant 0 : i32
      %dma_start3A_40 = tpu.memref_slice %arg4[%mul3A_26, %dma_start3A_39] : memref<80000x128xf32, #tpu.memory_space<hbm>> -> memref<800x128xf32, #tpu.memory_space<hbm>>
      %dma_start3A_41 = arith.constant 0 : i32
      %dma_start3A_42 = tpu.memref_slice %arg4[%mul3A_26, %dma_start3A_41] : memref<80000x128xf32, #tpu.memory_space<hbm>> -> memref<800x128xf32, #tpu.memory_space<hbm>>
      tpu.enqueue_dma source(%arg6 : memref<800x128xf32, #tpu.memory_space<vmem>>) target(%dma_start3A_42 : memref<800x128xf32, #tpu.memory_space<hbm>>) target_semaphore(%run_scoped3A : memref<!tpu.dma_semaphore, #tpu.memory_space<semaphore_mem>>)
      %dma_wait3A_43 = arith.constant 0 : i32
      %dma_wait3A_44 = tpu.memref_slice %arg4[%mul3A_26, %dma_wait3A_43] : memref<80000x128xf32, #tpu.memory_space<hbm>> -> memref<800x128xf32, #tpu.memory_space<hbm>>
      %dma_wait3A_45 = arith.constant 0 : i32
      %dma_wait3A_46 = tpu.memref_slice %arg4[%mul3A_26, %dma_wait3A_45] : memref<80000x128xf32, #tpu.memory_space<hbm>> -> memref<800x128xf32, #tpu.memory_space<hbm>>
      tpu.wait_dma2 semaphore(%run_scoped3A : memref<!tpu.dma_semaphore, #tpu.memory_space<semaphore_mem>>) src(%arg6 : memref<800x128xf32, #tpu.memory_space<vmem>>) dst(%dma_wait3A_46 : memref<800x128xf32, #tpu.memory_space<hbm>>)
      tpu.yield
    }) : () -> ()
    %add3A_35 = arith.constant 96 : i32
    %add3A_36 = arith.addi %add3A, %add3A_35 : i32
    %lt3A = arith.constant 100 : i32
    %lt3A_37 = arith.cmpi slt, %add3A_36, %lt3A : i32
    %convert_element_type3A = arith.extui %lt3A_37 : i1 to i32
    %cond3A = arith.constant 0 : i32
    %cond3A_38 = arith.cmpi ne, %convert_element_type3A, %cond3A : i32
    scf.if %cond3A_38 {
      %mul3A_39 = arith.constant 800 : i32
      %mul3A_40 = arith.muli %add3A_36, %mul3A_39 : i32
      %add3A_41 = arith.constant 80000 : i32
      %add3A_42 = arith.addi %add3A_41, %mul3A_40 : i32
      "tpu.region"() ({
        %run_scoped3A = tpu.sem_alloc : memref<!tpu.dma_semaphore, #tpu.memory_space<semaphore_mem>>
        %dma_start3A_49 = tpu.memref_slice %arg3[%add3A_42] : memref<160000xi32, #tpu.memory_space<hbm>> -> memref<800xi32, #tpu.memory_space<hbm>>
        %dma_start3A_50 = tpu.memref_slice %arg3[%add3A_42] : memref<160000xi32, #tpu.memory_space<hbm>> -> memref<800xi32, #tpu.memory_space<hbm>>
        tpu.enqueue_dma source(%dma_start3A_50 : memref<800xi32, #tpu.memory_space<hbm>>) target(%arg5 : memref<800xi32, #tpu.memory_space<vmem>>) target_semaphore(%run_scoped3A : memref<!tpu.dma_semaphore, #tpu.memory_space<semaphore_mem>>)
        %dma_wait3A_51 = tpu.memref_slice %arg3[%add3A_42] : memref<160000xi32, #tpu.memory_space<hbm>> -> memref<800xi32, #tpu.memory_space<hbm>>
        %dma_wait3A_52 = tpu.memref_slice %arg3[%add3A_42] : memref<160000xi32, #tpu.memory_space<hbm>> -> memref<800xi32, #tpu.memory_space<hbm>>
        tpu.wait_dma2 semaphore(%run_scoped3A : memref<!tpu.dma_semaphore, #tpu.memory_space<semaphore_mem>>) src(%dma_wait3A_52 : memref<800xi32, #tpu.memory_space<hbm>>) dst(%arg5 : memref<800xi32, #tpu.memory_space<vmem>>)
        tpu.yield
      }) : () -> ()
      %dma_start3A_43 = arith.constant 0 : i32
      %dma_start3A_44 = arith.constant 0 : i32
      %dma_start3A_45 = tpu.memref_slice %arg2[%dma_start3A_43, %dma_start3A_44] : memref<10000x128xf32, #tpu.memory_space<hbm>> -> memref<10000x128xf32, #tpu.memory_space<hbm>>
      tpu.enqueue_indirect_dma source(%dma_start3A_45 : memref<10000x128xf32, #tpu.memory_space<hbm>>) target(%arg6 : memref<800x128xf32, #tpu.memory_space<vmem>>) offsets(%arg5 : memref<800xi32, #tpu.memory_space<vmem>>) semaphore(%arg7 : memref<!tpu.dma_semaphore, #tpu.memory_space<semaphore_mem>>)
      %dma_wait3A_46 = arith.constant 0 : i32
      %dma_wait3A_47 = arith.constant 0 : i32
      %dma_wait3A_48 = tpu.memref_slice %arg2[%dma_wait3A_46, %dma_wait3A_47] : memref<10000x128xf32, #tpu.memory_space<hbm>> -> memref<10000x128xf32, #tpu.memory_space<hbm>>
      tpu.wait_indirect_dma semaphore(%arg7 : memref<!tpu.dma_semaphore, #tpu.memory_space<semaphore_mem>>) src(%dma_wait3A_48 : memref<10000x128xf32, #tpu.memory_space<hbm>>) dst(%arg6 : memref<800x128xf32, #tpu.memory_space<vmem>>)
      "tpu.region"() ({
        %run_scoped3A = tpu.sem_alloc : memref<!tpu.dma_semaphore, #tpu.memory_space<semaphore_mem>>
        %dma_start3A_49 = arith.constant 0 : i32
        %dma_start3A_50 = tpu.memref_slice %arg4[%mul3A_40, %dma_start3A_49] : memref<80000x128xf32, #tpu.memory_space<hbm>> -> memref<800x128xf32, #tpu.memory_space<hbm>>
        %dma_start3A_51 = arith.constant 0 : i32
        %dma_start3A_52 = tpu.memref_slice %arg4[%mul3A_40, %dma_start3A_51] : memref<80000x128xf32, #tpu.memory_space<hbm>> -> memref<800x128xf32, #tpu.memory_space<hbm>>
        tpu.enqueue_dma source(%arg6 : memref<800x128xf32, #tpu.memory_space<vmem>>) target(%dma_start3A_52 : memref<800x128xf32, #tpu.memory_space<hbm>>) target_semaphore(%run_scoped3A : memref<!tpu.dma_semaphore, #tpu.memory_space<semaphore_mem>>)
        %dma_wait3A_53 = arith.constant 0 : i32
        %dma_wait3A_54 = tpu.memref_slice %arg4[%mul3A_40, %dma_wait3A_53] : memref<80000x128xf32, #tpu.memory_space<hbm>> -> memref<800x128xf32, #tpu.memory_space<hbm>>
        %dma_wait3A_55 = arith.constant 0 : i32
        %dma_wait3A_56 = tpu.memref_slice %arg4[%mul3A_40, %dma_wait3A_55] : memref<80000x128xf32, #tpu.memory_space<hbm>> -> memref<800x128xf32, #tpu.memory_space<hbm>>
        tpu.wait_dma2 semaphore(%run_scoped3A : memref<!tpu.dma_semaphore, #tpu.memory_space<semaphore_mem>>) src(%arg6 : memref<800x128xf32, #tpu.memory_space<vmem>>) dst(%dma_wait3A_56 : memref<800x128xf32, #tpu.memory_space<hbm>>)
        tpu.yield
      }) : () -> ()
    } else {
    }
    return
  }
}

#map = affine_map<(d0, d1) -> (0, 0)>
#map1 = affine_map<(d0, d1) -> (0)>
module attributes {stable_mosaic.version = 14 : i64} {
  func.func @body(%arg0: i32, %arg1: i32, %arg2: memref<10000x128xf32, #tpu.memory_space<hbm>>, %arg3: memref<160000xi32, #tpu.memory_space<hbm>>, %arg4: memref<80000x128xf32, #tpu.memory_space<hbm>>, %arg5: memref<800xi32, #tpu.memory_space<vmem>>, %arg6: memref<800x128xf32, #tpu.memory_space<vmem>>, %arg7: memref<!tpu.dma_semaphore, #tpu.memory_space<semaphore_mem>>) attributes {dimension_semantics = [#tpu.dimension_semantics<core_parallel>, #tpu.dimension_semantics<subcore_parallel>], iteration_bounds = array<i64: 2, 16>, scalar_prefetch = 0 : i64, scratch_operands = 3 : i64, tpu.core_type = #tpu.core_type<sc_vector_subcore>, window_params = [{transform_indices = #map}, {transform_indices = #map1}, {transform_indices = #map}]} {
    %mul3A = arith.constant 2 : i32
    %mul3A_0 = arith.muli %arg1, %mul3A : i32
    %add3A = arith.addi %mul3A_0, %arg0 : i32
    %add3A_1 = arith.constant 0 : i32
    %add3A_2 = arith.addi %add3A, %add3A_1 : i32
    %mul3A_3 = arith.constant 800 : i32
    %mul3A_4 = arith.muli %add3A_2, %mul3A_3 : i32
    %add3A_5 = arith.constant 0 : i32
    %add3A_6 = arith.addi %add3A_5, %mul3A_4 : i32
    "tpu.region"() ({
      %run_scoped3A = tpu.sem_alloc : memref<!tpu.dma_semaphore, #tpu.memory_space<semaphore_mem>>
      %dma_start3A_39 = tpu.memref_slice %arg3[%add3A_6] : memref<160000xi32, #tpu.memory_space<hbm>> -> memref<800xi32, #tpu.memory_space<hbm>>
      %dma_start3A_40 = tpu.memref_slice %arg3[%add3A_6] : memref<160000xi32, #tpu.memory_space<hbm>> -> memref<800xi32, #tpu.memory_space<hbm>>
      tpu.enqueue_dma source(%dma_start3A_40 : memref<800xi32, #tpu.memory_space<hbm>>) target(%arg5 : memref<800xi32, #tpu.memory_space<vmem>>) target_semaphore(%run_scoped3A : memref<!tpu.dma_semaphore, #tpu.memory_space<semaphore_mem>>)
      %dma_wait3A_41 = tpu.memref_slice %arg3[%add3A_6] : memref<160000xi32, #tpu.memory_space<hbm>> -> memref<800xi32, #tpu.memory_space<hbm>>
      %dma_wait3A_42 = tpu.memref_slice %arg3[%add3A_6] : memref<160000xi32, #tpu.memory_space<hbm>> -> memref<800xi32, #tpu.memory_space<hbm>>
      tpu.wait_dma2 semaphore(%run_scoped3A : memref<!tpu.dma_semaphore, #tpu.memory_space<semaphore_mem>>) src(%dma_wait3A_42 : memref<800xi32, #tpu.memory_space<hbm>>) dst(%arg5 : memref<800xi32, #tpu.memory_space<vmem>>)
      tpu.yield
    }) : () -> ()
    %dma_start3A = arith.constant 0 : i32
    %dma_start3A_7 = arith.constant 0 : i32
    %dma_start3A_8 = tpu.memref_slice %arg2[%dma_start3A, %dma_start3A_7] : memref<10000x128xf32, #tpu.memory_space<hbm>> -> memref<10000x128xf32, #tpu.memory_space<hbm>>
    tpu.enqueue_indirect_dma source(%dma_start3A_8 : memref<10000x128xf32, #tpu.memory_space<hbm>>) target(%arg6 : memref<800x128xf32, #tpu.memory_space<vmem>>) offsets(%arg5 : memref<800xi32, #tpu.memory_space<vmem>>) semaphore(%arg7 : memref<!tpu.dma_semaphore, #tpu.memory_space<semaphore_mem>>)
    %dma_wait3A = arith.constant 0 : i32
    %dma_wait3A_9 = arith.constant 0 : i32
    %dma_wait3A_10 = tpu.memref_slice %arg2[%dma_wait3A, %dma_wait3A_9] : memref<10000x128xf32, #tpu.memory_space<hbm>> -> memref<10000x128xf32, #tpu.memory_space<hbm>>
    tpu.wait_indirect_dma semaphore(%arg7 : memref<!tpu.dma_semaphore, #tpu.memory_space<semaphore_mem>>) src(%dma_wait3A_10 : memref<10000x128xf32, #tpu.memory_space<hbm>>) dst(%arg6 : memref<800x128xf32, #tpu.memory_space<vmem>>)
    "tpu.region"() ({
      %run_scoped3A = tpu.sem_alloc : memref<!tpu.dma_semaphore, #tpu.memory_space<semaphore_mem>>
      %dma_start3A_39 = arith.constant 0 : i32
      %dma_start3A_40 = tpu.memref_slice %arg4[%mul3A_4, %dma_start3A_39] : memref<80000x128xf32, #tpu.memory_space<hbm>> -> memref<800x128xf32, #tpu.memory_space<hbm>>
      %dma_start3A_41 = arith.constant 0 : i32
      %dma_start3A_42 = tpu.memref_slice %arg4[%mul3A_4, %dma_start3A_41] : memref<80000x128xf32, #tpu.memory_space<hbm>> -> memref<800x128xf32, #tpu.memory_space<hbm>>
      tpu.enqueue_dma source(%arg6 : memref<800x128xf32, #tpu.memory_space<vmem>>) target(%dma_start3A_42 : memref<800x128xf32, #tpu.memory_space<hbm>>) target_semaphore(%run_scoped3A : memref<!tpu.dma_semaphore, #tpu.memory_space<semaphore_mem>>)
      %dma_wait3A_43 = arith.constant 0 : i32
      %dma_wait3A_44 = tpu.memref_slice %arg4[%mul3A_4, %dma_wait3A_43] : memref<80000x128xf32, #tpu.memory_space<hbm>> -> memref<800x128xf32, #tpu.memory_space<hbm>>
      %dma_wait3A_45 = arith.constant 0 : i32
      %dma_wait3A_46 = tpu.memref_slice %arg4[%mul3A_4, %dma_wait3A_45] : memref<80000x128xf32, #tpu.memory_space<hbm>> -> memref<800x128xf32, #tpu.memory_space<hbm>>
      tpu.wait_dma2 semaphore(%run_scoped3A : memref<!tpu.dma_semaphore, #tpu.memory_space<semaphore_mem>>) src(%arg6 : memref<800x128xf32, #tpu.memory_space<vmem>>) dst(%dma_wait3A_46 : memref<800x128xf32, #tpu.memory_space<hbm>>)
      tpu.yield
    }) : () -> ()
    %add3A_11 = arith.constant 32 : i32
    %add3A_12 = arith.addi %add3A, %add3A_11 : i32
    %mul3A_13 = arith.constant 800 : i32
    %mul3A_14 = arith.muli %add3A_12, %mul3A_13 : i32
    %add3A_15 = arith.constant 0 : i32
    %add3A_16 = arith.addi %add3A_15, %mul3A_14 : i32
    "tpu.region"() ({
      %run_scoped3A = tpu.sem_alloc : memref<!tpu.dma_semaphore, #tpu.memory_space<semaphore_mem>>
      %dma_start3A_39 = tpu.memref_slice %arg3[%add3A_16] : memref<160000xi32, #tpu.memory_space<hbm>> -> memref<800xi32, #tpu.memory_space<hbm>>
      %dma_start3A_40 = tpu.memref_slice %arg3[%add3A_16] : memref<160000xi32, #tpu.memory_space<hbm>> -> memref<800xi32, #tpu.memory_space<hbm>>
      tpu.enqueue_dma source(%dma_start3A_40 : memref<800xi32, #tpu.memory_space<hbm>>) target(%arg5 : memref<800xi32, #tpu.memory_space<vmem>>) target_semaphore(%run_scoped3A : memref<!tpu.dma_semaphore, #tpu.memory_space<semaphore_mem>>)
      %dma_wait3A_41 = tpu.memref_slice %arg3[%add3A_16] : memref<160000xi32, #tpu.memory_space<hbm>> -> memref<800xi32, #tpu.memory_space<hbm>>
      %dma_wait3A_42 = tpu.memref_slice %arg3[%add3A_16] : memref<160000xi32, #tpu.memory_space<hbm>> -> memref<800xi32, #tpu.memory_space<hbm>>
      tpu.wait_dma2 semaphore(%run_scoped3A : memref<!tpu.dma_semaphore, #tpu.memory_space<semaphore_mem>>) src(%dma_wait3A_42 : memref<800xi32, #tpu.memory_space<hbm>>) dst(%arg5 : memref<800xi32, #tpu.memory_space<vmem>>)
      tpu.yield
    }) : () -> ()
    %dma_start3A_17 = arith.constant 0 : i32
    %dma_start3A_18 = arith.constant 0 : i32
    %dma_start3A_19 = tpu.memref_slice %arg2[%dma_start3A_17, %dma_start3A_18] : memref<10000x128xf32, #tpu.memory_space<hbm>> -> memref<10000x128xf32, #tpu.memory_space<hbm>>
    tpu.enqueue_indirect_dma source(%dma_start3A_19 : memref<10000x128xf32, #tpu.memory_space<hbm>>) target(%arg6 : memref<800x128xf32, #tpu.memory_space<vmem>>) offsets(%arg5 : memref<800xi32, #tpu.memory_space<vmem>>) semaphore(%arg7 : memref<!tpu.dma_semaphore, #tpu.memory_space<semaphore_mem>>)
    %dma_wait3A_20 = arith.constant 0 : i32
    %dma_wait3A_21 = arith.constant 0 : i32
    %dma_wait3A_22 = tpu.memref_slice %arg2[%dma_wait3A_20, %dma_wait3A_21] : memref<10000x128xf32, #tpu.memory_space<hbm>> -> memref<10000x128xf32, #tpu.memory_space<hbm>>
    tpu.wait_indirect_dma semaphore(%arg7 : memref<!tpu.dma_semaphore, #tpu.memory_space<semaphore_mem>>) src(%dma_wait3A_22 : memref<10000x128xf32, #tpu.memory_space<hbm>>) dst(%arg6 : memref<800x128xf32, #tpu.memory_space<vmem>>)
    "tpu.region"() ({
      %run_scoped3A = tpu.sem_alloc : memref<!tpu.dma_semaphore, #tpu.memory_space<semaphore_mem>>
      %dma_start3A_39 = arith.constant 0 : i32
      %dma_start3A_40 = tpu.memref_slice %arg4[%mul3A_14, %dma_start3A_39] : memref<80000x128xf32, #tpu.memory_space<hbm>> -> memref<800x128xf32, #tpu.memory_space<hbm>>
      %dma_start3A_41 = arith.constant 0 : i32
      %dma_start3A_42 = tpu.memref_slice %arg4[%mul3A_14, %dma_start3A_41] : memref<80000x128xf32, #tpu.memory_space<hbm>> -> memref<800x128xf32, #tpu.memory_space<hbm>>
      tpu.enqueue_dma source(%arg6 : memref<800x128xf32, #tpu.memory_space<vmem>>) target(%dma_start3A_42 : memref<800x128xf32, #tpu.memory_space<hbm>>) target_semaphore(%run_scoped3A : memref<!tpu.dma_semaphore, #tpu.memory_space<semaphore_mem>>)
      %dma_wait3A_43 = arith.constant 0 : i32
      %dma_wait3A_44 = tpu.memref_slice %arg4[%mul3A_14, %dma_wait3A_43] : memref<80000x128xf32, #tpu.memory_space<hbm>> -> memref<800x128xf32, #tpu.memory_space<hbm>>
      %dma_wait3A_45 = arith.constant 0 : i32
      %dma_wait3A_46 = tpu.memref_slice %arg4[%mul3A_14, %dma_wait3A_45] : memref<80000x128xf32, #tpu.memory_space<hbm>> -> memref<800x128xf32, #tpu.memory_space<hbm>>
      tpu.wait_dma2 semaphore(%run_scoped3A : memref<!tpu.dma_semaphore, #tpu.memory_space<semaphore_mem>>) src(%arg6 : memref<800x128xf32, #tpu.memory_space<vmem>>) dst(%dma_wait3A_46 : memref<800x128xf32, #tpu.memory_space<hbm>>)
      tpu.yield
    }) : () -> ()
    %add3A_23 = arith.constant 64 : i32
    %add3A_24 = arith.addi %add3A, %add3A_23 : i32
    %mul3A_25 = arith.constant 800 : i32
    %mul3A_26 = arith.muli %add3A_24, %mul3A_25 : i32
    %add3A_27 = arith.constant 0 : i32
    %add3A_28 = arith.addi %add3A_27, %mul3A_26 : i32
    "tpu.region"() ({
      %run_scoped3A = tpu.sem_alloc : memref<!tpu.dma_semaphore, #tpu.memory_space<semaphore_mem>>
      %dma_start3A_39 = tpu.memref_slice %arg3[%add3A_28] : memref<160000xi32, #tpu.memory_space<hbm>> -> memref<800xi32, #tpu.memory_space<hbm>>
      %dma_start3A_40 = tpu.memref_slice %arg3[%add3A_28] : memref<160000xi32, #tpu.memory_space<hbm>> -> memref<800xi32, #tpu.memory_space<hbm>>
      tpu.enqueue_dma source(%dma_start3A_40 : memref<800xi32, #tpu.memory_space<hbm>>) target(%arg5 : memref<800xi32, #tpu.memory_space<vmem>>) target_semaphore(%run_scoped3A : memref<!tpu.dma_semaphore, #tpu.memory_space<semaphore_mem>>)
      %dma_wait3A_41 = tpu.memref_slice %arg3[%add3A_28] : memref<160000xi32, #tpu.memory_space<hbm>> -> memref<800xi32, #tpu.memory_space<hbm>>
      %dma_wait3A_42 = tpu.memref_slice %arg3[%add3A_28] : memref<160000xi32, #tpu.memory_space<hbm>> -> memref<800xi32, #tpu.memory_space<hbm>>
      tpu.wait_dma2 semaphore(%run_scoped3A : memref<!tpu.dma_semaphore, #tpu.memory_space<semaphore_mem>>) src(%dma_wait3A_42 : memref<800xi32, #tpu.memory_space<hbm>>) dst(%arg5 : memref<800xi32, #tpu.memory_space<vmem>>)
      tpu.yield
    }) : () -> ()
    %dma_start3A_29 = arith.constant 0 : i32
    %dma_start3A_30 = arith.constant 0 : i32
    %dma_start3A_31 = tpu.memref_slice %arg2[%dma_start3A_29, %dma_start3A_30] : memref<10000x128xf32, #tpu.memory_space<hbm>> -> memref<10000x128xf32, #tpu.memory_space<hbm>>
    tpu.enqueue_indirect_dma source(%dma_start3A_31 : memref<10000x128xf32, #tpu.memory_space<hbm>>) target(%arg6 : memref<800x128xf32, #tpu.memory_space<vmem>>) offsets(%arg5 : memref<800xi32, #tpu.memory_space<vmem>>) semaphore(%arg7 : memref<!tpu.dma_semaphore, #tpu.memory_space<semaphore_mem>>)
    %dma_wait3A_32 = arith.constant 0 : i32
    %dma_wait3A_33 = arith.constant 0 : i32
    %dma_wait3A_34 = tpu.memref_slice %arg2[%dma_wait3A_32, %dma_wait3A_33] : memref<10000x128xf32, #tpu.memory_space<hbm>> -> memref<10000x128xf32, #tpu.memory_space<hbm>>
    tpu.wait_indirect_dma semaphore(%arg7 : memref<!tpu.dma_semaphore, #tpu.memory_space<semaphore_mem>>) src(%dma_wait3A_34 : memref<10000x128xf32, #tpu.memory_space<hbm>>) dst(%arg6 : memref<800x128xf32, #tpu.memory_space<vmem>>)
    "tpu.region"() ({
      %run_scoped3A = tpu.sem_alloc : memref<!tpu.dma_semaphore, #tpu.memory_space<semaphore_mem>>
      %dma_start3A_39 = arith.constant 0 : i32
      %dma_start3A_40 = tpu.memref_slice %arg4[%mul3A_26, %dma_start3A_39] : memref<80000x128xf32, #tpu.memory_space<hbm>> -> memref<800x128xf32, #tpu.memory_space<hbm>>
      %dma_start3A_41 = arith.constant 0 : i32
      %dma_start3A_42 = tpu.memref_slice %arg4[%mul3A_26, %dma_start3A_41] : memref<80000x128xf32, #tpu.memory_space<hbm>> -> memref<800x128xf32, #tpu.memory_space<hbm>>
      tpu.enqueue_dma source(%arg6 : memref<800x128xf32, #tpu.memory_space<vmem>>) target(%dma_start3A_42 : memref<800x128xf32, #tpu.memory_space<hbm>>) target_semaphore(%run_scoped3A : memref<!tpu.dma_semaphore, #tpu.memory_space<semaphore_mem>>)
      %dma_wait3A_43 = arith.constant 0 : i32
      %dma_wait3A_44 = tpu.memref_slice %arg4[%mul3A_26, %dma_wait3A_43] : memref<80000x128xf32, #tpu.memory_space<hbm>> -> memref<800x128xf32, #tpu.memory_space<hbm>>
      %dma_wait3A_45 = arith.constant 0 : i32
      %dma_wait3A_46 = tpu.memref_slice %arg4[%mul3A_26, %dma_wait3A_45] : memref<80000x128xf32, #tpu.memory_space<hbm>> -> memref<800x128xf32, #tpu.memory_space<hbm>>
      tpu.wait_dma2 semaphore(%run_scoped3A : memref<!tpu.dma_semaphore, #tpu.memory_space<semaphore_mem>>) src(%arg6 : memref<800x128xf32, #tpu.memory_space<vmem>>) dst(%dma_wait3A_46 : memref<800x128xf32, #tpu.memory_space<hbm>>)
      tpu.yield
    }) : () -> ()
    %add3A_35 = arith.constant 96 : i32
    %add3A_36 = arith.addi %add3A, %add3A_35 : i32
    %lt3A = arith.constant 100 : i32
    %lt3A_37 = arith.cmpi slt, %add3A_36, %lt3A : i32
    %convert_element_type3A = arith.extui %lt3A_37 : i1 to i32
    %cond3A = arith.constant 0 : i32
    %cond3A_38 = arith.cmpi ne, %convert_element_type3A, %cond3A : i32
    scf.if %cond3A_38 {
      %mul3A_39 = arith.constant 800 : i32
      %mul3A_40 = arith.muli %add3A_36, %mul3A_39 : i32
      %add3A_41 = arith.constant 0 : i32
      %add3A_42 = arith.addi %add3A_41, %mul3A_40 : i32
      "tpu.region"() ({
        %run_scoped3A = tpu.sem_alloc : memref<!tpu.dma_semaphore, #tpu.memory_space<semaphore_mem>>
        %dma_start3A_49 = tpu.memref_slice %arg3[%add3A_42] : memref<160000xi32, #tpu.memory_space<hbm>> -> memref<800xi32, #tpu.memory_space<hbm>>
        %dma_start3A_50 = tpu.memref_slice %arg3[%add3A_42] : memref<160000xi32, #tpu.memory_space<hbm>> -> memref<800xi32, #tpu.memory_space<hbm>>
        tpu.enqueue_dma source(%dma_start3A_50 : memref<800xi32, #tpu.memory_space<hbm>>) target(%arg5 : memref<800xi32, #tpu.memory_space<vmem>>) target_semaphore(%run_scoped3A : memref<!tpu.dma_semaphore, #tpu.memory_space<semaphore_mem>>)
        %dma_wait3A_51 = tpu.memref_slice %arg3[%add3A_42] : memref<160000xi32, #tpu.memory_space<hbm>> -> memref<800xi32, #tpu.memory_space<hbm>>
        %dma_wait3A_52 = tpu.memref_slice %arg3[%add3A_42] : memref<160000xi32, #tpu.memory_space<hbm>> -> memref<800xi32, #tpu.memory_space<hbm>>
        tpu.wait_dma2 semaphore(%run_scoped3A : memref<!tpu.dma_semaphore, #tpu.memory_space<semaphore_mem>>) src(%dma_wait3A_52 : memref<800xi32, #tpu.memory_space<hbm>>) dst(%arg5 : memref<800xi32, #tpu.memory_space<vmem>>)
        tpu.yield
      }) : () -> ()
      %dma_start3A_43 = arith.constant 0 : i32
      %dma_start3A_44 = arith.constant 0 : i32
      %dma_start3A_45 = tpu.memref_slice %arg2[%dma_start3A_43, %dma_start3A_44] : memref<10000x128xf32, #tpu.memory_space<hbm>> -> memref<10000x128xf32, #tpu.memory_space<hbm>>
      tpu.enqueue_indirect_dma source(%dma_start3A_45 : memref<10000x128xf32, #tpu.memory_space<hbm>>) target(%arg6 : memref<800x128xf32, #tpu.memory_space<vmem>>) offsets(%arg5 : memref<800xi32, #tpu.memory_space<vmem>>) semaphore(%arg7 : memref<!tpu.dma_semaphore, #tpu.memory_space<semaphore_mem>>)
      %dma_wait3A_46 = arith.constant 0 : i32
      %dma_wait3A_47 = arith.constant 0 : i32
      %dma_wait3A_48 = tpu.memref_slice %arg2[%dma_wait3A_46, %dma_wait3A_47] : memref<10000x128xf32, #tpu.memory_space<hbm>> -> memref<10000x128xf32, #tpu.memory_space<hbm>>
      tpu.wait_indirect_dma semaphore(%arg7 : memref<!tpu.dma_semaphore, #tpu.memory_space<semaphore_mem>>) src(%dma_wait3A_48 : memref<10000x128xf32, #tpu.memory_space<hbm>>) dst(%arg6 : memref<800x128xf32, #tpu.memory_space<vmem>>)
      "tpu.region"() ({
        %run_scoped3A = tpu.sem_alloc : memref<!tpu.dma_semaphore, #tpu.memory_space<semaphore_mem>>
        %dma_start3A_49 = arith.constant 0 : i32
        %dma_start3A_50 = tpu.memref_slice %arg4[%mul3A_40, %dma_start3A_49] : memref<80000x128xf32, #tpu.memory_space<hbm>> -> memref<800x128xf32, #tpu.memory_space<hbm>>
        %dma_start3A_51 = arith.constant 0 : i32
        %dma_start3A_52 = tpu.memref_slice %arg4[%mul3A_40, %dma_start3A_51] : memref<80000x128xf32, #tpu.memory_space<hbm>> -> memref<800x128xf32, #tpu.memory_space<hbm>>
        tpu.enqueue_dma source(%arg6 : memref<800x128xf32, #tpu.memory_space<vmem>>) target(%dma_start3A_52 : memref<800x128xf32, #tpu.memory_space<hbm>>) target_semaphore(%run_scoped3A : memref<!tpu.dma_semaphore, #tpu.memory_space<semaphore_mem>>)
        %dma_wait3A_53 = arith.constant 0 : i32
        %dma_wait3A_54 = tpu.memref_slice %arg4[%mul3A_40, %dma_wait3A_53] : memref<80000x128xf32, #tpu.memory_space<hbm>> -> memref<800x128xf32, #tpu.memory_space<hbm>>
        %dma_wait3A_55 = arith.constant 0 : i32
        %dma_wait3A_56 = tpu.memref_slice %arg4[%mul3A_40, %dma_wait3A_55] : memref<80000x128xf32, #tpu.memory_space<hbm>> -> memref<800x128xf32, #tpu.memory_space<hbm>>
        tpu.wait_dma2 semaphore(%run_scoped3A : memref<!tpu.dma_semaphore, #tpu.memory_space<semaphore_mem>>) src(%arg6 : memref<800x128xf32, #tpu.memory_space<vmem>>) dst(%dma_wait3A_56 : memref<800x128xf32, #tpu.memory_space<hbm>>)
        tpu.yield
      }) : () -> ()
    } else {
    }
    return
  }
}

module attributes {stable_mosaic.version = 14 : i64} {
  func.func @_edge_body(%arg0: i32, %arg1: memref<3200x16xf32, #tpu.memory_space<vmem>>, %arg2: memref<3200x128xf32, #tpu.memory_space<vmem>>, %arg3: memref<16x32xf32, #tpu.memory_space<vmem>>, %arg4: memref<32x1xf32, #tpu.memory_space<vmem>>, %arg5: memref<48x1056xf32, #tpu.memory_space<vmem>>, %arg6: memref<3200x48xf32, #tpu.memory_space<vmem>>) attributes {dimension_semantics = [#tpu.dimension_semantics<arbitrary>], iteration_bounds = array<i64: 25>, scalar_prefetch = 0 : i64, scratch_operands = 0 : i64, tpu.core_type = #tpu.core_type<tc>, window_params = [{transform_indices = @transform_0, window_bounds = array<i64: 3200, 16>}, {transform_indices = @transform_1, window_bounds = array<i64: 3200, 128>}, {pipeline_mode = #tpu.pipeline_mode<synchronous>, transform_indices = @transform_2, window_bounds = array<i64: 16, 32>}, {pipeline_mode = #tpu.pipeline_mode<synchronous>, transform_indices = @transform_3, window_bounds = array<i64: 32, 1>}, {pipeline_mode = #tpu.pipeline_mode<synchronous>, transform_indices = @transform_4, window_bounds = array<i64: 48, 1056>}, {transform_indices = @transform_5, window_bounds = array<i64: 3200, 48>}]} {
    %get3A = arith.constant 0 : index
    %get3A_0 = arith.constant 0 : index
    %get3A_1 = vector.load %arg3[%get3A, %get3A_0] : memref<16x32xf32, #tpu.memory_space<vmem>>, vector<16x32xf32>
    %get3A_2 = arith.constant 0 : index
    %get3A_3 = arith.constant 0 : index
    %get3A_4 = vector.load %arg1[%get3A_2, %get3A_3] : memref<3200x16xf32, #tpu.memory_space<vmem>>, vector<3200x16xf32>
    %dot_general3A = arith.constant dense<0.000000e+00> : vector<32x3200xf32>
    %dot_general3A_5 = tpu.matmul %get3A_1, %get3A_4, %dot_general3A {dimension_numbers = #tpu.dot_dimension_numbers<[0], [1], [1], [0], [0, 1, 1, 0], [], []>, transpose_lhs_hint = false} : vector<16x32xf32>, vector<3200x16xf32>, vector<32x3200xf32> -> vector<32x3200xf32>
    %get3A_6 = arith.constant 0 : index
    %get3A_7 = arith.constant 0 : index
    %get3A_8 = vector.load %arg4[%get3A_6, %get3A_7] : memref<32x1xf32, #tpu.memory_space<vmem>>, vector<32x1xf32>
    %add3A = vector.broadcast %get3A_8 : vector<32x1xf32> to vector<32x3200xf32>
    %add3A_9 = arith.addf %dot_general3A_5, %add3A : vector<32x3200xf32>
    %max3A = arith.constant 0.000000e+00 : f32
    %max3A_10 = vector.broadcast %max3A : f32 to vector<32x3200xf32>
    %max3A_11 = arith.maximumf %add3A_9, %max3A_10 : vector<32x3200xf32>
    %get3A_12 = arith.constant 0 : index
    %get3A_13 = arith.constant 0 : index
    %get3A_14 = vector.load %arg2[%get3A_12, %get3A_13] : memref<3200x128xf32, #tpu.memory_space<vmem>>, vector<3200x48xf32>
    %get3A_15 = arith.constant 0 : index
    %get3A_16 = arith.constant 0 : index
    %get3A_17 = vector.load %arg5[%get3A_15, %get3A_16] : memref<48x1056xf32, #tpu.memory_space<vmem>>, vector<48x1056xf32>
    %dot_general3A_18 = arith.constant dense<0.000000e+00> : vector<1056x3200xf32>
    %dot_general3A_19 = tpu.matmul %get3A_17, %get3A_14, %dot_general3A_18 {dimension_numbers = #tpu.dot_dimension_numbers<[0], [1], [1], [0], [0, 1, 1, 0], [], []>, transpose_lhs_hint = false} : vector<48x1056xf32>, vector<3200x48xf32>, vector<1056x3200xf32> -> vector<1056x3200xf32>
    %slice3A = vector.extract_strided_slice %dot_general3A_19 {offsets = [1024, 0], sizes = [32, 3200], strides = [1, 1]} : vector<1056x3200xf32> to vector<32x3200xf32>
    %slice3A_20 = vector.extract_strided_slice %max3A_11 {offsets = [0, 0], sizes = [1, 3200], strides = [1, 1]} : vector<32x3200xf32> to vector<1x3200xf32>
    %slice3A_21 = vector.extract_strided_slice %dot_general3A_19 {offsets = [0, 0], sizes = [32, 3200], strides = [1, 1]} : vector<1056x3200xf32> to vector<32x3200xf32>
    %mul3A = vector.broadcast %slice3A_20 : vector<1x3200xf32> to vector<32x3200xf32>
    %mul3A_22 = arith.mulf %mul3A, %slice3A_21 : vector<32x3200xf32>
    %add3A_23 = arith.addf %slice3A, %mul3A_22 : vector<32x3200xf32>
    %slice3A_24 = vector.extract_strided_slice %max3A_11 {offsets = [1, 0], sizes = [1, 3200], strides = [1, 1]} : vector<32x3200xf32> to vector<1x3200xf32>
    %slice3A_25 = vector.extract_strided_slice %dot_general3A_19 {offsets = [32, 0], sizes = [32, 3200], strides = [1, 1]} : vector<1056x3200xf32> to vector<32x3200xf32>
    %mul3A_26 = vector.broadcast %slice3A_24 : vector<1x3200xf32> to vector<32x3200xf32>
    %mul3A_27 = arith.mulf %mul3A_26, %slice3A_25 : vector<32x3200xf32>
    %add3A_28 = arith.addf %add3A_23, %mul3A_27 : vector<32x3200xf32>
    %slice3A_29 = vector.extract_strided_slice %max3A_11 {offsets = [2, 0], sizes = [1, 3200], strides = [1, 1]} : vector<32x3200xf32> to vector<1x3200xf32>
    %slice3A_30 = vector.extract_strided_slice %dot_general3A_19 {offsets = [64, 0], sizes = [32, 3200], strides = [1, 1]} : vector<1056x3200xf32> to vector<32x3200xf32>
    %mul3A_31 = vector.broadcast %slice3A_29 : vector<1x3200xf32> to vector<32x3200xf32>
    %mul3A_32 = arith.mulf %mul3A_31, %slice3A_30 : vector<32x3200xf32>
    %add3A_33 = arith.addf %add3A_28, %mul3A_32 : vector<32x3200xf32>
    %slice3A_34 = vector.extract_strided_slice %max3A_11 {offsets = [3, 0], sizes = [1, 3200], strides = [1, 1]} : vector<32x3200xf32> to vector<1x3200xf32>
    %slice3A_35 = vector.extract_strided_slice %dot_general3A_19 {offsets = [96, 0], sizes = [32, 3200], strides = [1, 1]} : vector<1056x3200xf32> to vector<32x3200xf32>
    %mul3A_36 = vector.broadcast %slice3A_34 : vector<1x3200xf32> to vector<32x3200xf32>
    %mul3A_37 = arith.mulf %mul3A_36, %slice3A_35 : vector<32x3200xf32>
    %add3A_38 = arith.addf %add3A_33, %mul3A_37 : vector<32x3200xf32>
    %slice3A_39 = vector.extract_strided_slice %max3A_11 {offsets = [4, 0], sizes = [1, 3200], strides = [1, 1]} : vector<32x3200xf32> to vector<1x3200xf32>
    %slice3A_40 = vector.extract_strided_slice %dot_general3A_19 {offsets = [128, 0], sizes = [32, 3200], strides = [1, 1]} : vector<1056x3200xf32> to vector<32x3200xf32>
    %mul3A_41 = vector.broadcast %slice3A_39 : vector<1x3200xf32> to vector<32x3200xf32>
    %mul3A_42 = arith.mulf %mul3A_41, %slice3A_40 : vector<32x3200xf32>
    %add3A_43 = arith.addf %add3A_38, %mul3A_42 : vector<32x3200xf32>
    %slice3A_44 = vector.extract_strided_slice %max3A_11 {offsets = [5, 0], sizes = [1, 3200], strides = [1, 1]} : vector<32x3200xf32> to vector<1x3200xf32>
    %slice3A_45 = vector.extract_strided_slice %dot_general3A_19 {offsets = [160, 0], sizes = [32, 3200], strides = [1, 1]} : vector<1056x3200xf32> to vector<32x3200xf32>
    %mul3A_46 = vector.broadcast %slice3A_44 : vector<1x3200xf32> to vector<32x3200xf32>
    %mul3A_47 = arith.mulf %mul3A_46, %slice3A_45 : vector<32x3200xf32>
    %add3A_48 = arith.addf %add3A_43, %mul3A_47 : vector<32x3200xf32>
    %slice3A_49 = vector.extract_strided_slice %max3A_11 {offsets = [6, 0], sizes = [1, 3200], strides = [1, 1]} : vector<32x3200xf32> to vector<1x3200xf32>
    %slice3A_50 = vector.extract_strided_slice %dot_general3A_19 {offsets = [192, 0], sizes = [32, 3200], strides = [1, 1]} : vector<1056x3200xf32> to vector<32x3200xf32>
    %mul3A_51 = vector.broadcast %slice3A_49 : vector<1x3200xf32> to vector<32x3200xf32>
    %mul3A_52 = arith.mulf %mul3A_51, %slice3A_50 : vector<32x3200xf32>
    %add3A_53 = arith.addf %add3A_48, %mul3A_52 : vector<32x3200xf32>
    %slice3A_54 = vector.extract_strided_slice %max3A_11 {offsets = [7, 0], sizes = [1, 3200], strides = [1, 1]} : vector<32x3200xf32> to vector<1x3200xf32>
    %slice3A_55 = vector.extract_strided_slice %dot_general3A_19 {offsets = [224, 0], sizes = [32, 3200], strides = [1, 1]} : vector<1056x3200xf32> to vector<32x3200xf32>
    %mul3A_56 = vector.broadcast %slice3A_54 : vector<1x3200xf32> to vector<32x3200xf32>
    %mul3A_57 = arith.mulf %mul3A_56, %slice3A_55 : vector<32x3200xf32>
    %add3A_58 = arith.addf %add3A_53, %mul3A_57 : vector<32x3200xf32>
    %slice3A_59 = vector.extract_strided_slice %max3A_11 {offsets = [8, 0], sizes = [1, 3200], strides = [1, 1]} : vector<32x3200xf32> to vector<1x3200xf32>
    %slice3A_60 = vector.extract_strided_slice %dot_general3A_19 {offsets = [256, 0], sizes = [32, 3200], strides = [1, 1]} : vector<1056x3200xf32> to vector<32x3200xf32>
    %mul3A_61 = vector.broadcast %slice3A_59 : vector<1x3200xf32> to vector<32x3200xf32>
    %mul3A_62 = arith.mulf %mul3A_61, %slice3A_60 : vector<32x3200xf32>
    %add3A_63 = arith.addf %add3A_58, %mul3A_62 : vector<32x3200xf32>
    %slice3A_64 = vector.extract_strided_slice %max3A_11 {offsets = [9, 0], sizes = [1, 3200], strides = [1, 1]} : vector<32x3200xf32> to vector<1x3200xf32>
    %slice3A_65 = vector.extract_strided_slice %dot_general3A_19 {offsets = [288, 0], sizes = [32, 3200], strides = [1, 1]} : vector<1056x3200xf32> to vector<32x3200xf32>
    %mul3A_66 = vector.broadcast %slice3A_64 : vector<1x3200xf32> to vector<32x3200xf32>
    %mul3A_67 = arith.mulf %mul3A_66, %slice3A_65 : vector<32x3200xf32>
    %add3A_68 = arith.addf %add3A_63, %mul3A_67 : vector<32x3200xf32>
    %slice3A_69 = vector.extract_strided_slice %max3A_11 {offsets = [10, 0], sizes = [1, 3200], strides = [1, 1]} : vector<32x3200xf32> to vector<1x3200xf32>
    %slice3A_70 = vector.extract_strided_slice %dot_general3A_19 {offsets = [320, 0], sizes = [32, 3200], strides = [1, 1]} : vector<1056x3200xf32> to vector<32x3200xf32>
    %mul3A_71 = vector.broadcast %slice3A_69 : vector<1x3200xf32> to vector<32x3200xf32>
    %mul3A_72 = arith.mulf %mul3A_71, %slice3A_70 : vector<32x3200xf32>
    %add3A_73 = arith.addf %add3A_68, %mul3A_72 : vector<32x3200xf32>
    %slice3A_74 = vector.extract_strided_slice %max3A_11 {offsets = [11, 0], sizes = [1, 3200], strides = [1, 1]} : vector<32x3200xf32> to vector<1x3200xf32>
    %slice3A_75 = vector.extract_strided_slice %dot_general3A_19 {offsets = [352, 0], sizes = [32, 3200], strides = [1, 1]} : vector<1056x3200xf32> to vector<32x3200xf32>
    %mul3A_76 = vector.broadcast %slice3A_74 : vector<1x3200xf32> to vector<32x3200xf32>
    %mul3A_77 = arith.mulf %mul3A_76, %slice3A_75 : vector<32x3200xf32>
    %add3A_78 = arith.addf %add3A_73, %mul3A_77 : vector<32x3200xf32>
    %slice3A_79 = vector.extract_strided_slice %max3A_11 {offsets = [12, 0], sizes = [1, 3200], strides = [1, 1]} : vector<32x3200xf32> to vector<1x3200xf32>
    %slice3A_80 = vector.extract_strided_slice %dot_general3A_19 {offsets = [384, 0], sizes = [32, 3200], strides = [1, 1]} : vector<1056x3200xf32> to vector<32x3200xf32>
    %mul3A_81 = vector.broadcast %slice3A_79 : vector<1x3200xf32> to vector<32x3200xf32>
    %mul3A_82 = arith.mulf %mul3A_81, %slice3A_80 : vector<32x3200xf32>
    %add3A_83 = arith.addf %add3A_78, %mul3A_82 : vector<32x3200xf32>
    %slice3A_84 = vector.extract_strided_slice %max3A_11 {offsets = [13, 0], sizes = [1, 3200], strides = [1, 1]} : vector<32x3200xf32> to vector<1x3200xf32>
    %slice3A_85 = vector.extract_strided_slice %dot_general3A_19 {offsets = [416, 0], sizes = [32, 3200], strides = [1, 1]} : vector<1056x3200xf32> to vector<32x3200xf32>
    %mul3A_86 = vector.broadcast %slice3A_84 : vector<1x3200xf32> to vector<32x3200xf32>
    %mul3A_87 = arith.mulf %mul3A_86, %slice3A_85 : vector<32x3200xf32>
    %add3A_88 = arith.addf %add3A_83, %mul3A_87 : vector<32x3200xf32>
    %slice3A_89 = vector.extract_strided_slice %max3A_11 {offsets = [14, 0], sizes = [1, 3200], strides = [1, 1]} : vector<32x3200xf32> to vector<1x3200xf32>
    %slice3A_90 = vector.extract_strided_slice %dot_general3A_19 {offsets = [448, 0], sizes = [32, 3200], strides = [1, 1]} : vector<1056x3200xf32> to vector<32x3200xf32>
    %mul3A_91 = vector.broadcast %slice3A_89 : vector<1x3200xf32> to vector<32x3200xf32>
    %mul3A_92 = arith.mulf %mul3A_91, %slice3A_90 : vector<32x3200xf32>
    %add3A_93 = arith.addf %add3A_88, %mul3A_92 : vector<32x3200xf32>
    %slice3A_94 = vector.extract_strided_slice %max3A_11 {offsets = [15, 0], sizes = [1, 3200], strides = [1, 1]} : vector<32x3200xf32> to vector<1x3200xf32>
    %slice3A_95 = vector.extract_strided_slice %dot_general3A_19 {offsets = [480, 0], sizes = [32, 3200], strides = [1, 1]} : vector<1056x3200xf32> to vector<32x3200xf32>
    %mul3A_96 = vector.broadcast %slice3A_94 : vector<1x3200xf32> to vector<32x3200xf32>
    %mul3A_97 = arith.mulf %mul3A_96, %slice3A_95 : vector<32x3200xf32>
    %add3A_98 = arith.addf %add3A_93, %mul3A_97 : vector<32x3200xf32>
    %slice3A_99 = vector.extract_strided_slice %max3A_11 {offsets = [16, 0], sizes = [1, 3200], strides = [1, 1]} : vector<32x3200xf32> to vector<1x3200xf32>
    %slice3A_100 = vector.extract_strided_slice %dot_general3A_19 {offsets = [512, 0], sizes = [32, 3200], strides = [1, 1]} : vector<1056x3200xf32> to vector<32x3200xf32>
    %mul3A_101 = vector.broadcast %slice3A_99 : vector<1x3200xf32> to vector<32x3200xf32>
    %mul3A_102 = arith.mulf %mul3A_101, %slice3A_100 : vector<32x3200xf32>
    %add3A_103 = arith.addf %add3A_98, %mul3A_102 : vector<32x3200xf32>
    %slice3A_104 = vector.extract_strided_slice %max3A_11 {offsets = [17, 0], sizes = [1, 3200], strides = [1, 1]} : vector<32x3200xf32> to vector<1x3200xf32>
    %slice3A_105 = vector.extract_strided_slice %dot_general3A_19 {offsets = [544, 0], sizes = [32, 3200], strides = [1, 1]} : vector<1056x3200xf32> to vector<32x3200xf32>
    %mul3A_106 = vector.broadcast %slice3A_104 : vector<1x3200xf32> to vector<32x3200xf32>
    %mul3A_107 = arith.mulf %mul3A_106, %slice3A_105 : vector<32x3200xf32>
    %add3A_108 = arith.addf %add3A_103, %mul3A_107 : vector<32x3200xf32>
    %slice3A_109 = vector.extract_strided_slice %max3A_11 {offsets = [18, 0], sizes = [1, 3200], strides = [1, 1]} : vector<32x3200xf32> to vector<1x3200xf32>
    %slice3A_110 = vector.extract_strided_slice %dot_general3A_19 {offsets = [576, 0], sizes = [32, 3200], strides = [1, 1]} : vector<1056x3200xf32> to vector<32x3200xf32>
    %mul3A_111 = vector.broadcast %slice3A_109 : vector<1x3200xf32> to vector<32x3200xf32>
    %mul3A_112 = arith.mulf %mul3A_111, %slice3A_110 : vector<32x3200xf32>
    %add3A_113 = arith.addf %add3A_108, %mul3A_112 : vector<32x3200xf32>
    %slice3A_114 = vector.extract_strided_slice %max3A_11 {offsets = [19, 0], sizes = [1, 3200], strides = [1, 1]} : vector<32x3200xf32> to vector<1x3200xf32>
    %slice3A_115 = vector.extract_strided_slice %dot_general3A_19 {offsets = [608, 0], sizes = [32, 3200], strides = [1, 1]} : vector<1056x3200xf32> to vector<32x3200xf32>
    %mul3A_116 = vector.broadcast %slice3A_114 : vector<1x3200xf32> to vector<32x3200xf32>
    %mul3A_117 = arith.mulf %mul3A_116, %slice3A_115 : vector<32x3200xf32>
    %add3A_118 = arith.addf %add3A_113, %mul3A_117 : vector<32x3200xf32>
    %slice3A_119 = vector.extract_strided_slice %max3A_11 {offsets = [20, 0], sizes = [1, 3200], strides = [1, 1]} : vector<32x3200xf32> to vector<1x3200xf32>
    %slice3A_120 = vector.extract_strided_slice %dot_general3A_19 {offsets = [640, 0], sizes = [32, 3200], strides = [1, 1]} : vector<1056x3200xf32> to vector<32x3200xf32>
    %mul3A_121 = vector.broadcast %slice3A_119 : vector<1x3200xf32> to vector<32x3200xf32>
    %mul3A_122 = arith.mulf %mul3A_121, %slice3A_120 : vector<32x3200xf32>
    %add3A_123 = arith.addf %add3A_118, %mul3A_122 : vector<32x3200xf32>
    %slice3A_124 = vector.extract_strided_slice %max3A_11 {offsets = [21, 0], sizes = [1, 3200], strides = [1, 1]} : vector<32x3200xf32> to vector<1x3200xf32>
    %slice3A_125 = vector.extract_strided_slice %dot_general3A_19 {offsets = [672, 0], sizes = [32, 3200], strides = [1, 1]} : vector<1056x3200xf32> to vector<32x3200xf32>
    %mul3A_126 = vector.broadcast %slice3A_124 : vector<1x3200xf32> to vector<32x3200xf32>
    %mul3A_127 = arith.mulf %mul3A_126, %slice3A_125 : vector<32x3200xf32>
    %add3A_128 = arith.addf %add3A_123, %mul3A_127 : vector<32x3200xf32>
    %slice3A_129 = vector.extract_strided_slice %max3A_11 {offsets = [22, 0], sizes = [1, 3200], strides = [1, 1]} : vector<32x3200xf32> to vector<1x3200xf32>
    %slice3A_130 = vector.extract_strided_slice %dot_general3A_19 {offsets = [704, 0], sizes = [32, 3200], strides = [1, 1]} : vector<1056x3200xf32> to vector<32x3200xf32>
    %mul3A_131 = vector.broadcast %slice3A_129 : vector<1x3200xf32> to vector<32x3200xf32>
    %mul3A_132 = arith.mulf %mul3A_131, %slice3A_130 : vector<32x3200xf32>
    %add3A_133 = arith.addf %add3A_128, %mul3A_132 : vector<32x3200xf32>
    %slice3A_134 = vector.extract_strided_slice %max3A_11 {offsets = [23, 0], sizes = [1, 3200], strides = [1, 1]} : vector<32x3200xf32> to vector<1x3200xf32>
    %slice3A_135 = vector.extract_strided_slice %dot_general3A_19 {offsets = [736, 0], sizes = [32, 3200], strides = [1, 1]} : vector<1056x3200xf32> to vector<32x3200xf32>
    %mul3A_136 = vector.broadcast %slice3A_134 : vector<1x3200xf32> to vector<32x3200xf32>
    %mul3A_137 = arith.mulf %mul3A_136, %slice3A_135 : vector<32x3200xf32>
    %add3A_138 = arith.addf %add3A_133, %mul3A_137 : vector<32x3200xf32>
    %slice3A_139 = vector.extract_strided_slice %max3A_11 {offsets = [24, 0], sizes = [1, 3200], strides = [1, 1]} : vector<32x3200xf32> to vector<1x3200xf32>
    %slice3A_140 = vector.extract_strided_slice %dot_general3A_19 {offsets = [768, 0], sizes = [32, 3200], strides = [1, 1]} : vector<1056x3200xf32> to vector<32x3200xf32>
    %mul3A_141 = vector.broadcast %slice3A_139 : vector<1x3200xf32> to vector<32x3200xf32>
    %mul3A_142 = arith.mulf %mul3A_141, %slice3A_140 : vector<32x3200xf32>
    %add3A_143 = arith.addf %add3A_138, %mul3A_142 : vector<32x3200xf32>
    %slice3A_144 = vector.extract_strided_slice %max3A_11 {offsets = [25, 0], sizes = [1, 3200], strides = [1, 1]} : vector<32x3200xf32> to vector<1x3200xf32>
    %slice3A_145 = vector.extract_strided_slice %dot_general3A_19 {offsets = [800, 0], sizes = [32, 3200], strides = [1, 1]} : vector<1056x3200xf32> to vector<32x3200xf32>
    %mul3A_146 = vector.broadcast %slice3A_144 : vector<1x3200xf32> to vector<32x3200xf32>
    %mul3A_147 = arith.mulf %mul3A_146, %slice3A_145 : vector<32x3200xf32>
    %add3A_148 = arith.addf %add3A_143, %mul3A_147 : vector<32x3200xf32>
    %slice3A_149 = vector.extract_strided_slice %max3A_11 {offsets = [26, 0], sizes = [1, 3200], strides = [1, 1]} : vector<32x3200xf32> to vector<1x3200xf32>
    %slice3A_150 = vector.extract_strided_slice %dot_general3A_19 {offsets = [832, 0], sizes = [32, 3200], strides = [1, 1]} : vector<1056x3200xf32> to vector<32x3200xf32>
    %mul3A_151 = vector.broadcast %slice3A_149 : vector<1x3200xf32> to vector<32x3200xf32>
    %mul3A_152 = arith.mulf %mul3A_151, %slice3A_150 : vector<32x3200xf32>
    %add3A_153 = arith.addf %add3A_148, %mul3A_152 : vector<32x3200xf32>
    %slice3A_154 = vector.extract_strided_slice %max3A_11 {offsets = [27, 0], sizes = [1, 3200], strides = [1, 1]} : vector<32x3200xf32> to vector<1x3200xf32>
    %slice3A_155 = vector.extract_strided_slice %dot_general3A_19 {offsets = [864, 0], sizes = [32, 3200], strides = [1, 1]} : vector<1056x3200xf32> to vector<32x3200xf32>
    %mul3A_156 = vector.broadcast %slice3A_154 : vector<1x3200xf32> to vector<32x3200xf32>
    %mul3A_157 = arith.mulf %mul3A_156, %slice3A_155 : vector<32x3200xf32>
    %add3A_158 = arith.addf %add3A_153, %mul3A_157 : vector<32x3200xf32>
    %slice3A_159 = vector.extract_strided_slice %max3A_11 {offsets = [28, 0], sizes = [1, 3200], strides = [1, 1]} : vector<32x3200xf32> to vector<1x3200xf32>
    %slice3A_160 = vector.extract_strided_slice %dot_general3A_19 {offsets = [896, 0], sizes = [32, 3200], strides = [1, 1]} : vector<1056x3200xf32> to vector<32x3200xf32>
    %mul3A_161 = vector.broadcast %slice3A_159 : vector<1x3200xf32> to vector<32x3200xf32>
    %mul3A_162 = arith.mulf %mul3A_161, %slice3A_160 : vector<32x3200xf32>
    %add3A_163 = arith.addf %add3A_158, %mul3A_162 : vector<32x3200xf32>
    %slice3A_164 = vector.extract_strided_slice %max3A_11 {offsets = [29, 0], sizes = [1, 3200], strides = [1, 1]} : vector<32x3200xf32> to vector<1x3200xf32>
    %slice3A_165 = vector.extract_strided_slice %dot_general3A_19 {offsets = [928, 0], sizes = [32, 3200], strides = [1, 1]} : vector<1056x3200xf32> to vector<32x3200xf32>
    %mul3A_166 = vector.broadcast %slice3A_164 : vector<1x3200xf32> to vector<32x3200xf32>
    %mul3A_167 = arith.mulf %mul3A_166, %slice3A_165 : vector<32x3200xf32>
    %add3A_168 = arith.addf %add3A_163, %mul3A_167 : vector<32x3200xf32>
    %slice3A_169 = vector.extract_strided_slice %max3A_11 {offsets = [30, 0], sizes = [1, 3200], strides = [1, 1]} : vector<32x3200xf32> to vector<1x3200xf32>
    %slice3A_170 = vector.extract_strided_slice %dot_general3A_19 {offsets = [960, 0], sizes = [32, 3200], strides = [1, 1]} : vector<1056x3200xf32> to vector<32x3200xf32>
    %mul3A_171 = vector.broadcast %slice3A_169 : vector<1x3200xf32> to vector<32x3200xf32>
    %mul3A_172 = arith.mulf %mul3A_171, %slice3A_170 : vector<32x3200xf32>
    %add3A_173 = arith.addf %add3A_168, %mul3A_172 : vector<32x3200xf32>
    %slice3A_174 = vector.extract_strided_slice %max3A_11 {offsets = [31, 0], sizes = [1, 3200], strides = [1, 1]} : vector<32x3200xf32> to vector<1x3200xf32>
    %slice3A_175 = vector.extract_strided_slice %dot_general3A_19 {offsets = [992, 0], sizes = [32, 3200], strides = [1, 1]} : vector<1056x3200xf32> to vector<32x3200xf32>
    %mul3A_176 = vector.broadcast %slice3A_174 : vector<1x3200xf32> to vector<32x3200xf32>
    %mul3A_177 = arith.mulf %mul3A_176, %slice3A_175 : vector<32x3200xf32>
    %add3A_178 = arith.addf %add3A_173, %mul3A_177 : vector<32x3200xf32>
    %transpose3A = tpu.transpose %add3A_178, [1, 0] : vector<32x3200xf32> -> vector<3200x32xf32>
    %swap3A = arith.constant 0 : index
    %swap3A_179 = arith.constant 0 : index
    %swap3A_180 = vector.load %arg6[%swap3A, %swap3A_179] : memref<3200x48xf32, #tpu.memory_space<vmem>>, vector<3200x32xf32>
    tpu.vector_store %arg6[%swap3A, %swap3A_179], %transpose3A {strides = array<i32>} : memref<3200x48xf32, #tpu.memory_space<vmem>>, vector<3200x32xf32>,
    %iota3A = tpu.iota {dimensions = array<i32: 1>} : vector<3200x16xi32>
    %eq3A = arith.constant 0 : i32
    %eq3A_181 = vector.broadcast %eq3A : i32 to vector<3200x16xi32>
    %eq3A_182 = arith.cmpi eq, %iota3A, %eq3A_181 : vector<3200x16xi32>
    %convert_element_type3A = arith.extui %eq3A_182 : vector<3200x16xi1> to vector<3200x16xi32>
    %convert_element_type3A_183 = arith.sitofp %convert_element_type3A : vector<3200x16xi32> to vector<3200x16xf32>
    %swap3A_184 = arith.constant 0 : index
    %swap3A_185 = arith.constant 32 : index
    %swap3A_186 = vector.load %arg6[%swap3A_184, %swap3A_185] : memref<3200x48xf32, #tpu.memory_space<vmem>>, vector<3200x16xf32>
    tpu.vector_store %arg6[%swap3A_184, %swap3A_185], %convert_element_type3A_183 {strides = array<i32>} : memref<3200x48xf32, #tpu.memory_space<vmem>>, vector<3200x16xf32>,
    return
  }
  func.func @transform_0(%arg0: i32) -> (i32, i32) {
    %add3A = arith.constant 25 : i32
    %add3A_0 = arith.addi %arg0, %add3A : i32
    %c0_i32 = arith.constant 0 : i32
    %c0_i32_1 = arith.constant 0 : i32
    return %add3A_0, %c0_i32 : i32, i32
  }
  func.func @transform_1(%arg0: i32) -> (i32, i32) {
    %c0_i32 = arith.constant 0 : i32
    %c0_i32_0 = arith.constant 0 : i32
    return %arg0, %c0_i32 : i32, i32
  }
  func.func @transform_2(%arg0: i32) -> (i32, i32) {
    %c0_i32 = arith.constant 0 : i32
    %c0_i32_0 = arith.constant 0 : i32
    %c0_i32_1 = arith.constant 0 : i32
    return %c0_i32, %c0_i32_0 : i32, i32
  }
  func.func @transform_3(%arg0: i32) -> (i32, i32) {
    %c0_i32 = arith.constant 0 : i32
    %c0_i32_0 = arith.constant 0 : i32
    %c0_i32_1 = arith.constant 0 : i32
    return %c0_i32, %c0_i32_0 : i32, i32
  }
  func.func @transform_4(%arg0: i32) -> (i32, i32) {
    %c0_i32 = arith.constant 0 : i32
    %c0_i32_0 = arith.constant 0 : i32
    %c0_i32_1 = arith.constant 0 : i32
    return %c0_i32, %c0_i32_0 : i32, i32
  }
  func.func @transform_5(%arg0: i32) -> (i32, i32) {
    %c0_i32 = arith.constant 0 : i32
    %c0_i32_0 = arith.constant 0 : i32
    return %arg0, %c0_i32 : i32, i32
  }
}

module attributes {stable_mosaic.version = 14 : i64} {
  func.func @_edge_body(%arg0: i32, %arg1: memref<3200x16xf32, #tpu.memory_space<vmem>>, %arg2: memref<3200x128xf32, #tpu.memory_space<vmem>>, %arg3: memref<16x32xf32, #tpu.memory_space<vmem>>, %arg4: memref<32x1xf32, #tpu.memory_space<vmem>>, %arg5: memref<48x1056xf32, #tpu.memory_space<vmem>>, %arg6: memref<3200x48xf32, #tpu.memory_space<vmem>>) attributes {dimension_semantics = [#tpu.dimension_semantics<arbitrary>], iteration_bounds = array<i64: 25>, scalar_prefetch = 0 : i64, scratch_operands = 0 : i64, tpu.core_type = #tpu.core_type<tc>, window_params = [{transform_indices = @transform_0, window_bounds = array<i64: 3200, 16>}, {transform_indices = @transform_1, window_bounds = array<i64: 3200, 128>}, {pipeline_mode = #tpu.pipeline_mode<synchronous>, transform_indices = @transform_2, window_bounds = array<i64: 16, 32>}, {pipeline_mode = #tpu.pipeline_mode<synchronous>, transform_indices = @transform_3, window_bounds = array<i64: 32, 1>}, {pipeline_mode = #tpu.pipeline_mode<synchronous>, transform_indices = @transform_4, window_bounds = array<i64: 48, 1056>}, {transform_indices = @transform_5, window_bounds = array<i64: 3200, 48>}]} {
    %get3A = arith.constant 0 : index
    %get3A_0 = arith.constant 0 : index
    %get3A_1 = vector.load %arg3[%get3A, %get3A_0] : memref<16x32xf32, #tpu.memory_space<vmem>>, vector<16x32xf32>
    %get3A_2 = arith.constant 0 : index
    %get3A_3 = arith.constant 0 : index
    %get3A_4 = vector.load %arg1[%get3A_2, %get3A_3] : memref<3200x16xf32, #tpu.memory_space<vmem>>, vector<3200x16xf32>
    %dot_general3A = arith.constant dense<0.000000e+00> : vector<32x3200xf32>
    %dot_general3A_5 = tpu.matmul %get3A_1, %get3A_4, %dot_general3A {dimension_numbers = #tpu.dot_dimension_numbers<[0], [1], [1], [0], [0, 1, 1, 0], [], []>, transpose_lhs_hint = false} : vector<16x32xf32>, vector<3200x16xf32>, vector<32x3200xf32> -> vector<32x3200xf32>
    %get3A_6 = arith.constant 0 : index
    %get3A_7 = arith.constant 0 : index
    %get3A_8 = vector.load %arg4[%get3A_6, %get3A_7] : memref<32x1xf32, #tpu.memory_space<vmem>>, vector<32x1xf32>
    %add3A = vector.broadcast %get3A_8 : vector<32x1xf32> to vector<32x3200xf32>
    %add3A_9 = arith.addf %dot_general3A_5, %add3A : vector<32x3200xf32>
    %max3A = arith.constant 0.000000e+00 : f32
    %max3A_10 = vector.broadcast %max3A : f32 to vector<32x3200xf32>
    %max3A_11 = arith.maximumf %add3A_9, %max3A_10 : vector<32x3200xf32>
    %get3A_12 = arith.constant 0 : index
    %get3A_13 = arith.constant 0 : index
    %get3A_14 = vector.load %arg2[%get3A_12, %get3A_13] : memref<3200x128xf32, #tpu.memory_space<vmem>>, vector<3200x48xf32>
    %get3A_15 = arith.constant 0 : index
    %get3A_16 = arith.constant 0 : index
    %get3A_17 = vector.load %arg5[%get3A_15, %get3A_16] : memref<48x1056xf32, #tpu.memory_space<vmem>>, vector<48x1056xf32>
    %dot_general3A_18 = arith.constant dense<0.000000e+00> : vector<1056x3200xf32>
    %dot_general3A_19 = tpu.matmul %get3A_17, %get3A_14, %dot_general3A_18 {dimension_numbers = #tpu.dot_dimension_numbers<[0], [1], [1], [0], [0, 1, 1, 0], [], []>, transpose_lhs_hint = false} : vector<48x1056xf32>, vector<3200x48xf32>, vector<1056x3200xf32> -> vector<1056x3200xf32>
    %slice3A = vector.extract_strided_slice %dot_general3A_19 {offsets = [1024, 0], sizes = [32, 3200], strides = [1, 1]} : vector<1056x3200xf32> to vector<32x3200xf32>
    %slice3A_20 = vector.extract_strided_slice %max3A_11 {offsets = [0, 0], sizes = [1, 3200], strides = [1, 1]} : vector<32x3200xf32> to vector<1x3200xf32>
    %slice3A_21 = vector.extract_strided_slice %dot_general3A_19 {offsets = [0, 0], sizes = [32, 3200], strides = [1, 1]} : vector<1056x3200xf32> to vector<32x3200xf32>
    %mul3A = vector.broadcast %slice3A_20 : vector<1x3200xf32> to vector<32x3200xf32>
    %mul3A_22 = arith.mulf %mul3A, %slice3A_21 : vector<32x3200xf32>
    %add3A_23 = arith.addf %slice3A, %mul3A_22 : vector<32x3200xf32>
    %slice3A_24 = vector.extract_strided_slice %max3A_11 {offsets = [1, 0], sizes = [1, 3200], strides = [1, 1]} : vector<32x3200xf32> to vector<1x3200xf32>
    %slice3A_25 = vector.extract_strided_slice %dot_general3A_19 {offsets = [32, 0], sizes = [32, 3200], strides = [1, 1]} : vector<1056x3200xf32> to vector<32x3200xf32>
    %mul3A_26 = vector.broadcast %slice3A_24 : vector<1x3200xf32> to vector<32x3200xf32>
    %mul3A_27 = arith.mulf %mul3A_26, %slice3A_25 : vector<32x3200xf32>
    %add3A_28 = arith.addf %add3A_23, %mul3A_27 : vector<32x3200xf32>
    %slice3A_29 = vector.extract_strided_slice %max3A_11 {offsets = [2, 0], sizes = [1, 3200], strides = [1, 1]} : vector<32x3200xf32> to vector<1x3200xf32>
    %slice3A_30 = vector.extract_strided_slice %dot_general3A_19 {offsets = [64, 0], sizes = [32, 3200], strides = [1, 1]} : vector<1056x3200xf32> to vector<32x3200xf32>
    %mul3A_31 = vector.broadcast %slice3A_29 : vector<1x3200xf32> to vector<32x3200xf32>
    %mul3A_32 = arith.mulf %mul3A_31, %slice3A_30 : vector<32x3200xf32>
    %add3A_33 = arith.addf %add3A_28, %mul3A_32 : vector<32x3200xf32>
    %slice3A_34 = vector.extract_strided_slice %max3A_11 {offsets = [3, 0], sizes = [1, 3200], strides = [1, 1]} : vector<32x3200xf32> to vector<1x3200xf32>
    %slice3A_35 = vector.extract_strided_slice %dot_general3A_19 {offsets = [96, 0], sizes = [32, 3200], strides = [1, 1]} : vector<1056x3200xf32> to vector<32x3200xf32>
    %mul3A_36 = vector.broadcast %slice3A_34 : vector<1x3200xf32> to vector<32x3200xf32>
    %mul3A_37 = arith.mulf %mul3A_36, %slice3A_35 : vector<32x3200xf32>
    %add3A_38 = arith.addf %add3A_33, %mul3A_37 : vector<32x3200xf32>
    %slice3A_39 = vector.extract_strided_slice %max3A_11 {offsets = [4, 0], sizes = [1, 3200], strides = [1, 1]} : vector<32x3200xf32> to vector<1x3200xf32>
    %slice3A_40 = vector.extract_strided_slice %dot_general3A_19 {offsets = [128, 0], sizes = [32, 3200], strides = [1, 1]} : vector<1056x3200xf32> to vector<32x3200xf32>
    %mul3A_41 = vector.broadcast %slice3A_39 : vector<1x3200xf32> to vector<32x3200xf32>
    %mul3A_42 = arith.mulf %mul3A_41, %slice3A_40 : vector<32x3200xf32>
    %add3A_43 = arith.addf %add3A_38, %mul3A_42 : vector<32x3200xf32>
    %slice3A_44 = vector.extract_strided_slice %max3A_11 {offsets = [5, 0], sizes = [1, 3200], strides = [1, 1]} : vector<32x3200xf32> to vector<1x3200xf32>
    %slice3A_45 = vector.extract_strided_slice %dot_general3A_19 {offsets = [160, 0], sizes = [32, 3200], strides = [1, 1]} : vector<1056x3200xf32> to vector<32x3200xf32>
    %mul3A_46 = vector.broadcast %slice3A_44 : vector<1x3200xf32> to vector<32x3200xf32>
    %mul3A_47 = arith.mulf %mul3A_46, %slice3A_45 : vector<32x3200xf32>
    %add3A_48 = arith.addf %add3A_43, %mul3A_47 : vector<32x3200xf32>
    %slice3A_49 = vector.extract_strided_slice %max3A_11 {offsets = [6, 0], sizes = [1, 3200], strides = [1, 1]} : vector<32x3200xf32> to vector<1x3200xf32>
    %slice3A_50 = vector.extract_strided_slice %dot_general3A_19 {offsets = [192, 0], sizes = [32, 3200], strides = [1, 1]} : vector<1056x3200xf32> to vector<32x3200xf32>
    %mul3A_51 = vector.broadcast %slice3A_49 : vector<1x3200xf32> to vector<32x3200xf32>
    %mul3A_52 = arith.mulf %mul3A_51, %slice3A_50 : vector<32x3200xf32>
    %add3A_53 = arith.addf %add3A_48, %mul3A_52 : vector<32x3200xf32>
    %slice3A_54 = vector.extract_strided_slice %max3A_11 {offsets = [7, 0], sizes = [1, 3200], strides = [1, 1]} : vector<32x3200xf32> to vector<1x3200xf32>
    %slice3A_55 = vector.extract_strided_slice %dot_general3A_19 {offsets = [224, 0], sizes = [32, 3200], strides = [1, 1]} : vector<1056x3200xf32> to vector<32x3200xf32>
    %mul3A_56 = vector.broadcast %slice3A_54 : vector<1x3200xf32> to vector<32x3200xf32>
    %mul3A_57 = arith.mulf %mul3A_56, %slice3A_55 : vector<32x3200xf32>
    %add3A_58 = arith.addf %add3A_53, %mul3A_57 : vector<32x3200xf32>
    %slice3A_59 = vector.extract_strided_slice %max3A_11 {offsets = [8, 0], sizes = [1, 3200], strides = [1, 1]} : vector<32x3200xf32> to vector<1x3200xf32>
    %slice3A_60 = vector.extract_strided_slice %dot_general3A_19 {offsets = [256, 0], sizes = [32, 3200], strides = [1, 1]} : vector<1056x3200xf32> to vector<32x3200xf32>
    %mul3A_61 = vector.broadcast %slice3A_59 : vector<1x3200xf32> to vector<32x3200xf32>
    %mul3A_62 = arith.mulf %mul3A_61, %slice3A_60 : vector<32x3200xf32>
    %add3A_63 = arith.addf %add3A_58, %mul3A_62 : vector<32x3200xf32>
    %slice3A_64 = vector.extract_strided_slice %max3A_11 {offsets = [9, 0], sizes = [1, 3200], strides = [1, 1]} : vector<32x3200xf32> to vector<1x3200xf32>
    %slice3A_65 = vector.extract_strided_slice %dot_general3A_19 {offsets = [288, 0], sizes = [32, 3200], strides = [1, 1]} : vector<1056x3200xf32> to vector<32x3200xf32>
    %mul3A_66 = vector.broadcast %slice3A_64 : vector<1x3200xf32> to vector<32x3200xf32>
    %mul3A_67 = arith.mulf %mul3A_66, %slice3A_65 : vector<32x3200xf32>
    %add3A_68 = arith.addf %add3A_63, %mul3A_67 : vector<32x3200xf32>
    %slice3A_69 = vector.extract_strided_slice %max3A_11 {offsets = [10, 0], sizes = [1, 3200], strides = [1, 1]} : vector<32x3200xf32> to vector<1x3200xf32>
    %slice3A_70 = vector.extract_strided_slice %dot_general3A_19 {offsets = [320, 0], sizes = [32, 3200], strides = [1, 1]} : vector<1056x3200xf32> to vector<32x3200xf32>
    %mul3A_71 = vector.broadcast %slice3A_69 : vector<1x3200xf32> to vector<32x3200xf32>
    %mul3A_72 = arith.mulf %mul3A_71, %slice3A_70 : vector<32x3200xf32>
    %add3A_73 = arith.addf %add3A_68, %mul3A_72 : vector<32x3200xf32>
    %slice3A_74 = vector.extract_strided_slice %max3A_11 {offsets = [11, 0], sizes = [1, 3200], strides = [1, 1]} : vector<32x3200xf32> to vector<1x3200xf32>
    %slice3A_75 = vector.extract_strided_slice %dot_general3A_19 {offsets = [352, 0], sizes = [32, 3200], strides = [1, 1]} : vector<1056x3200xf32> to vector<32x3200xf32>
    %mul3A_76 = vector.broadcast %slice3A_74 : vector<1x3200xf32> to vector<32x3200xf32>
    %mul3A_77 = arith.mulf %mul3A_76, %slice3A_75 : vector<32x3200xf32>
    %add3A_78 = arith.addf %add3A_73, %mul3A_77 : vector<32x3200xf32>
    %slice3A_79 = vector.extract_strided_slice %max3A_11 {offsets = [12, 0], sizes = [1, 3200], strides = [1, 1]} : vector<32x3200xf32> to vector<1x3200xf32>
    %slice3A_80 = vector.extract_strided_slice %dot_general3A_19 {offsets = [384, 0], sizes = [32, 3200], strides = [1, 1]} : vector<1056x3200xf32> to vector<32x3200xf32>
    %mul3A_81 = vector.broadcast %slice3A_79 : vector<1x3200xf32> to vector<32x3200xf32>
    %mul3A_82 = arith.mulf %mul3A_81, %slice3A_80 : vector<32x3200xf32>
    %add3A_83 = arith.addf %add3A_78, %mul3A_82 : vector<32x3200xf32>
    %slice3A_84 = vector.extract_strided_slice %max3A_11 {offsets = [13, 0], sizes = [1, 3200], strides = [1, 1]} : vector<32x3200xf32> to vector<1x3200xf32>
    %slice3A_85 = vector.extract_strided_slice %dot_general3A_19 {offsets = [416, 0], sizes = [32, 3200], strides = [1, 1]} : vector<1056x3200xf32> to vector<32x3200xf32>
    %mul3A_86 = vector.broadcast %slice3A_84 : vector<1x3200xf32> to vector<32x3200xf32>
    %mul3A_87 = arith.mulf %mul3A_86, %slice3A_85 : vector<32x3200xf32>
    %add3A_88 = arith.addf %add3A_83, %mul3A_87 : vector<32x3200xf32>
    %slice3A_89 = vector.extract_strided_slice %max3A_11 {offsets = [14, 0], sizes = [1, 3200], strides = [1, 1]} : vector<32x3200xf32> to vector<1x3200xf32>
    %slice3A_90 = vector.extract_strided_slice %dot_general3A_19 {offsets = [448, 0], sizes = [32, 3200], strides = [1, 1]} : vector<1056x3200xf32> to vector<32x3200xf32>
    %mul3A_91 = vector.broadcast %slice3A_89 : vector<1x3200xf32> to vector<32x3200xf32>
    %mul3A_92 = arith.mulf %mul3A_91, %slice3A_90 : vector<32x3200xf32>
    %add3A_93 = arith.addf %add3A_88, %mul3A_92 : vector<32x3200xf32>
    %slice3A_94 = vector.extract_strided_slice %max3A_11 {offsets = [15, 0], sizes = [1, 3200], strides = [1, 1]} : vector<32x3200xf32> to vector<1x3200xf32>
    %slice3A_95 = vector.extract_strided_slice %dot_general3A_19 {offsets = [480, 0], sizes = [32, 3200], strides = [1, 1]} : vector<1056x3200xf32> to vector<32x3200xf32>
    %mul3A_96 = vector.broadcast %slice3A_94 : vector<1x3200xf32> to vector<32x3200xf32>
    %mul3A_97 = arith.mulf %mul3A_96, %slice3A_95 : vector<32x3200xf32>
    %add3A_98 = arith.addf %add3A_93, %mul3A_97 : vector<32x3200xf32>
    %slice3A_99 = vector.extract_strided_slice %max3A_11 {offsets = [16, 0], sizes = [1, 3200], strides = [1, 1]} : vector<32x3200xf32> to vector<1x3200xf32>
    %slice3A_100 = vector.extract_strided_slice %dot_general3A_19 {offsets = [512, 0], sizes = [32, 3200], strides = [1, 1]} : vector<1056x3200xf32> to vector<32x3200xf32>
    %mul3A_101 = vector.broadcast %slice3A_99 : vector<1x3200xf32> to vector<32x3200xf32>
    %mul3A_102 = arith.mulf %mul3A_101, %slice3A_100 : vector<32x3200xf32>
    %add3A_103 = arith.addf %add3A_98, %mul3A_102 : vector<32x3200xf32>
    %slice3A_104 = vector.extract_strided_slice %max3A_11 {offsets = [17, 0], sizes = [1, 3200], strides = [1, 1]} : vector<32x3200xf32> to vector<1x3200xf32>
    %slice3A_105 = vector.extract_strided_slice %dot_general3A_19 {offsets = [544, 0], sizes = [32, 3200], strides = [1, 1]} : vector<1056x3200xf32> to vector<32x3200xf32>
    %mul3A_106 = vector.broadcast %slice3A_104 : vector<1x3200xf32> to vector<32x3200xf32>
    %mul3A_107 = arith.mulf %mul3A_106, %slice3A_105 : vector<32x3200xf32>
    %add3A_108 = arith.addf %add3A_103, %mul3A_107 : vector<32x3200xf32>
    %slice3A_109 = vector.extract_strided_slice %max3A_11 {offsets = [18, 0], sizes = [1, 3200], strides = [1, 1]} : vector<32x3200xf32> to vector<1x3200xf32>
    %slice3A_110 = vector.extract_strided_slice %dot_general3A_19 {offsets = [576, 0], sizes = [32, 3200], strides = [1, 1]} : vector<1056x3200xf32> to vector<32x3200xf32>
    %mul3A_111 = vector.broadcast %slice3A_109 : vector<1x3200xf32> to vector<32x3200xf32>
    %mul3A_112 = arith.mulf %mul3A_111, %slice3A_110 : vector<32x3200xf32>
    %add3A_113 = arith.addf %add3A_108, %mul3A_112 : vector<32x3200xf32>
    %slice3A_114 = vector.extract_strided_slice %max3A_11 {offsets = [19, 0], sizes = [1, 3200], strides = [1, 1]} : vector<32x3200xf32> to vector<1x3200xf32>
    %slice3A_115 = vector.extract_strided_slice %dot_general3A_19 {offsets = [608, 0], sizes = [32, 3200], strides = [1, 1]} : vector<1056x3200xf32> to vector<32x3200xf32>
    %mul3A_116 = vector.broadcast %slice3A_114 : vector<1x3200xf32> to vector<32x3200xf32>
    %mul3A_117 = arith.mulf %mul3A_116, %slice3A_115 : vector<32x3200xf32>
    %add3A_118 = arith.addf %add3A_113, %mul3A_117 : vector<32x3200xf32>
    %slice3A_119 = vector.extract_strided_slice %max3A_11 {offsets = [20, 0], sizes = [1, 3200], strides = [1, 1]} : vector<32x3200xf32> to vector<1x3200xf32>
    %slice3A_120 = vector.extract_strided_slice %dot_general3A_19 {offsets = [640, 0], sizes = [32, 3200], strides = [1, 1]} : vector<1056x3200xf32> to vector<32x3200xf32>
    %mul3A_121 = vector.broadcast %slice3A_119 : vector<1x3200xf32> to vector<32x3200xf32>
    %mul3A_122 = arith.mulf %mul3A_121, %slice3A_120 : vector<32x3200xf32>
    %add3A_123 = arith.addf %add3A_118, %mul3A_122 : vector<32x3200xf32>
    %slice3A_124 = vector.extract_strided_slice %max3A_11 {offsets = [21, 0], sizes = [1, 3200], strides = [1, 1]} : vector<32x3200xf32> to vector<1x3200xf32>
    %slice3A_125 = vector.extract_strided_slice %dot_general3A_19 {offsets = [672, 0], sizes = [32, 3200], strides = [1, 1]} : vector<1056x3200xf32> to vector<32x3200xf32>
    %mul3A_126 = vector.broadcast %slice3A_124 : vector<1x3200xf32> to vector<32x3200xf32>
    %mul3A_127 = arith.mulf %mul3A_126, %slice3A_125 : vector<32x3200xf32>
    %add3A_128 = arith.addf %add3A_123, %mul3A_127 : vector<32x3200xf32>
    %slice3A_129 = vector.extract_strided_slice %max3A_11 {offsets = [22, 0], sizes = [1, 3200], strides = [1, 1]} : vector<32x3200xf32> to vector<1x3200xf32>
    %slice3A_130 = vector.extract_strided_slice %dot_general3A_19 {offsets = [704, 0], sizes = [32, 3200], strides = [1, 1]} : vector<1056x3200xf32> to vector<32x3200xf32>
    %mul3A_131 = vector.broadcast %slice3A_129 : vector<1x3200xf32> to vector<32x3200xf32>
    %mul3A_132 = arith.mulf %mul3A_131, %slice3A_130 : vector<32x3200xf32>
    %add3A_133 = arith.addf %add3A_128, %mul3A_132 : vector<32x3200xf32>
    %slice3A_134 = vector.extract_strided_slice %max3A_11 {offsets = [23, 0], sizes = [1, 3200], strides = [1, 1]} : vector<32x3200xf32> to vector<1x3200xf32>
    %slice3A_135 = vector.extract_strided_slice %dot_general3A_19 {offsets = [736, 0], sizes = [32, 3200], strides = [1, 1]} : vector<1056x3200xf32> to vector<32x3200xf32>
    %mul3A_136 = vector.broadcast %slice3A_134 : vector<1x3200xf32> to vector<32x3200xf32>
    %mul3A_137 = arith.mulf %mul3A_136, %slice3A_135 : vector<32x3200xf32>
    %add3A_138 = arith.addf %add3A_133, %mul3A_137 : vector<32x3200xf32>
    %slice3A_139 = vector.extract_strided_slice %max3A_11 {offsets = [24, 0], sizes = [1, 3200], strides = [1, 1]} : vector<32x3200xf32> to vector<1x3200xf32>
    %slice3A_140 = vector.extract_strided_slice %dot_general3A_19 {offsets = [768, 0], sizes = [32, 3200], strides = [1, 1]} : vector<1056x3200xf32> to vector<32x3200xf32>
    %mul3A_141 = vector.broadcast %slice3A_139 : vector<1x3200xf32> to vector<32x3200xf32>
    %mul3A_142 = arith.mulf %mul3A_141, %slice3A_140 : vector<32x3200xf32>
    %add3A_143 = arith.addf %add3A_138, %mul3A_142 : vector<32x3200xf32>
    %slice3A_144 = vector.extract_strided_slice %max3A_11 {offsets = [25, 0], sizes = [1, 3200], strides = [1, 1]} : vector<32x3200xf32> to vector<1x3200xf32>
    %slice3A_145 = vector.extract_strided_slice %dot_general3A_19 {offsets = [800, 0], sizes = [32, 3200], strides = [1, 1]} : vector<1056x3200xf32> to vector<32x3200xf32>
    %mul3A_146 = vector.broadcast %slice3A_144 : vector<1x3200xf32> to vector<32x3200xf32>
    %mul3A_147 = arith.mulf %mul3A_146, %slice3A_145 : vector<32x3200xf32>
    %add3A_148 = arith.addf %add3A_143, %mul3A_147 : vector<32x3200xf32>
    %slice3A_149 = vector.extract_strided_slice %max3A_11 {offsets = [26, 0], sizes = [1, 3200], strides = [1, 1]} : vector<32x3200xf32> to vector<1x3200xf32>
    %slice3A_150 = vector.extract_strided_slice %dot_general3A_19 {offsets = [832, 0], sizes = [32, 3200], strides = [1, 1]} : vector<1056x3200xf32> to vector<32x3200xf32>
    %mul3A_151 = vector.broadcast %slice3A_149 : vector<1x3200xf32> to vector<32x3200xf32>
    %mul3A_152 = arith.mulf %mul3A_151, %slice3A_150 : vector<32x3200xf32>
    %add3A_153 = arith.addf %add3A_148, %mul3A_152 : vector<32x3200xf32>
    %slice3A_154 = vector.extract_strided_slice %max3A_11 {offsets = [27, 0], sizes = [1, 3200], strides = [1, 1]} : vector<32x3200xf32> to vector<1x3200xf32>
    %slice3A_155 = vector.extract_strided_slice %dot_general3A_19 {offsets = [864, 0], sizes = [32, 3200], strides = [1, 1]} : vector<1056x3200xf32> to vector<32x3200xf32>
    %mul3A_156 = vector.broadcast %slice3A_154 : vector<1x3200xf32> to vector<32x3200xf32>
    %mul3A_157 = arith.mulf %mul3A_156, %slice3A_155 : vector<32x3200xf32>
    %add3A_158 = arith.addf %add3A_153, %mul3A_157 : vector<32x3200xf32>
    %slice3A_159 = vector.extract_strided_slice %max3A_11 {offsets = [28, 0], sizes = [1, 3200], strides = [1, 1]} : vector<32x3200xf32> to vector<1x3200xf32>
    %slice3A_160 = vector.extract_strided_slice %dot_general3A_19 {offsets = [896, 0], sizes = [32, 3200], strides = [1, 1]} : vector<1056x3200xf32> to vector<32x3200xf32>
    %mul3A_161 = vector.broadcast %slice3A_159 : vector<1x3200xf32> to vector<32x3200xf32>
    %mul3A_162 = arith.mulf %mul3A_161, %slice3A_160 : vector<32x3200xf32>
    %add3A_163 = arith.addf %add3A_158, %mul3A_162 : vector<32x3200xf32>
    %slice3A_164 = vector.extract_strided_slice %max3A_11 {offsets = [29, 0], sizes = [1, 3200], strides = [1, 1]} : vector<32x3200xf32> to vector<1x3200xf32>
    %slice3A_165 = vector.extract_strided_slice %dot_general3A_19 {offsets = [928, 0], sizes = [32, 3200], strides = [1, 1]} : vector<1056x3200xf32> to vector<32x3200xf32>
    %mul3A_166 = vector.broadcast %slice3A_164 : vector<1x3200xf32> to vector<32x3200xf32>
    %mul3A_167 = arith.mulf %mul3A_166, %slice3A_165 : vector<32x3200xf32>
    %add3A_168 = arith.addf %add3A_163, %mul3A_167 : vector<32x3200xf32>
    %slice3A_169 = vector.extract_strided_slice %max3A_11 {offsets = [30, 0], sizes = [1, 3200], strides = [1, 1]} : vector<32x3200xf32> to vector<1x3200xf32>
    %slice3A_170 = vector.extract_strided_slice %dot_general3A_19 {offsets = [960, 0], sizes = [32, 3200], strides = [1, 1]} : vector<1056x3200xf32> to vector<32x3200xf32>
    %mul3A_171 = vector.broadcast %slice3A_169 : vector<1x3200xf32> to vector<32x3200xf32>
    %mul3A_172 = arith.mulf %mul3A_171, %slice3A_170 : vector<32x3200xf32>
    %add3A_173 = arith.addf %add3A_168, %mul3A_172 : vector<32x3200xf32>
    %slice3A_174 = vector.extract_strided_slice %max3A_11 {offsets = [31, 0], sizes = [1, 3200], strides = [1, 1]} : vector<32x3200xf32> to vector<1x3200xf32>
    %slice3A_175 = vector.extract_strided_slice %dot_general3A_19 {offsets = [992, 0], sizes = [32, 3200], strides = [1, 1]} : vector<1056x3200xf32> to vector<32x3200xf32>
    %mul3A_176 = vector.broadcast %slice3A_174 : vector<1x3200xf32> to vector<32x3200xf32>
    %mul3A_177 = arith.mulf %mul3A_176, %slice3A_175 : vector<32x3200xf32>
    %add3A_178 = arith.addf %add3A_173, %mul3A_177 : vector<32x3200xf32>
    %transpose3A = tpu.transpose %add3A_178, [1, 0] : vector<32x3200xf32> -> vector<3200x32xf32>
    %swap3A = arith.constant 0 : index
    %swap3A_179 = arith.constant 0 : index
    %swap3A_180 = vector.load %arg6[%swap3A, %swap3A_179] : memref<3200x48xf32, #tpu.memory_space<vmem>>, vector<3200x32xf32>
    tpu.vector_store %arg6[%swap3A, %swap3A_179], %transpose3A {strides = array<i32>} : memref<3200x48xf32, #tpu.memory_space<vmem>>, vector<3200x32xf32>,
    %iota3A = tpu.iota {dimensions = array<i32: 1>} : vector<3200x16xi32>
    %eq3A = arith.constant 0 : i32
    %eq3A_181 = vector.broadcast %eq3A : i32 to vector<3200x16xi32>
    %eq3A_182 = arith.cmpi eq, %iota3A, %eq3A_181 : vector<3200x16xi32>
    %convert_element_type3A = arith.extui %eq3A_182 : vector<3200x16xi1> to vector<3200x16xi32>
    %convert_element_type3A_183 = arith.sitofp %convert_element_type3A : vector<3200x16xi32> to vector<3200x16xf32>
    %swap3A_184 = arith.constant 0 : index
    %swap3A_185 = arith.constant 32 : index
    %swap3A_186 = vector.load %arg6[%swap3A_184, %swap3A_185] : memref<3200x48xf32, #tpu.memory_space<vmem>>, vector<3200x16xf32>
    tpu.vector_store %arg6[%swap3A_184, %swap3A_185], %convert_element_type3A_183 {strides = array<i32>} : memref<3200x48xf32, #tpu.memory_space<vmem>>, vector<3200x16xf32>,
    return
  }
  func.func @transform_0(%arg0: i32) -> (i32, i32) {
    %add3A = arith.constant 0 : i32
    %add3A_0 = arith.addi %arg0, %add3A : i32
    %c0_i32 = arith.constant 0 : i32
    %c0_i32_1 = arith.constant 0 : i32
    return %add3A_0, %c0_i32 : i32, i32
  }
  func.func @transform_1(%arg0: i32) -> (i32, i32) {
    %c0_i32 = arith.constant 0 : i32
    %c0_i32_0 = arith.constant 0 : i32
    return %arg0, %c0_i32 : i32, i32
  }
  func.func @transform_2(%arg0: i32) -> (i32, i32) {
    %c0_i32 = arith.constant 0 : i32
    %c0_i32_0 = arith.constant 0 : i32
    %c0_i32_1 = arith.constant 0 : i32
    return %c0_i32, %c0_i32_0 : i32, i32
  }
  func.func @transform_3(%arg0: i32) -> (i32, i32) {
    %c0_i32 = arith.constant 0 : i32
    %c0_i32_0 = arith.constant 0 : i32
    %c0_i32_1 = arith.constant 0 : i32
    return %c0_i32, %c0_i32_0 : i32, i32
  }
  func.func @transform_4(%arg0: i32) -> (i32, i32) {
    %c0_i32 = arith.constant 0 : i32
    %c0_i32_0 = arith.constant 0 : i32
    %c0_i32_1 = arith.constant 0 : i32
    return %c0_i32, %c0_i32_0 : i32, i32
  }
  func.func @transform_5(%arg0: i32) -> (i32, i32) {
    %c0_i32 = arith.constant 0 : i32
    %c0_i32_0 = arith.constant 0 : i32
    return %arg0, %c0_i32 : i32, i32
  }
}

module attributes {stable_mosaic.version = 14 : i64} {
  func.func @_node_body(%arg0: i32, %arg1: memref<2000x128xf32, #tpu.memory_space<vmem>>, %arg2: memref<2x2000x48xf32, #tpu.memory_space<vmem>>, %arg3: memref<128x32xf32, #tpu.memory_space<vmem>>, %arg4: memref<1x32xf32, #tpu.memory_space<vmem>>, %arg5: memref<2000x32xf32, #tpu.memory_space<vmem>>) attributes {dimension_semantics = [#tpu.dimension_semantics<arbitrary>], iteration_bounds = array<i64: 5>, scalar_prefetch = 0 : i64, scratch_operands = 0 : i64, tpu.core_type = #tpu.core_type<tc>, window_params = [{transform_indices = @transform_0, window_bounds = array<i64: 2000, 128>}, {transform_indices = @transform_1, window_bounds = array<i64: 2, 2000, 48>}, {pipeline_mode = #tpu.pipeline_mode<synchronous>, transform_indices = @transform_2, window_bounds = array<i64: 128, 32>}, {pipeline_mode = #tpu.pipeline_mode<synchronous>, transform_indices = @transform_3, window_bounds = array<i64: 1, 32>}, {transform_indices = @transform_4, window_bounds = array<i64: 2000, 32>}]} {
    %get3A = arith.constant 0 : index
    %get3A_0 = arith.constant 0 : index
    %get3A_1 = arith.constant 0 : index
    %get3A_2 = vector.load %arg2[%get3A, %get3A_0, %get3A_1] : memref<2x2000x48xf32, #tpu.memory_space<vmem>>, vector<1x2000x48xf32>
    %get3A_3 = vector.shape_cast %get3A_2 : vector<1x2000x48xf32> to vector<2000x48xf32>
    %get3A_4 = arith.constant 1 : index
    %get3A_5 = arith.constant 0 : index
    %get3A_6 = arith.constant 0 : index
    %get3A_7 = vector.load %arg2[%get3A_4, %get3A_5, %get3A_6] : memref<2x2000x48xf32, #tpu.memory_space<vmem>>, vector<1x2000x48xf32>
    %get3A_8 = vector.shape_cast %get3A_7 : vector<1x2000x48xf32> to vector<2000x48xf32>
    %add3A = arith.addf %get3A_3, %get3A_8 : vector<2000x48xf32>
    %slice3A = vector.extract_strided_slice %add3A {offsets = [0, 0], sizes = [2000, 32], strides = [1, 1]} : vector<2000x48xf32> to vector<2000x32xf32>
    %slice3A_9 = vector.extract_strided_slice %add3A {offsets = [0, 32], sizes = [2000, 1], strides = [1, 1]} : vector<2000x48xf32> to vector<2000x1xf32>
    %max3A = arith.constant 1.000000e+00 : f32
    %max3A_10 = vector.broadcast %max3A : f32 to vector<2000x1xf32>
    %max3A_11 = arith.maximumf %slice3A_9, %max3A_10 : vector<2000x1xf32>
    %div3A = vector.broadcast %max3A_11 : vector<2000x1xf32> to vector<2000x32xf32>
    %div3A_12 = arith.divf %slice3A, %div3A : vector<2000x32xf32>
    %get3A_13 = arith.constant 0 : index
    %get3A_14 = arith.constant 0 : index
    %get3A_15 = vector.load %arg1[%get3A_13, %get3A_14] : memref<2000x128xf32, #tpu.memory_space<vmem>>, vector<2000x128xf32>
    %get3A_16 = arith.constant 0 : index
    %get3A_17 = arith.constant 0 : index
    %get3A_18 = vector.load %arg3[%get3A_16, %get3A_17] : memref<128x32xf32, #tpu.memory_space<vmem>>, vector<128x32xf32>
    %dot_general3A = arith.constant dense<0.000000e+00> : vector<2000x32xf32>
    %dot_general3A_19 = tpu.matmul %get3A_15, %get3A_18, %dot_general3A {dimension_numbers = #tpu.dot_dimension_numbers<[1], [0], [0], [1], [0, 0, 1, 1], [], []>, transpose_lhs_hint = false} : vector<2000x128xf32>, vector<128x32xf32>, vector<2000x32xf32> -> vector<2000x32xf32>
    %add3A_20 = arith.addf %dot_general3A_19, %div3A_12 : vector<2000x32xf32>
    %get3A_21 = arith.constant 0 : index
    %get3A_22 = arith.constant 0 : index
    %get3A_23 = vector.load %arg4[%get3A_21, %get3A_22] : memref<1x32xf32, #tpu.memory_space<vmem>>, vector<1x32xf32>
    %add3A_24 = vector.broadcast %get3A_23 : vector<1x32xf32> to vector<2000x32xf32>
    %add3A_25 = arith.addf %add3A_20, %add3A_24 : vector<2000x32xf32>
    %max3A_26 = arith.constant 0.000000e+00 : f32
    %max3A_27 = vector.broadcast %max3A_26 : f32 to vector<2000x32xf32>
    %max3A_28 = arith.maximumf %add3A_25, %max3A_27 : vector<2000x32xf32>
    %swap3A = arith.constant 0 : index
    %swap3A_29 = arith.constant 0 : index
    %swap3A_30 = vector.load %arg5[%swap3A, %swap3A_29] : memref<2000x32xf32, #tpu.memory_space<vmem>>, vector<2000x32xf32>
    tpu.vector_store %arg5[%swap3A, %swap3A_29], %max3A_28 {strides = array<i32>} : memref<2000x32xf32, #tpu.memory_space<vmem>>, vector<2000x32xf32>,
    return
  }
  func.func @transform_0(%arg0: i32) -> (i32, i32) {
    %c0_i32 = arith.constant 0 : i32
    %c0_i32_0 = arith.constant 0 : i32
    return %arg0, %c0_i32 : i32, i32
  }
  func.func @transform_1(%arg0: i32) -> (i32, i32, i32) {
    %c0_i32 = arith.constant 0 : i32
    %c0_i32_0 = arith.constant 0 : i32
    %c0_i32_1 = arith.constant 0 : i32
    return %c0_i32, %arg0, %c0_i32_0 : i32, i32, i32
  }
  func.func @transform_2(%arg0: i32) -> (i32, i32) {
    %c0_i32 = arith.constant 0 : i32
    %c0_i32_0 = arith.constant 0 : i32
    %c0_i32_1 = arith.constant 0 : i32
    return %c0_i32, %c0_i32_0 : i32, i32
  }
  func.func @transform_3(%arg0: i32) -> (i32, i32) {
    %c0_i32 = arith.constant 0 : i32
    %c0_i32_0 = arith.constant 0 : i32
    %c0_i32_1 = arith.constant 0 : i32
    return %c0_i32, %c0_i32_0 : i32, i32
  }
  func.func @transform_4(%arg0: i32) -> (i32, i32) {
    %c0_i32 = arith.constant 0 : i32
    %c0_i32_0 = arith.constant 0 : i32
    return %arg0, %c0_i32 : i32, i32
  }
}

</mosaic_0001>

<sc_bundles>
// kernel: kernel.11.cloned.1.call-start
scs
__scs_entry_jumppad:
0x0: {  	(pc) =	sbr.rel $0x88, $3  }
0x1: {  	(tag) =	ssettag $0x0;
	lr =	simm.s32 $0x1  }
0x2: {  	[smem:$0x3F98] =	sst lr;
	_ =	strace $0xD0000000  }
0x3: {  	_ = 	snop  }
0x4: {  	_ = 	snop  }
0x5: {  	_ = 	snop  }
0x6: {  	_ = 	snop  }
0x7: {  	_ = 	snop  }
__scs_overlays_trampoline_lowered:
0x8: {  	[smem:$0x3FA7] =	sst s0  }
0x9: {  	[smem:$0x3FA8] =	sst s1  }
0xa: {  	[smem:$0x3FA9] =	sst s2  }
0xb: {  	[smem:$0x3FAA] =	sst s3  }
0xc: {  	[smem:$0x3FAB] =	sst s4  }
0xd: {  	[smem:$0x3FAC] =	sst s5  }
0xe: {  	[smem:$0x3FAD] =	sst s6  }
0xf: {  	[smem:$0x3FAE] =	sst s7  }
0x10: {  	[smem:$0x3FAF] =	sst s8  }
0x11: {  	[smem:$0x3FB0] =	sst s9;
	s0 =	simm.s32 @!p0 $0x0  }
0x12: {  	s1 =	sld [smem:$0x3F96];
	s0 =	simm.s32 @p0 $0x1  }
0x13: {  	[smem:$0x3FB1] =	sst s0;
	s0 =	simm.s32 @!p1 $0x0  }
0x14: {  	s2 =	sld [smem:$0x3F95];
	s0 =	simm.s32 @p1 $0x1  }
0x15: {  	[smem:$0x3FB2] =	sst s0;
	s0 =	simm.s32 @!p2 $0x0  }
0x16: {  	s3 =	sld [smem:$0x3FDB];
	s0 =	simm.s32 @p2 $0x1  }
0x17: {  	s4 =	simm.s32 $0x1BF5;
	[smem:$0x3FB4] =	sst s0  }
0x18: {  	s0 =	sld [smem:$0x3F97];
	_ =	swait.ge [sflag:s4], $0x0  }
0x19: {  	s7 =	sld [smem:$0x3F98]  }
0x1a: {  	s8 =	sadd.s32 $0xFFFFE003, lr  }
0x1b: {  	s9 =	sadd.s32 $0xFFFFFEF7, lr;
	s5 =	simm.s32 $0xFFFFFFFF;
	p2 =	slt.u32 s8, $0xFFFFF086  }
0x1c: {  	p1 =	slt.u32 s9, $0xF7A;
	s5 =	simm.s32 @!p2 $0x0  }
0x1d: {  	s5 =	simm.s32 @p1 $0x1;
	p0 =	seq.s32 s7, s2  }
0x1e: {  	s7 =	smul.u32 @!p0 $0xF7A, s2;
	p2 =	seq.s32 @!p0 s5, $0x0  }
0x1f: {  	s9 =	smul.u32 $0xF7A, s1;
	s8 =	simm.s32 @!p0 $0x1BF5;
	p2 =	por !p2, p0  }
0x20: {  	[sflag:s8] =	ssyncset.s32 @!p0 $0xFFFFF086;
	s6 =	sadd.s32 @!p0 s3, s7;
	s7 =	simm.s32 @!p0 $0x108  }
0x21: {  	s3 =	sadd.s32 s3, s9;
	s6 =	sadd.s32 @!p0 $0x88, s6;
	s7 =	simm.s32 @p2 $0x1082  }
0x22: {  	[simem:s7], [sflag:s8] =	dma.local @!p0 [hbm:s6], $0xF7A  }
0x23: {  	s9 =	sor.u32 $0xD0000000, s2;
	s6 =	simm.s32 $0x108;
	_ =	swait.ge @!p0 [sflag:s8], $0x0  }
0x24: {  	s3 =	sadd.s32 $0x88, s3;
	s6 =	simm.s32 @!p1 $0x1082;
	[sflag:s4] =	ssyncset.s32 $0xFFFFF086  }
0x25: {  	[simem:s6], [sflag:s4] =	dma.local [hbm:s3], $0xF7A  }
0x26: {  	[smem:$0x3F98] =	sst s1;
	(tag) =	ssettag s2;
	_ =	strace s9  }
0x27: {  	s1 =	sld [smem:$0x3FA8]  }
0x28: {  	s2 =	sld [smem:$0x3FA9]  }
0x29: {  	s4 =	sld [smem:$0x3FAB]  }
0x2a: {  	p0 =	seq.s32 s5, $0x0;
	s5 =	sld [smem:$0x3FAC]  }
0x2b: {  	s6 =	sld [smem:$0x3FAD]  }
0x2c: {  	s7 =	sld [smem:$0x3FAE]  }
0x2d: {  	s3 =	simm.s32 $0x108;
	s8 =	sld [smem:$0x3FAF]  }
0x2e: {  	s3 =	simm.s32 @!p0 $0x1082;
	s9 =	sld [smem:$0x3FB0]  }
0x2f: {  	lr =	sadd.s32 s0, s3;
	s0 =	sld [smem:$0x3FA7]  }
0x30: {  	s3 =	sld [smem:$0x3FAA]  }
0x31: {  	[smem:$0x3FB3] =	sst s10  }
0x32: {  	s10 =	sld [smem:$0x3FB1];
	_ =	sdelay $0x3  }
0x33: {  	p0 =	seq.s32 s10, $0x1;
	s10 =	sld [smem:$0x3FB3];
	_ =	sdelay $0x3  }
0x34: {  	[smem:$0x3FB3] =	sst s10  }
0x35: {  	s10 =	sld [smem:$0x3FB2];
	_ =	sdelay $0x3  }
0x36: {  	p1 =	seq.s32 s10, $0x1;
	s10 =	sld [smem:$0x3FB3];
	_ =	sdelay $0x3  }
0x37: {  	[smem:$0x3FB3] =	sst s10  }
0x38: {  	s10 =	sld [smem:$0x3FB4]  }
0x39: {  	_ = 	snop;
	(pc) =	sbr.ind lr, $3  }
0x3a: {  	_ = 	snop  }
0x3b: {  	_ = 	snop  }
0x3c: {  	p2 =	seq.s32 s10, $0x1;
	s10 =	sld [smem:$0x3FB3]  }
0x3d: {  	_ =	shalt  }
0x3e: {  	_ =	shalt  }
0x3f: {  	_ =	shalt  }
0x40: {  	_ =	shalt  }
0x41: {  	_ =	shalt  }
0x42: {  	_ =	shalt  }
0x43: {  	_ =	shalt  }
0x44: {  	_ =	shalt  }
0x45: {  	_ =	shalt  }
0x46: {  	_ =	shalt  }
0x47: {  	_ =	shalt  }
0x48: {  	_ =	shalt  }
0x49: {  	_ =	shalt  }
0x4a: {  	_ =	shalt  }
0x4b: {  	_ =	shalt  }
0x4c: {  	_ =	shalt  }
0x4d: {  	_ =	shalt  }
0x4e: {  	_ =	shalt  }
0x4f: {  	_ =	shalt  }
0x50: {  	_ =	shalt  }
0x51: {  	_ =	shalt  }
0x52: {  	_ =	shalt  }
0x53: {  	_ =	shalt  }
0x54: {  	_ =	shalt  }
0x55: {  	_ =	shalt  }
0x56: {  	_ =	shalt  }
0x57: {  	_ =	shalt  }
0x58: {  	_ =	shalt  }
0x59: {  	_ =	shalt  }
0x5a: {  	_ =	shalt  }
0x5b: {  	_ =	shalt  }
0x5c: {  	_ =	shalt  }
0x5d: {  	_ =	shalt  }
0x5e: {  	_ =	shalt  }
0x5f: {  	_ =	shalt  }
0x60: {  	_ =	shalt  }
0x61: {  	_ =	shalt  }
0x62: {  	_ =	shalt  }
0x63: {  	_ =	shalt  }
0x64: {  	_ =	shalt  }
0x65: {  	_ =	shalt  }
0x66: {  	_ =	shalt  }
0x67: {  	_ =	shalt  }
0x68: {  	_ =	shalt  }
0x69: {  	_ =	shalt  }
0x6a: {  	_ =	shalt  }
0x6b: {  	_ =	shalt  }
0x6c: {  	_ =	shalt  }
0x6d: {  	_ =	shalt  }
0x6e: {  	_ =	shalt  }
0x6f: {  	_ =	shalt  }
0x70: {  	_ =	shalt  }
0x71: {  	_ =	shalt  }
0x72: {  	_ =	shalt  }
0x73: {  	_ =	shalt  }
0x74: {  	_ =	shalt  }
0x75: {  	_ =	shalt  }
0x76: {  	_ =	shalt  }
0x77: {  	_ =	shalt  }
0x78: {  	_ =	shalt  }
0x79: {  	_ =	shalt  }
0x7a: {  	_ =	shalt  }
0x7b: {  	_ =	shalt  }
0x7c: {  	_ =	shalt  }
0x7d: {  	_ =	shalt  }
0x7e: {  	_ =	shalt  }
0x7f: {  	_ =	shalt  }
0x80: {  	_ =	shalt  }
0x81: {  	_ =	shalt  }
0x82: {  	_ =	shalt  }
0x83: {  	_ =	shalt  }
0x84: {  	_ =	shalt  }
0x85: {  	_ =	shalt  }
0x86: {  	_ =	shalt  }
0x87: {  	_ =	shalt  }
.Lfunc_end0:
.L_simem_size_0:
called_computation.1_lowered:
.L_overlay_start_0:
0x88: {  	s2 =	sld [smem:$0x3FD9]  }
0x89: {  	s3 =	sld [smem:$0x3FFE];
	_ =	sdelay $0x1  }
0x8a: {  	s1 =	srdreg.scid  }
0x8b: {  	s0 =	sand.u32 $0x1, s1  }
0x8c: {  	s16 =	sshll.u32 s0, $0xA;
	s2 =	sadd.s32 s3, s2  }
0x8d: {  	s2 =	sadd.s32 s2, s16  }
0x8e: {  	[smem:$0x3FBF] =	sst s2  }
0x8f: {  	_ = 	snop  }
0x90: {  	(tm) =	ssettm $0x1  }
0x91: {  	s17 =	sld [smem:$0x3FFB];
	_ =	sdelay $0x3  }
0x92: {  	_ =	strace s17  }
0x93: {  	s2 =	sld [smem:$0x3FFC];
	_ =	sdelay $0x3  }
0x94: {  	_ =	strace s2  }
0x95: {  	s2 =	sld [smem:$0x3FFD];
	_ =	sdelay $0x3  }
0x96: {  	_ =	strace s2  }
0x97: {  	_ =	strace $0x8FFFFFFF  }
0x98: {  	s18 =	sld [smem:$0x3FDB];
	_ =	sdelay $0x1  }
0x99: {  	s19 =	simm.s32 $_scs_section_size  }
0x9a: {  	s4 =	simm.s32 $_size__tile_overlayer_lowered;
	s5 =	simm.s32 $_tile_overlayer_lowered  }
0x9b: {  	s22 =	simm.s32 $0x1BFF;
	s21 =	sshll.u32 s5, $0x1;
	s2 =	sadd.s32 s19, s18  }
0x9c: {  	s6 =	simm.s32 $0x0;
	s20 =	sshll.u32 s4, $0x1;
	s4 =	sadd.s32 s21, s2  }
0x9d: {  	[timem:s6], [sflag:s22] =	dma.local [hbm:s4], s20  }
0x9e: {  	_ =	swait.ge [sflag:s22], s20  }
0x9f: {  	s3 =	ssub.s32 $0x0, s20;
	[sflag:s22] =	ssyncset.done $0x0  }
0xa0: {  	[sflag:s22] =	ssyncadd.s32 s3;
	_ =	sdelay $0x1  }
0xa1: {  	s23 =	simm.s32 $0x1B8B  }
0xa2: {  	_ =	swait.ge [sflag:s23], $0x1  }
0xa3: {  	[sflag:s23] =	ssyncset.done $0x0  }
0xa4: {  	s25 =	simm.s32 $0x1B8E;
	s24 =	sld [smem:$0x3FFE];
	[sflag:s23] =	ssyncadd.s32 $0xFFFFFFFF  }
0xa5: {  	s26 =	simm.s32 $execute0_lowered;
	[smem:$0x3FD2] =	sst s25  }
0xa6: {  	s4 =	sshll.u32 s26, $0x1;
	_ =	strace $0x80000046;
	[dreg:$0x1] =	wrdreg $0xFFFFFFFF  }
0xa7: {  	s28 =	simm.s32 $_size_execute0_lowered;
	s2 =	sadd.s32 s2, s4;
	[dreg:$0x0] =	wrdreg $0x0  }
0xa8: {  	s4 =	sshll.u32 s28, $0x1;
	[dreg:$0x2] =	wrdreg s2  }
0xa9: {  	[dreg:$0x3] =	wrdreg s4  }
0xaa: {  	[dreg:$0x4] =	wrdreg $0xC0  }
0xab: {  	_ =	task [dreg:s6], $0x5FFFF  }
0xac: {  	[dreg:$0x1] =	wrdreg $0xFFFFFFFF  }
0xad: {  	[dreg:$0x0] =	wrdreg $0x60  }
0xae: {  	[dreg:$0x2] =	wrdreg s24  }
0xaf: {  	[dreg:$0x3] =	wrdreg $0xA  }
0xb0: {  	_ =	task.clear_ibuf [dreg:s6], $0x4FFFF;
	_ =	strace $0x90000046  }
0xb1: {  	s29 =	simm.s32 $0xA;
	_ =	strace $0x80000048  }
0xb2: {  	_ =	swait.ge [sflag:s29], $0x1  }
0xb3: {  	[sflag:s29] =	ssyncadd.s32 $0xFFFFFFFF  }
0xb4: {  	_ =	strace $0x90000048  }
0xb5: {  	_ =	sfence  }
0xb6: {  	s30 =	sld [smem:$0x0];
	_ =	sdelay $0x2  }
0xb7: {  	s31 =	sshll.u32 s1, $0xD;
	s1 =	sshrl.u32 s1, $0x2  }
0xb8: {  	s3 =	sand.u32 $0x4000, s31;
	s1 =	sadd.s32 s1, s30  }
0xb9: {  	s0 =	sor.u32 s3, s0;
	s1 =	sshll.u32 s1, $0x11  }
0xba: {  	s0 =	sor.u32 s1, s0  }
0xbb: {  	s0 =	sadd.s32 $0x8F2B, s0  }
0xbc: {  	[sflag:s0] =	ssyncadd.remote.s32 $0x1  }
0xbd: {  	_ =	sfence.sel $0xFFFF  }
0xbe: {  	[dreg:$0x0] =	wrdreg $0xFFFFFFFF;
	(pc) =	sbr.abs _section_cstart, $3  }
0xbf: {  	[dreg:$0x1] =	wrdreg $0xFFFFFFFF  }
0xc0: {  	_ =	task.clear_ibuf [dreg:s6], $0x2FFFF;
	_ =	strace $0x9FFFFFFF  }
0xc1: {  	(tm) =	ssettm $0x7FFFFFFF  }
tec
execute0_lowered:
.L_overlay_start_1:
0x0: {  	(tag) =	ssettag $0x1  }
0x1: {  	s1 =	srdreg.scid;
	s0 =	stileid.u32  }
0x2: {  	s17 =	sand.u32 $0x1, s1;
	s30 =	sshll.u32 s0, $0x1  }
0x3: {  	s13 =	sor.u32 s17, s30  }
0x4: {  	s3 =	smul.u32 $0x320, s13  }
0x5: {  	s9 =	rddreg [dreg:$0x0]  }
0x6: {  	s2 =	simm.s32 $0x0;
	s14 =	sadd.s32 $0x2C00, s9;
	s3 =	sshrl.u32 s3, $0x3  }
0x7: {  	s4 =	simm.s32 $0x2;
	[smem:$0x7FF] =	sst s2;
	s12 =	sadd.s32 s14, s3  }
0x8: {  	s1 =	rddreg [dreg:$0x1];
	_ =	strace $0x80000047;
	s3 =	sadd.s32 $0x2710, s12  }
0x9: {  	[tilespmem:s2], [sflag:$0x2] =	stream.linear.gather [hbm4b:s3+s2], $0x320, $0x38;
	[tilespmem:$0x19380] =	vst v63  }
0xa: {  	_ =	swait.ge [sflag:s4], $0x320  }
0xb: {  	s6 =	simm.s32 $0x320;
	s7 =	simm.s32 $0x380;
	[sflag:s4] =	ssyncset.done $0x0  }
0xc: {  	s8 =	simm.s32 $0x1;
	s5 =	sadd.s32 $0x7C00, s9;
	[sflag:s4] =	ssyncadd.s32 $0xFFFFFCE0  }
0xd: {  	[tilespmem:s7], [sflag:$0x1] =	stream.indirect.gather [hbm4b:s5+s6], $0x80, s2, s6, $0xb8;
	[tilespmem:$0x19380] =	vst v63  }
0xe: {  	s10 =	smul.u32 $0x3200, s13;
	_ =	swait.ge [sflag:s8], $0x19000  }
0xf: {  	s20 =	sadd.s32 $0x2EE00, s9;
	[sflag:s8] =	ssyncset.done $0x0  }
0x10: {  	s9 =	sadd.s32 s20, s10;
	[sflag:s8] =	ssyncadd.s32 $0xFFFE7000  }
0x11: {  	[hbm4b:s9+s2] =	stream.linear.scatter [tilespmem:s7], [sflag:$0x2], $0x19000, $0x38;
	[tilespmem:$0x19380] =	vst v63  }
0x12: {  	_ =	swait.ge [sflag:s4], $0x19000  }
0x13: {  	[sflag:s4] =	ssyncset.done $0x0  }
0x14: {  	s10 =	sadd.s32 $0x3390, s12;
	[sflag:s4] =	ssyncadd.s32 $0xFFFE7000  }
0x15: {  	[tilespmem:s2], [sflag:$0x2] =	stream.linear.gather [hbm4b:s10+s2], $0x320, $0x38;
	[tilespmem:$0x19380] =	vst v63  }
0x16: {  	_ =	swait.ge [sflag:s4], $0x320  }
0x17: {  	[sflag:s4] =	ssyncset.done $0x0  }
0x18: {  	s11 =	smul.u32 $0x19000, s13;
	[sflag:s4] =	ssyncadd.s32 $0xFFFFFCE0  }
0x19: {  	[tilespmem:s7], [sflag:$0x1] =	stream.indirect.gather [hbm4b:s5+s6], $0x80, s2, s6, $0xb8;
	[tilespmem:$0x19380] =	vst v63  }
0x1a: {  	s11 =	sshrl.u32 s11, $0x3;
	_ =	swait.ge [sflag:s8], $0x19000  }
0x1b: {  	s15 =	sadd.s32 s20, s11;
	[sflag:s8] =	ssyncset.done $0x0  }
0x1c: {  	s11 =	sadd.s32 $0x64000, s15;
	[sflag:s8] =	ssyncadd.s32 $0xFFFE7000  }
0x1d: {  	[hbm4b:s11+s2] =	stream.linear.scatter [tilespmem:s7], [sflag:$0x2], $0x19000, $0x38;
	[tilespmem:$0x19380] =	vst v63  }
0x1e: {  	_ =	swait.ge [sflag:s4], $0x19000  }
0x1f: {  	[sflag:s4] =	ssyncset.done $0x0  }
0x20: {  	s12 =	sadd.s32 $0x4010, s12;
	[sflag:s4] =	ssyncadd.s32 $0xFFFE7000  }
0x21: {  	[tilespmem:s2], [sflag:$0x2] =	stream.linear.gather [hbm4b:s12+s2], $0x320, $0x38;
	[tilespmem:$0x19380] =	vst v63  }
0x22: {  	_ =	swait.ge [sflag:s4], $0x320  }
0x23: {  	[sflag:s4] =	ssyncset.done $0x0  }
0x24: {  	p0 =	sgt.u32 s0, $0x1;
	[sflag:s4] =	ssyncadd.s32 $0xFFFFFCE0  }
0x25: {  	[tilespmem:s7], [sflag:$0x1] =	stream.indirect.gather [hbm4b:s5+s6], $0x80, s2, s6, $0xb8;
	[tilespmem:$0x19380] =	vst v63  }
0x26: {  	s22 =	ssub.s32 $0x2, s17;
	s17 =	simm.s32 @!p0 $0x1;
	_ =	swait.ge [sflag:s8], $0x19000  }
0x27: {  	s18 =	simm.s32 @!p0 $0x320;
	s21 =	sor.u32 $0x60, s13;
	[sflag:s8] =	ssyncset.done $0x0  }
0x28: {  	s16 =	smul.u32 $0x320, s21;
	s13 =	sadd.s32 $0xC8000, s15;
	[sflag:s8] =	ssyncadd.s32 $0xFFFE7000  }
0x29: {  	[hbm4b:s13+s2] =	stream.linear.scatter [tilespmem:s7], [sflag:$0x2], $0x19000, $0x38;
	[tilespmem:$0x19380] =	vst v63  }
0x2a: {  	s23 =	sshrl.u32 s22, $0x1;
	s31 =	sshrl.u32 s16, $0x3;
	_ =	swait.ge [sflag:s4], $0x19000  }
0x2b: {  	s16 =	simm.s32 @!p0 $0x0;
	s14 =	sadd.s32 s14, s31;
	[sflag:s4] =	ssyncset.done $0x0  }
0x2c: {  	s15 =	simm.s32 @!p0 $0x2;
	s14 =	sadd.s32 $0x2710, s14;
	[sflag:s4] =	ssyncadd.s32 $0xFFFE7000  }
0x2d: {  	[tilespmem:s16], [sflag:$0x2] =	stream.linear.gather @!p0 [hbm4b:s14+s16], $0x320, $0x38;
	[tilespmem:$0x19380] =	vst v63  }
0x2e: {  	s22 =	ssub.s32 s22, s23;
	s21 =	smul.u32 $0x3200, s21;
	_ =	swait.ge @!p0 [sflag:s15], $0x320  }
0x2f: {  	s19 =	simm.s32 @!p0 $0x380;
	s22 =	smax.u32 s22, $0x1;
	[sflag:s15] =	ssyncset.done @!p0 $0x0  }
0x30: {  	s20 =	sadd.s32 s20, s21;
	s21 =	sadd.s32 $0xFFFFFFFF, s22;
	[sflag:s15] =	ssyncadd.s32 @!p0 $0xFFFFFCE0  }
0x31: {  	[tilespmem:s19], [sflag:$0x1] =	stream.indirect.gather @!p0 [hbm4b:s5+s18], $0x80, s16, s18, $0xb8;
	[tilespmem:$0x19380] =	vst v63  }
0x32: {  	p1 =	sne.s32 s21, $0x0;
	_ =	swait.ge @!p0 [sflag:s17], $0x19000  }
.Ltmp0:
0x33: {  	[sflag:s17] =	ssyncset.done @!p0 $0x0;
	(pc) =	sbr.rel @!p1 .LBB2_2-.Ltmp0, $4  }
0x34: {  	[sflag:s17] =	ssyncadd.s32 @!p0 $0xFFFE7000  }
0x35: {  	[hbm4b:s20+s16] =	stream.linear.scatter @!p0 [tilespmem:s19], [sflag:$0x2], $0x19000, $0x38;
	[tilespmem:$0x19380] =	vst v63  }
0x36: {  	_ =	swait.ge @!p0 [sflag:s15], $0x19000  }
0x37: {  	[sflag:s15] =	ssyncset.done @!p0 $0x0  }
.LBB2_1:
0x38: {  	s21 =	sadd.s32 $0xFFFFFFFF, s21;
	[sflag:s15] =	ssyncadd.s32 @!p0 $0xFFFE7000  }
0x39: {  	[tilespmem:s2], [sflag:$0x2] =	stream.linear.gather [hbm4b:s3+s2], $0x320, $0x38;
	[tilespmem:$0x19380] =	vst v63  }
0x3a: {  	p1 =	sne.s32 s21, $0x0;
	_ =	swait.ge [sflag:s4], $0x320  }
0x3b: {  	[sflag:s4] =	ssyncset.done $0x0  }
0x3c: {  	[sflag:s4] =	ssyncadd.s32 $0xFFFFFCE0  }
0x3d: {  	[tilespmem:s7], [sflag:$0x1] =	stream.indirect.gather [hbm4b:s5+s6], $0x80, s2, s6, $0xb8;
	[tilespmem:$0x19380] =	vst v63  }
0x3e: {  	_ =	swait.ge [sflag:s8], $0x19000  }
0x3f: {  	[sflag:s8] =	ssyncset.done $0x0  }
0x40: {  	[sflag:s8] =	ssyncadd.s32 $0xFFFE7000  }
0x41: {  	[hbm4b:s9+s2] =	stream.linear.scatter [tilespmem:s7], [sflag:$0x2], $0x19000, $0x38;
	[tilespmem:$0x19380] =	vst v63  }
0x42: {  	_ =	swait.ge [sflag:s4], $0x19000  }
0x43: {  	[sflag:s4] =	ssyncset.done $0x0  }
0x44: {  	[sflag:s4] =	ssyncadd.s32 $0xFFFE7000  }
0x45: {  	[tilespmem:s2], [sflag:$0x2] =	stream.linear.gather [hbm4b:s10+s2], $0x320, $0x38;
	[tilespmem:$0x19380] =	vst v63  }
0x46: {  	_ =	swait.ge [sflag:s4], $0x320  }
0x47: {  	[sflag:s4] =	ssyncset.done $0x0  }
0x48: {  	[sflag:s4] =	ssyncadd.s32 $0xFFFFFCE0  }
0x49: {  	[tilespmem:s7], [sflag:$0x1] =	stream.indirect.gather [hbm4b:s5+s6], $0x80, s2, s6, $0xb8;
	[tilespmem:$0x19380] =	vst v63  }
0x4a: {  	_ =	swait.ge [sflag:s8], $0x19000  }
0x4b: {  	[sflag:s8] =	ssyncset.done $0x0  }
0x4c: {  	[sflag:s8] =	ssyncadd.s32 $0xFFFE7000  }
0x4d: {  	[hbm4b:s11+s2] =	stream.linear.scatter [tilespmem:s7], [sflag:$0x2], $0x19000, $0x38;
	[tilespmem:$0x19380] =	vst v63  }
0x4e: {  	_ =	swait.ge [sflag:s4], $0x19000  }
0x4f: {  	[sflag:s4] =	ssyncset.done $0x0  }
0x50: {  	[sflag:s4] =	ssyncadd.s32 $0xFFFE7000  }
0x51: {  	[tilespmem:s2], [sflag:$0x2] =	stream.linear.gather [hbm4b:s12+s2], $0x320, $0x38;
	[tilespmem:$0x19380] =	vst v63  }
0x52: {  	_ =	swait.ge [sflag:s4], $0x320  }
0x53: {  	[sflag:s4] =	ssyncset.done $0x0  }
0x54: {  	[sflag:s4] =	ssyncadd.s32 $0xFFFFFCE0  }
0x55: {  	[tilespmem:s7], [sflag:$0x1] =	stream.indirect.gather [hbm4b:s5+s6], $0x80, s2, s6, $0xb8;
	[tilespmem:$0x19380] =	vst v63  }
0x56: {  	_ =	swait.ge [sflag:s8], $0x19000  }
0x57: {  	[sflag:s8] =	ssyncset.done $0x0  }
0x58: {  	[sflag:s8] =	ssyncadd.s32 $0xFFFE7000  }
0x59: {  	[hbm4b:s13+s2] =	stream.linear.scatter [tilespmem:s7], [sflag:$0x2], $0x19000, $0x38;
	[tilespmem:$0x19380] =	vst v63  }
0x5a: {  	_ =	swait.ge [sflag:s4], $0x19000  }
0x5b: {  	[sflag:s4] =	ssyncset.done $0x0  }
0x5c: {  	[sflag:s4] =	ssyncadd.s32 $0xFFFE7000  }
0x5d: {  	[tilespmem:s16], [sflag:$0x2] =	stream.linear.gather @!p0 [hbm4b:s14+s16], $0x320, $0x38;
	[tilespmem:$0x19380] =	vst v63  }
0x5e: {  	_ =	swait.ge @!p0 [sflag:s15], $0x320  }
0x5f: {  	[sflag:s15] =	ssyncset.done @!p0 $0x0  }
0x60: {  	[sflag:s15] =	ssyncadd.s32 @!p0 $0xFFFFFCE0  }
0x61: {  	[tilespmem:s19], [sflag:$0x1] =	stream.indirect.gather @!p0 [hbm4b:s5+s18], $0x80, s16, s18, $0xb8;
	[tilespmem:$0x19380] =	vst v63  }
0x62: {  	_ =	swait.ge @!p0 [sflag:s17], $0x19000  }
.Ltmp1:
0x63: {  	[sflag:s17] =	ssyncset.done @!p0 $0x0;
	(pc) =	sbr.rel @p1 .LBB2_1-.Ltmp1, $4  }
0x64: {  	[sflag:s17] =	ssyncadd.s32 @!p0 $0xFFFE7000  }
0x65: {  	[hbm4b:s20+s16] =	stream.linear.scatter @!p0 [tilespmem:s19], [sflag:$0x2], $0x19000, $0x38;
	[tilespmem:$0x19380] =	vst v63  }
0x66: {  	_ =	swait.ge @!p0 [sflag:s15], $0x19000  }
0x67: {  	[sflag:s15] =	ssyncset.done @!p0 $0x0  }
.LBB2_2:
0x68: {  	[sflag:s15] =	ssyncadd.s32 @!p0 $0xFFFE7000  }
0x69: {  	_ =	sfence.sel $0x180000  }
0x6a: {  	[bflag:$0x0] =	sbarrier.arrive $0xFFFF  }
0x6b: {  	p0 =	sne.s32 s0, $0x0;
	_ =	strace $0x90000047  }
0x6c: {  	s0 =	sadd.s32 @!p0 $0x100000, s1;
	[bflag:$0x2] =	sbarrier.arrive $0xFFFF  }
0x6d: {  	[sflag:s0] =	ssyncadd.tile.s32 @!p0 $0x1;
	_ =	shalt  }
.Lfunc_end2:
_tile_overlayer_lowered:
.L_overlay_start_2:
0x6e: {  	(tag) =	ssettag $0x2  }
0x6f: {  	s0 =	rddreg [dreg:$0x0];
	s2 =	stileid.u32  }
0x70: {  	s1 =	rddreg [dreg:$0x1];
	p0 =	sne.s32 s2, $0x0  }
0x71: {  	s3 =	rddreg [dreg:$0x2];
	[bflag:$0x3] =	sbarrier.arrive $0xFFFF;
	s2 =	simm.s32 @!p0 $0x1C02  }
0x72: {  	[timem:s3], [sflag:s2] =	dma.local @!p0 [hbm:s0], s1  }
0x73: {  	s0 =	simm.s32 @!p0 $0x2  }
0x74: {  	_ =	swait.ge @!p0 [sflag:s0], s1  }
0x75: {  	s1 =	ssub.s32 @!p0 $0x0, s1;
	[sflag:s0] =	ssyncset.done @!p0 $0x0  }
0x76: {  	[sflag:s0] =	ssyncadd.s32 @!p0 s1  }
0x77: {  	[bflag:$0x3] =	sbarrier.arrive $0xFFFF  }
0x78: {  	_ =	shalt  }

// kernel: kernel.14.cloned.1.call-start
scs
__scs_entry_jumppad:
0x0: {  	(pc) =	sbr.rel $0x88, $3  }
0x1: {  	(tag) =	ssettag $0x0;
	lr =	simm.s32 $0x1  }
0x2: {  	[smem:$0x3F98] =	sst lr;
	_ =	strace $0xD0000000  }
0x3: {  	_ = 	snop  }
0x4: {  	_ = 	snop  }
0x5: {  	_ = 	snop  }
0x6: {  	_ = 	snop  }
0x7: {  	_ = 	snop  }
__scs_overlays_trampoline_lowered:
0x8: {  	[smem:$0x3FA7] =	sst s0  }
0x9: {  	[smem:$0x3FA8] =	sst s1  }
0xa: {  	[smem:$0x3FA9] =	sst s2  }
0xb: {  	[smem:$0x3FAA] =	sst s3  }
0xc: {  	[smem:$0x3FAB] =	sst s4  }
0xd: {  	[smem:$0x3FAC] =	sst s5  }
0xe: {  	[smem:$0x3FAD] =	sst s6  }
0xf: {  	[smem:$0x3FAE] =	sst s7  }
0x10: {  	[smem:$0x3FAF] =	sst s8  }
0x11: {  	[smem:$0x3FB0] =	sst s9;
	s0 =	simm.s32 @!p0 $0x0  }
0x12: {  	s1 =	sld [smem:$0x3F96];
	s0 =	simm.s32 @p0 $0x1  }
0x13: {  	[smem:$0x3FB1] =	sst s0;
	s0 =	simm.s32 @!p1 $0x0  }
0x14: {  	s2 =	sld [smem:$0x3F95];
	s0 =	simm.s32 @p1 $0x1  }
0x15: {  	[smem:$0x3FB2] =	sst s0;
	s0 =	simm.s32 @!p2 $0x0  }
0x16: {  	s3 =	sld [smem:$0x3FDB];
	s0 =	simm.s32 @p2 $0x1  }
0x17: {  	s4 =	simm.s32 $0x1BF5;
	[smem:$0x3FB4] =	sst s0  }
0x18: {  	s0 =	sld [smem:$0x3F97];
	_ =	swait.ge [sflag:s4], $0x0  }
0x19: {  	s7 =	sld [smem:$0x3F98]  }
0x1a: {  	s8 =	sadd.s32 $0xFFFFE003, lr  }
0x1b: {  	s9 =	sadd.s32 $0xFFFFFEF7, lr;
	s5 =	simm.s32 $0xFFFFFFFF;
	p2 =	slt.u32 s8, $0xFFFFF086  }
0x1c: {  	p1 =	slt.u32 s9, $0xF7A;
	s5 =	simm.s32 @!p2 $0x0  }
0x1d: {  	s5 =	simm.s32 @p1 $0x1;
	p0 =	seq.s32 s7, s2  }
0x1e: {  	s7 =	smul.u32 @!p0 $0xF7A, s2;
	p2 =	seq.s32 @!p0 s5, $0x0  }
0x1f: {  	s9 =	smul.u32 $0xF7A, s1;
	s8 =	simm.s32 @!p0 $0x1BF5;
	p2 =	por !p2, p0  }
0x20: {  	[sflag:s8] =	ssyncset.s32 @!p0 $0xFFFFF086;
	s6 =	sadd.s32 @!p0 s3, s7;
	s7 =	simm.s32 @!p0 $0x108  }
0x21: {  	s3 =	sadd.s32 s3, s9;
	s6 =	sadd.s32 @!p0 $0x88, s6;
	s7 =	simm.s32 @p2 $0x1082  }
0x22: {  	[simem:s7], [sflag:s8] =	dma.local @!p0 [hbm:s6], $0xF7A  }
0x23: {  	s9 =	sor.u32 $0xD0000000, s2;
	s6 =	simm.s32 $0x108;
	_ =	swait.ge @!p0 [sflag:s8], $0x0  }
0x24: {  	s3 =	sadd.s32 $0x88, s3;
	s6 =	simm.s32 @!p1 $0x1082;
	[sflag:s4] =	ssyncset.s32 $0xFFFFF086  }
0x25: {  	[simem:s6], [sflag:s4] =	dma.local [hbm:s3], $0xF7A  }
0x26: {  	[smem:$0x3F98] =	sst s1;
	(tag) =	ssettag s2;
	_ =	strace s9  }
0x27: {  	s1 =	sld [smem:$0x3FA8]  }
0x28: {  	s2 =	sld [smem:$0x3FA9]  }
0x29: {  	s4 =	sld [smem:$0x3FAB]  }
0x2a: {  	p0 =	seq.s32 s5, $0x0;
	s5 =	sld [smem:$0x3FAC]  }
0x2b: {  	s6 =	sld [smem:$0x3FAD]  }
0x2c: {  	s7 =	sld [smem:$0x3FAE]  }
0x2d: {  	s3 =	simm.s32 $0x108;
	s8 =	sld [smem:$0x3FAF]  }
0x2e: {  	s3 =	simm.s32 @!p0 $0x1082;
	s9 =	sld [smem:$0x3FB0]  }
0x2f: {  	lr =	sadd.s32 s0, s3;
	s0 =	sld [smem:$0x3FA7]  }
0x30: {  	s3 =	sld [smem:$0x3FAA]  }
0x31: {  	[smem:$0x3FB3] =	sst s10  }
0x32: {  	s10 =	sld [smem:$0x3FB1];
	_ =	sdelay $0x3  }
0x33: {  	p0 =	seq.s32 s10, $0x1;
	s10 =	sld [smem:$0x3FB3];
	_ =	sdelay $0x3  }
0x34: {  	[smem:$0x3FB3] =	sst s10  }
0x35: {  	s10 =	sld [smem:$0x3FB2];
	_ =	sdelay $0x3  }
0x36: {  	p1 =	seq.s32 s10, $0x1;
	s10 =	sld [smem:$0x3FB3];
	_ =	sdelay $0x3  }
0x37: {  	[smem:$0x3FB3] =	sst s10  }
0x38: {  	s10 =	sld [smem:$0x3FB4]  }
0x39: {  	_ = 	snop;
	(pc) =	sbr.ind lr, $3  }
0x3a: {  	_ = 	snop  }
0x3b: {  	_ = 	snop  }
0x3c: {  	p2 =	seq.s32 s10, $0x1;
	s10 =	sld [smem:$0x3FB3]  }
0x3d: {  	_ =	shalt  }
0x3e: {  	_ =	shalt  }
0x3f: {  	_ =	shalt  }
0x40: {  	_ =	shalt  }
0x41: {  	_ =	shalt  }
0x42: {  	_ =	shalt  }
0x43: {  	_ =	shalt  }
0x44: {  	_ =	shalt  }
0x45: {  	_ =	shalt  }
0x46: {  	_ =	shalt  }
0x47: {  	_ =	shalt  }
0x48: {  	_ =	shalt  }
0x49: {  	_ =	shalt  }
0x4a: {  	_ =	shalt  }
0x4b: {  	_ =	shalt  }
0x4c: {  	_ =	shalt  }
0x4d: {  	_ =	shalt  }
0x4e: {  	_ =	shalt  }
0x4f: {  	_ =	shalt  }
0x50: {  	_ =	shalt  }
0x51: {  	_ =	shalt  }
0x52: {  	_ =	shalt  }
0x53: {  	_ =	shalt  }
0x54: {  	_ =	shalt  }
0x55: {  	_ =	shalt  }
0x56: {  	_ =	shalt  }
0x57: {  	_ =	shalt  }
0x58: {  	_ =	shalt  }
0x59: {  	_ =	shalt  }
0x5a: {  	_ =	shalt  }
0x5b: {  	_ =	shalt  }
0x5c: {  	_ =	shalt  }
0x5d: {  	_ =	shalt  }
0x5e: {  	_ =	shalt  }
0x5f: {  	_ =	shalt  }
0x60: {  	_ =	shalt  }
0x61: {  	_ =	shalt  }
0x62: {  	_ =	shalt  }
0x63: {  	_ =	shalt  }
0x64: {  	_ =	shalt  }
0x65: {  	_ =	shalt  }
0x66: {  	_ =	shalt  }
0x67: {  	_ =	shalt  }
0x68: {  	_ =	shalt  }
0x69: {  	_ =	shalt  }
0x6a: {  	_ =	shalt  }
0x6b: {  	_ =	shalt  }
0x6c: {  	_ =	shalt  }
0x6d: {  	_ =	shalt  }
0x6e: {  	_ =	shalt  }
0x6f: {  	_ =	shalt  }
0x70: {  	_ =	shalt  }
0x71: {  	_ =	shalt  }
0x72: {  	_ =	shalt  }
0x73: {  	_ =	shalt  }
0x74: {  	_ =	shalt  }
0x75: {  	_ =	shalt  }
0x76: {  	_ =	shalt  }
0x77: {  	_ =	shalt  }
0x78: {  	_ =	shalt  }
0x79: {  	_ =	shalt  }
0x7a: {  	_ =	shalt  }
0x7b: {  	_ =	shalt  }
0x7c: {  	_ =	shalt  }
0x7d: {  	_ =	shalt  }
0x7e: {  	_ =	shalt  }
0x7f: {  	_ =	shalt  }
0x80: {  	_ =	shalt  }
0x81: {  	_ =	shalt  }
0x82: {  	_ =	shalt  }
0x83: {  	_ =	shalt  }
0x84: {  	_ =	shalt  }
0x85: {  	_ =	shalt  }
0x86: {  	_ =	shalt  }
0x87: {  	_ =	shalt  }
.Lfunc_end0:
.L_simem_size_0:
called_computation.2_lowered:
.L_overlay_start_0:
0x88: {  	s2 =	sld [smem:$0x3FD9]  }
0x89: {  	s3 =	sld [smem:$0x3FFE];
	_ =	sdelay $0x1  }
0x8a: {  	s1 =	srdreg.scid  }
0x8b: {  	s0 =	sand.u32 $0x1, s1  }
0x8c: {  	s17 =	sshll.u32 s0, $0xA;
	s2 =	sadd.s32 s3, s2  }
0x8d: {  	s2 =	sadd.s32 s2, s17  }
0x8e: {  	[smem:$0x3FBF] =	sst s2  }
0x8f: {  	_ = 	snop  }
0x90: {  	s2 =	sld [smem:$0x3FD0];
	(tm) =	ssettm $0x1  }
0x91: {  	s18 =	sld [smem:$0x3FFB];
	_ =	sdelay $0x3  }
0x92: {  	_ =	strace s18  }
0x93: {  	s3 =	sld [smem:$0x3FFC];
	_ =	sdelay $0x3  }
0x94: {  	_ =	strace s3  }
0x95: {  	s3 =	sld [smem:$0x3FFD];
	_ =	sdelay $0x3  }
0x96: {  	_ =	strace s3  }
0x97: {  	_ =	strace $0x8FFFFFFF  }
0x98: {  	s19 =	sld [smem:$0x3FDB];
	_ =	sdelay $0x1  }
0x99: {  	s4 =	simm.s32 $_scs_section_size  }
0x9a: {  	s5 =	simm.s32 $_size__tile_overlayer_lowered;
	s6 =	simm.s32 $_tile_overlayer_lowered  }
0x9b: {  	s22 =	simm.s32 $0x1BFF;
	s21 =	sshll.u32 s6, $0x1;
	s3 =	sadd.s32 s4, s19  }
0x9c: {  	s7 =	simm.s32 $0x0;
	s20 =	sshll.u32 s5, $0x1;
	s5 =	sadd.s32 s21, s3  }
0x9d: {  	[timem:s7], [sflag:s22] =	dma.local [hbm:s5], s20  }
0x9e: {  	_ =	swait.ge [sflag:s22], s20  }
0x9f: {  	s4 =	ssub.s32 $0x0, s20;
	[sflag:s22] =	ssyncset.done $0x0  }
0xa0: {  	[sflag:s22] =	ssyncadd.s32 s4;
	_ =	sdelay $0x1  }
0xa1: {  	s23 =	simm.s32 $0x1B8B  }
0xa2: {  	_ =	swait.ge [sflag:s23], $0x1  }
0xa3: {  	[sflag:s23] =	ssyncset.done $0x0  }
0xa4: {  	s25 =	simm.s32 $0x1B8E;
	s24 =	sld [smem:$0x3FFE];
	[sflag:s23] =	ssyncadd.s32 $0xFFFFFFFF  }
0xa5: {  	s26 =	simm.s32 $execute0_lowered;
	[smem:$0x3FD2] =	sst s25  }
0xa6: {  	s5 =	sshll.u32 s26, $0x1;
	_ =	strace $0x8000004C;
	[dreg:$0x1] =	wrdreg $0xFFFFFFFF  }
0xa7: {  	s28 =	simm.s32 $_size_execute0_lowered;
	s3 =	sadd.s32 s3, s5;
	[dreg:$0x0] =	wrdreg $0x0  }
0xa8: {  	s5 =	sshll.u32 s28, $0x1;
	[dreg:$0x2] =	wrdreg s3  }
0xa9: {  	[dreg:$0x3] =	wrdreg s5  }
0xaa: {  	[dreg:$0x4] =	wrdreg $0xC0  }
0xab: {  	_ =	task [dreg:s7], $0x5FFFF  }
0xac: {  	[dreg:$0x1] =	wrdreg $0xFFFFFFFF  }
0xad: {  	[dreg:$0x0] =	wrdreg $0x60  }
0xae: {  	[dreg:$0x2] =	wrdreg s24  }
0xaf: {  	[dreg:$0x3] =	wrdreg s2  }
0xb0: {  	[dreg:$0x4] =	wrdreg $0x99200  }
0xb1: {  	[dreg:$0x5] =	wrdreg $0x9  }
0xb2: {  	_ =	task.clear_ibuf [dreg:s7], $0x6FFFF;
	_ =	strace $0x9000004C  }
0xb3: {  	s29 =	simm.s32 $0x9;
	_ =	strace $0x8000004E  }
0xb4: {  	_ =	swait.ge [sflag:s29], $0x1  }
0xb5: {  	[sflag:s29] =	ssyncadd.s32 $0xFFFFFFFF  }
0xb6: {  	_ =	strace $0x9000004E  }
0xb7: {  	_ =	sfence  }
0xb8: {  	s30 =	sld [smem:$0x0];
	_ =	sdelay $0x2  }
0xb9: {  	s31 =	sshll.u32 s1, $0xD;
	s1 =	sshrl.u32 s1, $0x2  }
0xba: {  	s3 =	sand.u32 $0x4000, s31;
	s1 =	sadd.s32 s1, s30  }
0xbb: {  	s0 =	sor.u32 s3, s0;
	s1 =	sshll.u32 s1, $0x11  }
0xbc: {  	s0 =	sor.u32 s1, s0  }
0xbd: {  	s0 =	sadd.s32 $0x8F2B, s0  }
0xbe: {  	[sflag:s0] =	ssyncadd.remote.s32 $0x1  }
0xbf: {  	_ =	sfence.sel $0xFFFF  }
0xc0: {  	[dreg:$0x0] =	wrdreg $0xFFFFFFFF;
	(pc) =	sbr.abs _section_cstart, $3  }
0xc1: {  	[dreg:$0x1] =	wrdreg $0xFFFFFFFF  }
0xc2: {  	_ =	task.clear_ibuf [dreg:s7], $0x2FFFF;
	_ =	strace $0x9FFFFFFF  }
0xc3: {  	(tm) =	ssettm $0x7FFFFFFF  }
tec
execute0_lowered:
.L_overlay_start_1:
0x0: {  	(tag) =	ssettag $0x1  }
0x1: {  	s4 =	rddreg [dreg:$0x0]  }
0x2: {  	s5 =	rddreg [dreg:$0x1]  }
0x3: {  	s2 =	rddreg [dreg:$0x2]  }
0x4: {  	s0 =	rddreg [dreg:$0x3];
	s3 =	simm.s32 $0x0  }
0x5: {  	s6 =	srdreg.scid;
	s1 =	stileid.u32;
	p1 =	por $0x0, $0x0  }
0x6: {  	[smem:$0x7FF] =	sst s3;
	s6 =	sand.u32 $0x1, s6;
	s7 =	smul.u32 $0x7800, s1  }
0x7: {  	s8 =	sadd.s32 $0xA4200, s4;
	s12 =	sadd.s32 $0x2EE00, s4;
	s10 =	sshll.u32 s1, $0x1  }
0x8: {  	s9 =	smul.u32 $0x78000, s6;
	s11 =	ssub.s32 $0x2, s6;
	s6 =	sor.u32 s6, s10  }
0x9: {  	s21 =	sadd.s32 $0x2C00, s4;
	p0 =	sgt.u32 s1, $0x1;
	s13 =	smul.u32 $0x320, s6  }
0xa: {  	_ =	strace $0x8000004D;
	s15 =	smul.u32 $0x12C0, s6;
	s6 =	sor.u32 $0x60, s6  }
0xb: {  	s31 =	sshrl.u32 s11, $0x1;
	s9 =	sadd.s32 s7, s9;
	s18 =	smul.u32 $0x64, s6  }
0xc: {  	s28 =	ssub.s32 s11, s31;
	s11 =	sshll.u32 s1, $0x6;
	s30 =	smul.u32 $0x12C0, s6  }
0xd: {  	s7 =	sadd.s32 s7, s2;
	s6 =	smul.u32 $0x320, s6;
	s9 =	sshrl.u32 s9, $0x3  }
0xe: {  	s14 =	sshrl.u32 s13, $0x3;
	s16 =	sadd.s32 $0x6400, s13;
	s25 =	sadd.s32 s8, s15  }
0xf: {  	s29 =	sadd.s32 $0x4B000, s15;
	s15 =	sadd.s32 s12, s15;
	s31 =	smax.u32 s28, $0x1  }
0x10: {  	s7 =	sshrl.u32 s7, $0x3;
	s17 =	sshrl.u32 s16, $0x3;
	s10 =	smul.u32 $0x6, s16  }
0x11: {  	s19 =	sadd.s32 s8, s29;
	s23 =	sadd.s32 s5, s17;
	s17 =	sadd.s32 s8, s30  }
0x12: {  	s22 =	sadd.s32 s8, s10;
	s8 =	sadd.s32 s12, s30;
	s30 =	sadd.s32 $0xFFFFFFFF, s31  }
0x13: {  	s26 =	sadd.s32 s9, s4;
	s4 =	sor.u32 $0x1C01, s11;
	p2 =	sne.s32 s30, $0x0  }
.Ltmp0:
0x14: {  	s24 =	sadd.s32 s5, s14;
	s18 =	sadd.s32 s5, s18;
	(pc) =	sbr.rel @!p2 .LBB2_3-.Ltmp0, $4  }
0x15: {  	s6 =	sshrl.u32 s6, $0x3;
	s20 =	sadd.s32 $0x1900, s24;
	s16 =	sadd.s32 $0x2710, s24  }
0x16: {  	s14 =	sadd.s32 $0x3390, s24;
	s5 =	sadd.s32 s5, s6;
	s11 =	sadd.s32 $0x4010, s24  }
0x17: {  	s6 =	simm.s32 $0x1;
	s13 =	sadd.s32 s12, s10;
	s10 =	sadd.s32 s12, s29  }
0x18: {  	s9 =	sadd.s32 $0x2710, s5;
	s5 =	sadd.s32 $0x119600, s26;
	s12 =	simm.s32 $0x320  }
0x19: {  	[spmem:s7], [sflag:s4] =	dma.local [hbm:s21], $0xF00  }
0x1a: {  	_ =	swait.ge [sflag:s6], $0xF00  }
0x1b: {  	[sflag:s6] =	ssyncset.done $0x0  }
0x1c: {  	[sflag:s6] =	ssyncadd.s32 $0xFFFFF100  }
0x1d: {  	[bflag:$0x0] =	sbarrier.arrive $0xFFFF  }
0x1e: {  	[tilespmem:s3], [sflag:$0x1] =	stream.linear.gather [hbm4b:s24+s3], $0x320, $0x38;
	[tilespmem:$0x11120] =	vst v63  }
0x1f: {  	_ =	swait.ge [sflag:s6], $0x320  }
0x20: {  	[sflag:s6] =	ssyncset.done $0x0  }
0x21: {  	[sflag:s6] =	ssyncadd.s32 $0xFFFFFCE0  }
0x22: {  	[tilespmem:s12], [sflag:$0x1] =	stream.linear.gather [hbm4b:s25+s3], $0x9600, $0x38;
	[tilespmem:$0x11120] =	vst v63  }
0x23: {  	_ =	swait.ge [sflag:s6], $0x9600  }
0x24: {  	[sflag:s6] =	ssyncset.done $0x0  }
0x25: {  	[sflag:s6] =	ssyncadd.s32 $0xFFFF6A00  }
0x26: {  	[spmem:s2] =	stream.indirect.scatter.add.f32 [tilespmem:s12], [sflag:$0x1], $0x30, s3, s12, $0xb8;
	[tilespmem:$0x11120] =	vst v63  }
0x27: {  	_ =	swait.ge [sflag:s6], $0x9600  }
0x28: {  	[sflag:s6] =	ssyncset.done $0x0  }
0x29: {  	[sflag:s6] =	ssyncadd.s32 $0xFFFF6A00  }
0x2a: {  	[tilespmem:s3], [sflag:$0x1] =	stream.linear.gather [hbm4b:s23+s3], $0x320, $0x38;
	[tilespmem:$0x11120] =	vst v63  }
0x2b: {  	_ =	swait.ge [sflag:s6], $0x320  }
0x2c: {  	[sflag:s6] =	ssyncset.done $0x0  }
0x2d: {  	[sflag:s6] =	ssyncadd.s32 $0xFFFFFCE0  }
0x2e: {  	[tilespmem:s12], [sflag:$0x1] =	stream.linear.gather [hbm4b:s22+s3], $0x9600, $0x38;
	[tilespmem:$0x11120] =	vst v63  }
0x2f: {  	_ =	swait.ge [sflag:s6], $0x9600  }
0x30: {  	[sflag:s6] =	ssyncset.done $0x0  }
0x31: {  	[sflag:s6] =	ssyncadd.s32 $0xFFFF6A00  }
0x32: {  	[spmem:s2] =	stream.indirect.scatter.add.f32 [tilespmem:s12], [sflag:$0x1], $0x30, s3, s12, $0xb8;
	[tilespmem:$0x11120] =	vst v63  }
0x33: {  	_ =	swait.ge [sflag:s6], $0x9600  }
0x34: {  	[sflag:s6] =	ssyncset.done $0x0  }
0x35: {  	[sflag:s6] =	ssyncadd.s32 $0xFFFF6A00  }
0x36: {  	[tilespmem:s3], [sflag:$0x1] =	stream.linear.gather [hbm4b:s20+s3], $0x320, $0x38;
	[tilespmem:$0x11120] =	vst v63  }
0x37: {  	_ =	swait.ge [sflag:s6], $0x320  }
0x38: {  	[sflag:s6] =	ssyncset.done $0x0  }
0x39: {  	[sflag:s6] =	ssyncadd.s32 $0xFFFFFCE0  }
0x3a: {  	[tilespmem:s12], [sflag:$0x1] =	stream.linear.gather [hbm4b:s19+s3], $0x9600, $0x38;
	[tilespmem:$0x11120] =	vst v63  }
0x3b: {  	_ =	swait.ge [sflag:s6], $0x9600  }
0x3c: {  	[sflag:s6] =	ssyncset.done $0x0  }
0x3d: {  	[sflag:s6] =	ssyncadd.s32 $0xFFFF6A00  }
0x3e: {  	[spmem:s2] =	stream.indirect.scatter.add.f32 [tilespmem:s12], [sflag:$0x1], $0x30, s3, s12, $0xb8;
	[tilespmem:$0x11120] =	vst v63  }
0x3f: {  	_ =	swait.ge [sflag:s6], $0x9600  }
0x40: {  	[sflag:s6] =	ssyncset.done $0x0  }
0x41: {  	s26 =	simm.s32 @!p0 $0x0;
	s28 =	simm.s32 @!p0 $0x1;
	[sflag:s6] =	ssyncadd.s32 $0xFFFF6A00  }
0x42: {  	[tilespmem:s26], [sflag:$0x1] =	stream.linear.gather @!p0 [hbm4b:s18+s26], $0x320, $0x38;
	[tilespmem:$0x11120] =	vst v63  }
0x43: {  	_ =	swait.ge @!p0 [sflag:s28], $0x320  }
0x44: {  	[sflag:s28] =	ssyncset.done @!p0 $0x0  }
0x45: {  	s29 =	simm.s32 @!p0 $0x320;
	[sflag:s28] =	ssyncadd.s32 @!p0 $0xFFFFFCE0  }
0x46: {  	[tilespmem:s29], [sflag:$0x1] =	stream.linear.gather @!p0 [hbm4b:s17+s26], $0x9600, $0x38;
	[tilespmem:$0x11120] =	vst v63  }
0x47: {  	_ =	swait.ge @!p0 [sflag:s28], $0x9600  }
0x48: {  	[sflag:s28] =	ssyncset.done @!p0 $0x0  }
0x49: {  	[sflag:s28] =	ssyncadd.s32 @!p0 $0xFFFF6A00  }
0x4a: {  	[spmem:s2] =	stream.indirect.scatter.add.f32 @!p0 [tilespmem:s29], [sflag:$0x1], $0x30, s26, s29, $0xb8;
	[tilespmem:$0x11120] =	vst v63  }
0x4b: {  	_ =	swait.ge @!p0 [sflag:s28], $0x9600  }
0x4c: {  	[sflag:s28] =	ssyncset.done @!p0 $0x0  }
0x4d: {  	[sflag:s28] =	ssyncadd.s32 @!p0 $0xFFFF6A00  }
0x4e: {  	[tilespmem:s3], [sflag:$0x1] =	stream.linear.gather [hbm4b:s16+s3], $0x320, $0x38;
	[tilespmem:$0x11120] =	vst v63  }
0x4f: {  	_ =	swait.ge [sflag:s6], $0x320  }
0x50: {  	[sflag:s6] =	ssyncset.done $0x0  }
0x51: {  	[sflag:s6] =	ssyncadd.s32 $0xFFFFFCE0  }
0x52: {  	[tilespmem:s12], [sflag:$0x1] =	stream.linear.gather [hbm4b:s15+s3], $0x9600, $0x38;
	[tilespmem:$0x11120] =	vst v63  }
0x53: {  	_ =	swait.ge [sflag:s6], $0x9600  }
0x54: {  	[sflag:s6] =	ssyncset.done $0x0  }
0x55: {  	[sflag:s6] =	ssyncadd.s32 $0xFFFF6A00  }
0x56: {  	[spmem:s2] =	stream.indirect.scatter.add.f32 [tilespmem:s12], [sflag:$0x1], $0x30, s3, s12, $0xb8;
	[tilespmem:$0x11120] =	vst v63  }
0x57: {  	_ =	swait.ge [sflag:s6], $0x9600  }
0x58: {  	[sflag:s6] =	ssyncset.done $0x0  }
0x59: {  	[sflag:s6] =	ssyncadd.s32 $0xFFFF6A00  }
0x5a: {  	[tilespmem:s3], [sflag:$0x1] =	stream.linear.gather [hbm4b:s14+s3], $0x320, $0x38;
	[tilespmem:$0x11120] =	vst v63  }
0x5b: {  	_ =	swait.ge [sflag:s6], $0x320  }
0x5c: {  	[sflag:s6] =	ssyncset.done $0x0  }
0x5d: {  	[sflag:s6] =	ssyncadd.s32 $0xFFFFFCE0  }
0x5e: {  	[tilespmem:s12], [sflag:$0x1] =	stream.linear.gather [hbm4b:s13+s3], $0x9600, $0x38;
	[tilespmem:$0x11120] =	vst v63  }
0x5f: {  	_ =	swait.ge [sflag:s6], $0x9600  }
0x60: {  	[sflag:s6] =	ssyncset.done $0x0  }
0x61: {  	[sflag:s6] =	ssyncadd.s32 $0xFFFF6A00  }
0x62: {  	[spmem:s2] =	stream.indirect.scatter.add.f32 [tilespmem:s12], [sflag:$0x1], $0x30, s3, s12, $0xb8;
	[tilespmem:$0x11120] =	vst v63  }
0x63: {  	_ =	swait.ge [sflag:s6], $0x9600  }
0x64: {  	[sflag:s6] =	ssyncset.done $0x0  }
0x65: {  	[sflag:s6] =	ssyncadd.s32 $0xFFFF6A00  }
0x66: {  	[tilespmem:s3], [sflag:$0x1] =	stream.linear.gather [hbm4b:s11+s3], $0x320, $0x38;
	[tilespmem:$0x11120] =	vst v63  }
0x67: {  	_ =	swait.ge [sflag:s6], $0x320  }
0x68: {  	[sflag:s6] =	ssyncset.done $0x0  }
0x69: {  	[sflag:s6] =	ssyncadd.s32 $0xFFFFFCE0  }
0x6a: {  	[tilespmem:s12], [sflag:$0x1] =	stream.linear.gather [hbm4b:s10+s3], $0x9600, $0x38;
	[tilespmem:$0x11120] =	vst v63  }
0x6b: {  	_ =	swait.ge [sflag:s6], $0x9600  }
0x6c: {  	[sflag:s6] =	ssyncset.done $0x0  }
0x6d: {  	[sflag:s6] =	ssyncadd.s32 $0xFFFF6A00  }
0x6e: {  	[spmem:s2] =	stream.indirect.scatter.add.f32 [tilespmem:s12], [sflag:$0x1], $0x30, s3, s12, $0xb8;
	[tilespmem:$0x11120] =	vst v63  }
0x6f: {  	_ =	swait.ge [sflag:s6], $0x9600  }
0x70: {  	[sflag:s6] =	ssyncset.done $0x0  }
0x71: {  	[sflag:s6] =	ssyncadd.s32 $0xFFFF6A00  }
0x72: {  	[tilespmem:s26], [sflag:$0x1] =	stream.linear.gather @!p0 [hbm4b:s9+s26], $0x320, $0x38;
	[tilespmem:$0x11120] =	vst v63  }
0x73: {  	_ =	swait.ge @!p0 [sflag:s28], $0x320  }
0x74: {  	[sflag:s28] =	ssyncset.done @!p0 $0x0  }
0x75: {  	[sflag:s28] =	ssyncadd.s32 @!p0 $0xFFFFFCE0  }
0x76: {  	[tilespmem:s29], [sflag:$0x1] =	stream.linear.gather @!p0 [hbm4b:s8+s26], $0x9600, $0x38;
	[tilespmem:$0x11120] =	vst v63  }
0x77: {  	_ =	swait.ge @!p0 [sflag:s28], $0x9600  }
0x78: {  	[sflag:s28] =	ssyncset.done @!p0 $0x0  }
0x79: {  	[sflag:s28] =	ssyncadd.s32 @!p0 $0xFFFF6A00  }
0x7a: {  	[spmem:s2] =	stream.indirect.scatter.add.f32 @!p0 [tilespmem:s29], [sflag:$0x1], $0x30, s26, s29, $0xb8;
	[tilespmem:$0x11120] =	vst v63  }
0x7b: {  	s30 =	sadd.s32 $0xFFFFFFFF, s30;
	_ =	swait.ge @!p0 [sflag:s28], $0x9600  }
0x7c: {  	p2 =	sne.s32 s30, $0x0;
	[sflag:s28] =	ssyncset.done @!p0 $0x0  }
.Ltmp1:
0x7d: {  	[sflag:s28] =	ssyncadd.s32 @!p0 $0xFFFF6A00;
	(pc) =	sbr.rel @!p2 .LBB2_3-.Ltmp1, $4  }
0x7e: {  	[bflag:$0x0] =	sbarrier.arrive $0xFFFF  }
0x7f: {  	[hbm:s5], [sflag:s4] =	dma.local [spmem:s7], $0xF00  }
0x80: {  	_ =	swait.ge [sflag:s6], $0xF00  }
0x81: {  	p1 =	por $0x1, $0x1;
	[sflag:s6] =	ssyncset.done $0x0  }
.LBB2_2:
0x82: {  	s30 =	sadd.s32 $0xFFFFFFFF, s30;
	[sflag:s6] =	ssyncadd.s32 $0xFFFFF100  }
0x83: {  	[spmem:s7], [sflag:s4] =	dma.local [hbm:s21], $0xF00  }
0x84: {  	p2 =	sne.s32 s30, $0x0;
	_ =	swait.ge [sflag:s6], $0xF00  }
0x85: {  	[sflag:s6] =	ssyncset.done $0x0  }
0x86: {  	[sflag:s6] =	ssyncadd.s32 $0xFFFFF100  }
0x87: {  	[bflag:$0x0] =	sbarrier.arrive $0xFFFF  }
0x88: {  	[tilespmem:s3], [sflag:$0x1] =	stream.linear.gather [hbm4b:s24+s3], $0x320, $0x38;
	[tilespmem:$0x11120] =	vst v63  }
0x89: {  	_ =	swait.ge [sflag:s6], $0x320  }
0x8a: {  	[sflag:s6] =	ssyncset.done $0x0  }
0x8b: {  	[sflag:s6] =	ssyncadd.s32 $0xFFFFFCE0  }
0x8c: {  	[tilespmem:s12], [sflag:$0x1] =	stream.linear.gather [hbm4b:s25+s3], $0x9600, $0x38;
	[tilespmem:$0x11120] =	vst v63  }
0x8d: {  	_ =	swait.ge [sflag:s6], $0x9600  }
0x8e: {  	[sflag:s6] =	ssyncset.done $0x0  }
0x8f: {  	[sflag:s6] =	ssyncadd.s32 $0xFFFF6A00  }
0x90: {  	[spmem:s2] =	stream.indirect.scatter.add.f32 [tilespmem:s12], [sflag:$0x1], $0x30, s3, s12, $0xb8;
	[tilespmem:$0x11120] =	vst v63  }
0x91: {  	_ =	swait.ge [sflag:s6], $0x9600  }
0x92: {  	[sflag:s6] =	ssyncset.done $0x0  }
0x93: {  	[sflag:s6] =	ssyncadd.s32 $0xFFFF6A00  }
0x94: {  	[tilespmem:s3], [sflag:$0x1] =	stream.linear.gather [hbm4b:s23+s3], $0x320, $0x38;
	[tilespmem:$0x11120] =	vst v63  }
0x95: {  	_ =	swait.ge [sflag:s6], $0x320  }
0x96: {  	[sflag:s6] =	ssyncset.done $0x0  }
0x97: {  	[sflag:s6] =	ssyncadd.s32 $0xFFFFFCE0  }
0x98: {  	[tilespmem:s12], [sflag:$0x1] =	stream.linear.gather [hbm4b:s22+s3], $0x9600, $0x38;
	[tilespmem:$0x11120] =	vst v63  }
0x99: {  	_ =	swait.ge [sflag:s6], $0x9600  }
0x9a: {  	[sflag:s6] =	ssyncset.done $0x0  }
0x9b: {  	[sflag:s6] =	ssyncadd.s32 $0xFFFF6A00  }
0x9c: {  	[spmem:s2] =	stream.indirect.scatter.add.f32 [tilespmem:s12], [sflag:$0x1], $0x30, s3, s12, $0xb8;
	[tilespmem:$0x11120] =	vst v63  }
0x9d: {  	_ =	swait.ge [sflag:s6], $0x9600  }
0x9e: {  	[sflag:s6] =	ssyncset.done $0x0  }
0x9f: {  	[sflag:s6] =	ssyncadd.s32 $0xFFFF6A00  }
0xa0: {  	[tilespmem:s3], [sflag:$0x1] =	stream.linear.gather [hbm4b:s20+s3], $0x320, $0x38;
	[tilespmem:$0x11120] =	vst v63  }
0xa1: {  	_ =	swait.ge [sflag:s6], $0x320  }
0xa2: {  	[sflag:s6] =	ssyncset.done $0x0  }
0xa3: {  	[sflag:s6] =	ssyncadd.s32 $0xFFFFFCE0  }
0xa4: {  	[tilespmem:s12], [sflag:$0x1] =	stream.linear.gather [hbm4b:s19+s3], $0x9600, $0x38;
	[tilespmem:$0x11120] =	vst v63  }
0xa5: {  	_ =	swait.ge [sflag:s6], $0x9600  }
0xa6: {  	[sflag:s6] =	ssyncset.done $0x0  }
0xa7: {  	[sflag:s6] =	ssyncadd.s32 $0xFFFF6A00  }
0xa8: {  	[spmem:s2] =	stream.indirect.scatter.add.f32 [tilespmem:s12], [sflag:$0x1], $0x30, s3, s12, $0xb8;
	[tilespmem:$0x11120] =	vst v63  }
0xa9: {  	_ =	swait.ge [sflag:s6], $0x9600  }
0xaa: {  	[sflag:s6] =	ssyncset.done $0x0  }
0xab: {  	[sflag:s6] =	ssyncadd.s32 $0xFFFF6A00  }
0xac: {  	[tilespmem:s26], [sflag:$0x1] =	stream.linear.gather @!p0 [hbm4b:s18+s26], $0x320, $0x38;
	[tilespmem:$0x11120] =	vst v63  }
0xad: {  	_ =	swait.ge @!p0 [sflag:s28], $0x320  }
0xae: {  	[sflag:s28] =	ssyncset.done @!p0 $0x0  }
0xaf: {  	[sflag:s28] =	ssyncadd.s32 @!p0 $0xFFFFFCE0  }
0xb0: {  	[tilespmem:s29], [sflag:$0x1] =	stream.linear.gather @!p0 [hbm4b:s17+s26], $0x9600, $0x38;
	[tilespmem:$0x11120] =	vst v63  }
0xb1: {  	_ =	swait.ge @!p0 [sflag:s28], $0x9600  }
0xb2: {  	[sflag:s28] =	ssyncset.done @!p0 $0x0  }
0xb3: {  	[sflag:s28] =	ssyncadd.s32 @!p0 $0xFFFF6A00  }
0xb4: {  	[spmem:s2] =	stream.indirect.scatter.add.f32 @!p0 [tilespmem:s29], [sflag:$0x1], $0x30, s26, s29, $0xb8;
	[tilespmem:$0x11120] =	vst v63  }
0xb5: {  	_ =	swait.ge @!p0 [sflag:s28], $0x9600  }
0xb6: {  	[sflag:s28] =	ssyncset.done @!p0 $0x0  }
0xb7: {  	[sflag:s28] =	ssyncadd.s32 @!p0 $0xFFFF6A00  }
0xb8: {  	[tilespmem:s3], [sflag:$0x1] =	stream.linear.gather [hbm4b:s16+s3], $0x320, $0x38;
	[tilespmem:$0x11120] =	vst v63  }
0xb9: {  	_ =	swait.ge [sflag:s6], $0x320  }
0xba: {  	[sflag:s6] =	ssyncset.done $0x0  }
0xbb: {  	[sflag:s6] =	ssyncadd.s32 $0xFFFFFCE0  }
0xbc: {  	[tilespmem:s12], [sflag:$0x1] =	stream.linear.gather [hbm4b:s15+s3], $0x9600, $0x38;
	[tilespmem:$0x11120] =	vst v63  }
0xbd: {  	_ =	swait.ge [sflag:s6], $0x9600  }
0xbe: {  	[sflag:s6] =	ssyncset.done $0x0  }
0xbf: {  	[sflag:s6] =	ssyncadd.s32 $0xFFFF6A00  }
0xc0: {  	[spmem:s2] =	stream.indirect.scatter.add.f32 [tilespmem:s12], [sflag:$0x1], $0x30, s3, s12, $0xb8;
	[tilespmem:$0x11120] =	vst v63  }
0xc1: {  	_ =	swait.ge [sflag:s6], $0x9600  }
0xc2: {  	[sflag:s6] =	ssyncset.done $0x0  }
0xc3: {  	[sflag:s6] =	ssyncadd.s32 $0xFFFF6A00  }
0xc4: {  	[tilespmem:s3], [sflag:$0x1] =	stream.linear.gather [hbm4b:s14+s3], $0x320, $0x38;
	[tilespmem:$0x11120] =	vst v63  }
0xc5: {  	_ =	swait.ge [sflag:s6], $0x320  }
0xc6: {  	[sflag:s6] =	ssyncset.done $0x0  }
0xc7: {  	[sflag:s6] =	ssyncadd.s32 $0xFFFFFCE0  }
0xc8: {  	[tilespmem:s12], [sflag:$0x1] =	stream.linear.gather [hbm4b:s13+s3], $0x9600, $0x38;
	[tilespmem:$0x11120] =	vst v63  }
0xc9: {  	_ =	swait.ge [sflag:s6], $0x9600  }
0xca: {  	[sflag:s6] =	ssyncset.done $0x0  }
0xcb: {  	[sflag:s6] =	ssyncadd.s32 $0xFFFF6A00  }
0xcc: {  	[spmem:s2] =	stream.indirect.scatter.add.f32 [tilespmem:s12], [sflag:$0x1], $0x30, s3, s12, $0xb8;
	[tilespmem:$0x11120] =	vst v63  }
0xcd: {  	_ =	swait.ge [sflag:s6], $0x9600  }
0xce: {  	[sflag:s6] =	ssyncset.done $0x0  }
0xcf: {  	[sflag:s6] =	ssyncadd.s32 $0xFFFF6A00  }
0xd0: {  	[tilespmem:s3], [sflag:$0x1] =	stream.linear.gather [hbm4b:s11+s3], $0x320, $0x38;
	[tilespmem:$0x11120] =	vst v63  }
0xd1: {  	_ =	swait.ge [sflag:s6], $0x320  }
0xd2: {  	[sflag:s6] =	ssyncset.done $0x0  }
0xd3: {  	[sflag:s6] =	ssyncadd.s32 $0xFFFFFCE0  }
0xd4: {  	[tilespmem:s12], [sflag:$0x1] =	stream.linear.gather [hbm4b:s10+s3], $0x9600, $0x38;
	[tilespmem:$0x11120] =	vst v63  }
0xd5: {  	_ =	swait.ge [sflag:s6], $0x9600  }
0xd6: {  	[sflag:s6] =	ssyncset.done $0x0  }
0xd7: {  	[sflag:s6] =	ssyncadd.s32 $0xFFFF6A00  }
0xd8: {  	[spmem:s2] =	stream.indirect.scatter.add.f32 [tilespmem:s12], [sflag:$0x1], $0x30, s3, s12, $0xb8;
	[tilespmem:$0x11120] =	vst v63  }
0xd9: {  	_ =	swait.ge [sflag:s6], $0x9600  }
0xda: {  	[sflag:s6] =	ssyncset.done $0x0  }
0xdb: {  	[sflag:s6] =	ssyncadd.s32 $0xFFFF6A00  }
0xdc: {  	[tilespmem:s26], [sflag:$0x1] =	stream.linear.gather @!p0 [hbm4b:s9+s26], $0x320, $0x38;
	[tilespmem:$0x11120] =	vst v63  }
0xdd: {  	_ =	swait.ge @!p0 [sflag:s28], $0x320  }
0xde: {  	[sflag:s28] =	ssyncset.done @!p0 $0x0  }
0xdf: {  	[sflag:s28] =	ssyncadd.s32 @!p0 $0xFFFFFCE0  }
0xe0: {  	[tilespmem:s29], [sflag:$0x1] =	stream.linear.gather @!p0 [hbm4b:s8+s26], $0x9600, $0x38;
	[tilespmem:$0x11120] =	vst v63  }
0xe1: {  	_ =	swait.ge @!p0 [sflag:s28], $0x9600  }
0xe2: {  	[sflag:s28] =	ssyncset.done @!p0 $0x0  }
0xe3: {  	[sflag:s28] =	ssyncadd.s32 @!p0 $0xFFFF6A00  }
0xe4: {  	[spmem:s2] =	stream.indirect.scatter.add.f32 @!p0 [tilespmem:s29], [sflag:$0x1], $0x30, s26, s29, $0xb8;
	[tilespmem:$0x11120] =	vst v63  }
0xe5: {  	_ =	swait.ge @!p0 [sflag:s28], $0x9600  }
0xe6: {  	[sflag:s28] =	ssyncset.done @!p0 $0x0  }
.Ltmp2:
0xe7: {  	[sflag:s28] =	ssyncadd.s32 @!p0 $0xFFFF6A00;
	(pc) =	sbr.rel @p2 .LBB2_2-.Ltmp2, $4  }
0xe8: {  	[bflag:$0x0] =	sbarrier.arrive $0xFFFF  }
0xe9: {  	[hbm:s5], [sflag:s4] =	dma.local [spmem:s7], $0xF00  }
0xea: {  	_ =	swait.ge [sflag:s6], $0xF00  }
0xeb: {  	[sflag:s6] =	ssyncset.done $0x0  }
.LBB2_3:
0xec: {  	[sflag:s6] =	ssyncadd.s32 @p1 $0xFFFFF100  }
0xed: {  	[spmem:s7], [sflag:s4] =	dma.local [hbm:s21], $0xF00  }
0xee: {  	_ =	swait.ge [sflag:s6], $0xF00  }
0xef: {  	[sflag:s6] =	ssyncset.done $0x0  }
0xf0: {  	[sflag:s6] =	ssyncadd.s32 $0xFFFFF100  }
0xf1: {  	[bflag:$0x0] =	sbarrier.arrive $0xFFFF  }
0xf2: {  	[tilespmem:s3], [sflag:$0x1] =	stream.linear.gather [hbm4b:s24+s3], $0x320, $0x38;
	[tilespmem:$0x11120] =	vst v63  }
0xf3: {  	_ =	swait.ge [sflag:s6], $0x320  }
0xf4: {  	[sflag:s6] =	ssyncset.done $0x0  }
0xf5: {  	[sflag:s6] =	ssyncadd.s32 $0xFFFFFCE0  }
0xf6: {  	[tilespmem:s12], [sflag:$0x1] =	stream.linear.gather [hbm4b:s25+s3], $0x9600, $0x38;
	[tilespmem:$0x11120] =	vst v63  }
0xf7: {  	_ =	swait.ge [sflag:s6], $0x9600  }
0xf8: {  	[sflag:s6] =	ssyncset.done $0x0  }
0xf9: {  	[sflag:s6] =	ssyncadd.s32 $0xFFFF6A00  }
0xfa: {  	[spmem:s2] =	stream.indirect.scatter.add.f32 [tilespmem:s12], [sflag:$0x1], $0x30, s3, s12, $0xb8;
	[tilespmem:$0x11120] =	vst v63  }
0xfb: {  	_ =	swait.ge [sflag:s6], $0x9600  }
0xfc: {  	[sflag:s6] =	ssyncset.done $0x0  }
0xfd: {  	[sflag:s6] =	ssyncadd.s32 $0xFFFF6A00  }
0xfe: {  	[tilespmem:s3], [sflag:$0x1] =	stream.linear.gather [hbm4b:s23+s3], $0x320, $0x38;
	[tilespmem:$0x11120] =	vst v63  }
0xff: {  	_ =	swait.ge [sflag:s6], $0x320  }
0x100: {  	[sflag:s6] =	ssyncset.done $0x0  }
0x101: {  	[sflag:s6] =	ssyncadd.s32 $0xFFFFFCE0  }
0x102: {  	[tilespmem:s12], [sflag:$0x1] =	stream.linear.gather [hbm4b:s22+s3], $0x9600, $0x38;
	[tilespmem:$0x11120] =	vst v63  }
0x103: {  	_ =	swait.ge [sflag:s6], $0x9600  }
0x104: {  	[sflag:s6] =	ssyncset.done $0x0  }
0x105: {  	[sflag:s6] =	ssyncadd.s32 $0xFFFF6A00  }
0x106: {  	[spmem:s2] =	stream.indirect.scatter.add.f32 [tilespmem:s12], [sflag:$0x1], $0x30, s3, s12, $0xb8;
	[tilespmem:$0x11120] =	vst v63  }
0x107: {  	_ =	swait.ge [sflag:s6], $0x9600  }
0x108: {  	[sflag:s6] =	ssyncset.done $0x0  }
0x109: {  	[sflag:s6] =	ssyncadd.s32 $0xFFFF6A00  }
0x10a: {  	[tilespmem:s3], [sflag:$0x1] =	stream.linear.gather [hbm4b:s20+s3], $0x320, $0x38;
	[tilespmem:$0x11120] =	vst v63  }
0x10b: {  	_ =	swait.ge [sflag:s6], $0x320  }
0x10c: {  	[sflag:s6] =	ssyncset.done $0x0  }
0x10d: {  	[sflag:s6] =	ssyncadd.s32 $0xFFFFFCE0  }
0x10e: {  	[tilespmem:s12], [sflag:$0x1] =	stream.linear.gather [hbm4b:s19+s3], $0x9600, $0x38;
	[tilespmem:$0x11120] =	vst v63  }
0x10f: {  	_ =	swait.ge [sflag:s6], $0x9600  }
0x110: {  	[sflag:s6] =	ssyncset.done $0x0  }
0x111: {  	[sflag:s6] =	ssyncadd.s32 $0xFFFF6A00  }
0x112: {  	[spmem:s2] =	stream.indirect.scatter.add.f32 [tilespmem:s12], [sflag:$0x1], $0x30, s3, s12, $0xb8;
	[tilespmem:$0x11120] =	vst v63  }
0x113: {  	_ =	swait.ge [sflag:s6], $0x9600  }
0x114: {  	[sflag:s6] =	ssyncset.done $0x0  }
0x115: {  	s20 =	simm.s32 @!p0 $0x1;
	s19 =	simm.s32 @!p0 $0x0;
	[sflag:s6] =	ssyncadd.s32 $0xFFFF6A00  }
0x116: {  	[tilespmem:s19], [sflag:$0x1] =	stream.linear.gather @!p0 [hbm4b:s18+s19], $0x320, $0x38;
	[tilespmem:$0x11120] =	vst v63  }
0x117: {  	_ =	swait.ge @!p0 [sflag:s20], $0x320  }
0x118: {  	[sflag:s20] =	ssyncset.done @!p0 $0x0  }
0x119: {  	s18 =	simm.s32 @!p0 $0x320;
	[sflag:s20] =	ssyncadd.s32 @!p0 $0xFFFFFCE0  }
0x11a: {  	[tilespmem:s18], [sflag:$0x1] =	stream.linear.gather @!p0 [hbm4b:s17+s19], $0x9600, $0x38;
	[tilespmem:$0x11120] =	vst v63  }
0x11b: {  	_ =	swait.ge @!p0 [sflag:s20], $0x9600  }
0x11c: {  	[sflag:s20] =	ssyncset.done @!p0 $0x0  }
0x11d: {  	[sflag:s20] =	ssyncadd.s32 @!p0 $0xFFFF6A00  }
0x11e: {  	[spmem:s2] =	stream.indirect.scatter.add.f32 @!p0 [tilespmem:s18], [sflag:$0x1], $0x30, s19, s18, $0xb8;
	[tilespmem:$0x11120] =	vst v63  }
0x11f: {  	_ =	swait.ge @!p0 [sflag:s20], $0x9600  }
0x120: {  	[sflag:s20] =	ssyncset.done @!p0 $0x0  }
0x121: {  	[sflag:s20] =	ssyncadd.s32 @!p0 $0xFFFF6A00  }
0x122: {  	[tilespmem:s3], [sflag:$0x1] =	stream.linear.gather [hbm4b:s16+s3], $0x320, $0x38;
	[tilespmem:$0x11120] =	vst v63  }
0x123: {  	_ =	swait.ge [sflag:s6], $0x320  }
0x124: {  	[sflag:s6] =	ssyncset.done $0x0  }
0x125: {  	[sflag:s6] =	ssyncadd.s32 $0xFFFFFCE0  }
0x126: {  	[tilespmem:s12], [sflag:$0x1] =	stream.linear.gather [hbm4b:s15+s3], $0x9600, $0x38;
	[tilespmem:$0x11120] =	vst v63  }
0x127: {  	_ =	swait.ge [sflag:s6], $0x9600  }
0x128: {  	[sflag:s6] =	ssyncset.done $0x0  }
0x129: {  	[sflag:s6] =	ssyncadd.s32 $0xFFFF6A00  }
0x12a: {  	[spmem:s2] =	stream.indirect.scatter.add.f32 [tilespmem:s12], [sflag:$0x1], $0x30, s3, s12, $0xb8;
	[tilespmem:$0x11120] =	vst v63  }
0x12b: {  	_ =	swait.ge [sflag:s6], $0x9600  }
0x12c: {  	[sflag:s6] =	ssyncset.done $0x0  }
0x12d: {  	[sflag:s6] =	ssyncadd.s32 $0xFFFF6A00  }
0x12e: {  	[tilespmem:s3], [sflag:$0x1] =	stream.linear.gather [hbm4b:s14+s3], $0x320, $0x38;
	[tilespmem:$0x11120] =	vst v63  }
0x12f: {  	_ =	swait.ge [sflag:s6], $0x320  }
0x130: {  	[sflag:s6] =	ssyncset.done $0x0  }
0x131: {  	[sflag:s6] =	ssyncadd.s32 $0xFFFFFCE0  }
0x132: {  	[tilespmem:s12], [sflag:$0x1] =	stream.linear.gather [hbm4b:s13+s3], $0x9600, $0x38;
	[tilespmem:$0x11120] =	vst v63  }
0x133: {  	_ =	swait.ge [sflag:s6], $0x9600  }
0x134: {  	[sflag:s6] =	ssyncset.done $0x0  }
0x135: {  	[sflag:s6] =	ssyncadd.s32 $0xFFFF6A00  }
0x136: {  	[spmem:s2] =	stream.indirect.scatter.add.f32 [tilespmem:s12], [sflag:$0x1], $0x30, s3, s12, $0xb8;
	[tilespmem:$0x11120] =	vst v63  }
0x137: {  	_ =	swait.ge [sflag:s6], $0x9600  }
0x138: {  	[sflag:s6] =	ssyncset.done $0x0  }
0x139: {  	[sflag:s6] =	ssyncadd.s32 $0xFFFF6A00  }
0x13a: {  	[tilespmem:s3], [sflag:$0x1] =	stream.linear.gather [hbm4b:s11+s3], $0x320, $0x38;
	[tilespmem:$0x11120] =	vst v63  }
0x13b: {  	_ =	swait.ge [sflag:s6], $0x320  }
0x13c: {  	[sflag:s6] =	ssyncset.done $0x0  }
0x13d: {  	[sflag:s6] =	ssyncadd.s32 $0xFFFFFCE0  }
0x13e: {  	[tilespmem:s12], [sflag:$0x1] =	stream.linear.gather [hbm4b:s10+s3], $0x9600, $0x38;
	[tilespmem:$0x11120] =	vst v63  }
0x13f: {  	_ =	swait.ge [sflag:s6], $0x9600  }
0x140: {  	[sflag:s6] =	ssyncset.done $0x0  }
0x141: {  	[sflag:s6] =	ssyncadd.s32 $0xFFFF6A00  }
0x142: {  	[spmem:s2] =	stream.indirect.scatter.add.f32 [tilespmem:s12], [sflag:$0x1], $0x30, s3, s12, $0xb8;
	[tilespmem:$0x11120] =	vst v63  }
0x143: {  	_ =	swait.ge [sflag:s6], $0x9600  }
0x144: {  	[sflag:s6] =	ssyncset.done $0x0  }
0x145: {  	[sflag:s6] =	ssyncadd.s32 $0xFFFF6A00  }
0x146: {  	[tilespmem:s19], [sflag:$0x1] =	stream.linear.gather @!p0 [hbm4b:s9+s19], $0x320, $0x38;
	[tilespmem:$0x11120] =	vst v63  }
0x147: {  	_ =	swait.ge @!p0 [sflag:s20], $0x320  }
0x148: {  	[sflag:s20] =	ssyncset.done @!p0 $0x0  }
0x149: {  	[sflag:s20] =	ssyncadd.s32 @!p0 $0xFFFFFCE0  }
0x14a: {  	[tilespmem:s18], [sflag:$0x1] =	stream.linear.gather @!p0 [hbm4b:s8+s19], $0x9600, $0x38;
	[tilespmem:$0x11120] =	vst v63  }
0x14b: {  	_ =	swait.ge @!p0 [sflag:s20], $0x9600  }
0x14c: {  	[sflag:s20] =	ssyncset.done @!p0 $0x0  }
0x14d: {  	[sflag:s20] =	ssyncadd.s32 @!p0 $0xFFFF6A00  }
0x14e: {  	[spmem:s2] =	stream.indirect.scatter.add.f32 @!p0 [tilespmem:s18], [sflag:$0x1], $0x30, s19, s18, $0xb8;
	[tilespmem:$0x11120] =	vst v63  }
0x14f: {  	_ =	swait.ge @!p0 [sflag:s20], $0x9600  }
0x150: {  	[sflag:s20] =	ssyncset.done @!p0 $0x0  }
0x151: {  	[sflag:s20] =	ssyncadd.s32 @!p0 $0xFFFF6A00  }
0x152: {  	[bflag:$0x0] =	sbarrier.arrive $0xFFFF  }
0x153: {  	[hbm:s5], [sflag:s4] =	dma.local [spmem:s7], $0xF00  }
0x154: {  	_ =	swait.ge [sflag:s6], $0xF00  }
0x155: {  	[sflag:s6] =	ssyncset.done $0x0  }
0x156: {  	[sflag:s6] =	ssyncadd.s32 $0xFFFFF100  }
0x157: {  	_ =	sfence.sel $0x180000  }
0x158: {  	[bflag:$0x0] =	sbarrier.arrive $0xFFFF  }
0x159: {  	p0 =	sne.s32 s1, $0x0;
	_ =	strace $0x9000004D  }
0x15a: {  	s0 =	sadd.s32 @!p0 $0x100000, s0;
	[bflag:$0x2] =	sbarrier.arrive $0xFFFF  }
0x15b: {  	[sflag:s0] =	ssyncadd.tile.s32 @!p0 $0x1;
	_ =	shalt  }
.Lfunc_end2:
_tile_overlayer_lowered:
.L_overlay_start_2:
0x15c: {  	(tag) =	ssettag $0x2  }
0x15d: {  	s0 =	rddreg [dreg:$0x0];
	s2 =	stileid.u32  }
0x15e: {  	s1 =	rddreg [dreg:$0x1];
	p0 =	sne.s32 s2, $0x0  }
0x15f: {  	s3 =	rddreg [dreg:$0x2];
	[bflag:$0x3] =	sbarrier.arrive $0xFFFF;
	s2 =	simm.s32 @!p0 $0x1C01  }
0x160: {  	[timem:s3], [sflag:s2] =	dma.local @!p0 [hbm:s0], s1  }
0x161: {  	s0 =	simm.s32 @!p0 $0x1  }
0x162: {  	_ =	swait.ge @!p0 [sflag:s0], s1  }
0x163: {  	s1 =	ssub.s32 @!p0 $0x0, s1;
	[sflag:s0] =	ssyncset.done @!p0 $0x0  }
0x164: {  	[sflag:s0] =	ssyncadd.s32 @!p0 s1  }
0x165: {  	[bflag:$0x3] =	sbarrier.arrive $0xFFFF  }
0x166: {  	_ =	shalt  }

// kernel: kernel.8.cloned.1.call-start
scs
__scs_entry_jumppad:
0x0: {  	(pc) =	sbr.rel $0x88, $3  }
0x1: {  	(tag) =	ssettag $0x0;
	lr =	simm.s32 $0x1  }
0x2: {  	[smem:$0x3F98] =	sst lr;
	_ =	strace $0xD0000000  }
0x3: {  	_ = 	snop  }
0x4: {  	_ = 	snop  }
0x5: {  	_ = 	snop  }
0x6: {  	_ = 	snop  }
0x7: {  	_ = 	snop  }
__scs_overlays_trampoline_lowered:
0x8: {  	[smem:$0x3FA7] =	sst s0  }
0x9: {  	[smem:$0x3FA8] =	sst s1  }
0xa: {  	[smem:$0x3FA9] =	sst s2  }
0xb: {  	[smem:$0x3FAA] =	sst s3  }
0xc: {  	[smem:$0x3FAB] =	sst s4  }
0xd: {  	[smem:$0x3FAC] =	sst s5  }
0xe: {  	[smem:$0x3FAD] =	sst s6  }
0xf: {  	[smem:$0x3FAE] =	sst s7  }
0x10: {  	[smem:$0x3FAF] =	sst s8  }
0x11: {  	[smem:$0x3FB0] =	sst s9;
	s0 =	simm.s32 @!p0 $0x0  }
0x12: {  	s1 =	sld [smem:$0x3F96];
	s0 =	simm.s32 @p0 $0x1  }
0x13: {  	[smem:$0x3FB1] =	sst s0;
	s0 =	simm.s32 @!p1 $0x0  }
0x14: {  	s2 =	sld [smem:$0x3F95];
	s0 =	simm.s32 @p1 $0x1  }
0x15: {  	[smem:$0x3FB2] =	sst s0;
	s0 =	simm.s32 @!p2 $0x0  }
0x16: {  	s3 =	sld [smem:$0x3FDB];
	s0 =	simm.s32 @p2 $0x1  }
0x17: {  	s4 =	simm.s32 $0x1BF5;
	[smem:$0x3FB4] =	sst s0  }
0x18: {  	s0 =	sld [smem:$0x3F97];
	_ =	swait.ge [sflag:s4], $0x0  }
0x19: {  	s7 =	sld [smem:$0x3F98]  }
0x1a: {  	s8 =	sadd.s32 $0xFFFFE003, lr  }
0x1b: {  	s9 =	sadd.s32 $0xFFFFFEF7, lr;
	s5 =	simm.s32 $0xFFFFFFFF;
	p2 =	slt.u32 s8, $0xFFFFF086  }
0x1c: {  	p1 =	slt.u32 s9, $0xF7A;
	s5 =	simm.s32 @!p2 $0x0  }
0x1d: {  	s5 =	simm.s32 @p1 $0x1;
	p0 =	seq.s32 s7, s2  }
0x1e: {  	s7 =	smul.u32 @!p0 $0xF7A, s2;
	p2 =	seq.s32 @!p0 s5, $0x0  }
0x1f: {  	s9 =	smul.u32 $0xF7A, s1;
	s8 =	simm.s32 @!p0 $0x1BF5;
	p2 =	por !p2, p0  }
0x20: {  	[sflag:s8] =	ssyncset.s32 @!p0 $0xFFFFF086;
	s6 =	sadd.s32 @!p0 s3, s7;
	s7 =	simm.s32 @!p0 $0x108  }
0x21: {  	s3 =	sadd.s32 s3, s9;
	s6 =	sadd.s32 @!p0 $0x88, s6;
	s7 =	simm.s32 @p2 $0x1082  }
0x22: {  	[simem:s7], [sflag:s8] =	dma.local @!p0 [hbm:s6], $0xF7A  }
0x23: {  	s9 =	sor.u32 $0xD0000000, s2;
	s6 =	simm.s32 $0x108;
	_ =	swait.ge @!p0 [sflag:s8], $0x0  }
0x24: {  	s3 =	sadd.s32 $0x88, s3;
	s6 =	simm.s32 @!p1 $0x1082;
	[sflag:s4] =	ssyncset.s32 $0xFFFFF086  }
0x25: {  	[simem:s6], [sflag:s4] =	dma.local [hbm:s3], $0xF7A  }
0x26: {  	[smem:$0x3F98] =	sst s1;
	(tag) =	ssettag s2;
	_ =	strace s9  }
0x27: {  	s1 =	sld [smem:$0x3FA8]  }
0x28: {  	s2 =	sld [smem:$0x3FA9]  }
0x29: {  	s4 =	sld [smem:$0x3FAB]  }
0x2a: {  	p0 =	seq.s32 s5, $0x0;
	s5 =	sld [smem:$0x3FAC]  }
0x2b: {  	s6 =	sld [smem:$0x3FAD]  }
0x2c: {  	s7 =	sld [smem:$0x3FAE]  }
0x2d: {  	s3 =	simm.s32 $0x108;
	s8 =	sld [smem:$0x3FAF]  }
0x2e: {  	s3 =	simm.s32 @!p0 $0x1082;
	s9 =	sld [smem:$0x3FB0]  }
0x2f: {  	lr =	sadd.s32 s0, s3;
	s0 =	sld [smem:$0x3FA7]  }
0x30: {  	s3 =	sld [smem:$0x3FAA]  }
0x31: {  	[smem:$0x3FB3] =	sst s10  }
0x32: {  	s10 =	sld [smem:$0x3FB1];
	_ =	sdelay $0x3  }
0x33: {  	p0 =	seq.s32 s10, $0x1;
	s10 =	sld [smem:$0x3FB3];
	_ =	sdelay $0x3  }
0x34: {  	[smem:$0x3FB3] =	sst s10  }
0x35: {  	s10 =	sld [smem:$0x3FB2];
	_ =	sdelay $0x3  }
0x36: {  	p1 =	seq.s32 s10, $0x1;
	s10 =	sld [smem:$0x3FB3];
	_ =	sdelay $0x3  }
0x37: {  	[smem:$0x3FB3] =	sst s10  }
0x38: {  	s10 =	sld [smem:$0x3FB4]  }
0x39: {  	_ = 	snop;
	(pc) =	sbr.ind lr, $3  }
0x3a: {  	_ = 	snop  }
0x3b: {  	_ = 	snop  }
0x3c: {  	p2 =	seq.s32 s10, $0x1;
	s10 =	sld [smem:$0x3FB3]  }
0x3d: {  	_ =	shalt  }
0x3e: {  	_ =	shalt  }
0x3f: {  	_ =	shalt  }
0x40: {  	_ =	shalt  }
0x41: {  	_ =	shalt  }
0x42: {  	_ =	shalt  }
0x43: {  	_ =	shalt  }
0x44: {  	_ =	shalt  }
0x45: {  	_ =	shalt  }
0x46: {  	_ =	shalt  }
0x47: {  	_ =	shalt  }
0x48: {  	_ =	shalt  }
0x49: {  	_ =	shalt  }
0x4a: {  	_ =	shalt  }
0x4b: {  	_ =	shalt  }
0x4c: {  	_ =	shalt  }
0x4d: {  	_ =	shalt  }
0x4e: {  	_ =	shalt  }
0x4f: {  	_ =	shalt  }
0x50: {  	_ =	shalt  }
0x51: {  	_ =	shalt  }
0x52: {  	_ =	shalt  }
0x53: {  	_ =	shalt  }
0x54: {  	_ =	shalt  }
0x55: {  	_ =	shalt  }
0x56: {  	_ =	shalt  }
0x57: {  	_ =	shalt  }
0x58: {  	_ =	shalt  }
0x59: {  	_ =	shalt  }
0x5a: {  	_ =	shalt  }
0x5b: {  	_ =	shalt  }
0x5c: {  	_ =	shalt  }
0x5d: {  	_ =	shalt  }
0x5e: {  	_ =	shalt  }
0x5f: {  	_ =	shalt  }
0x60: {  	_ =	shalt  }
0x61: {  	_ =	shalt  }
0x62: {  	_ =	shalt  }
0x63: {  	_ =	shalt  }
0x64: {  	_ =	shalt  }
0x65: {  	_ =	shalt  }
0x66: {  	_ =	shalt  }
0x67: {  	_ =	shalt  }
0x68: {  	_ =	shalt  }
0x69: {  	_ =	shalt  }
0x6a: {  	_ =	shalt  }
0x6b: {  	_ =	shalt  }
0x6c: {  	_ =	shalt  }
0x6d: {  	_ =	shalt  }
0x6e: {  	_ =	shalt  }
0x6f: {  	_ =	shalt  }
0x70: {  	_ =	shalt  }
0x71: {  	_ =	shalt  }
0x72: {  	_ =	shalt  }
0x73: {  	_ =	shalt  }
0x74: {  	_ =	shalt  }
0x75: {  	_ =	shalt  }
0x76: {  	_ =	shalt  }
0x77: {  	_ =	shalt  }
0x78: {  	_ =	shalt  }
0x79: {  	_ =	shalt  }
0x7a: {  	_ =	shalt  }
0x7b: {  	_ =	shalt  }
0x7c: {  	_ =	shalt  }
0x7d: {  	_ =	shalt  }
0x7e: {  	_ =	shalt  }
0x7f: {  	_ =	shalt  }
0x80: {  	_ =	shalt  }
0x81: {  	_ =	shalt  }
0x82: {  	_ =	shalt  }
0x83: {  	_ =	shalt  }
0x84: {  	_ =	shalt  }
0x85: {  	_ =	shalt  }
0x86: {  	_ =	shalt  }
0x87: {  	_ =	shalt  }
.Lfunc_end0:
.L_simem_size_0:
called_computation_lowered:
.L_overlay_start_0:
0x88: {  	s2 =	sld [smem:$0x3FD9]  }
0x89: {  	s3 =	sld [smem:$0x3FFE];
	_ =	sdelay $0x1  }
0x8a: {  	s1 =	srdreg.scid  }
0x8b: {  	s0 =	sand.u32 $0x1, s1  }
0x8c: {  	s17 =	sshll.u32 s0, $0xA;
	s2 =	sadd.s32 s3, s2  }
0x8d: {  	s2 =	sadd.s32 s2, s17  }
0x8e: {  	[smem:$0x3FBF] =	sst s2  }
0x8f: {  	_ = 	snop  }
0x90: {  	(tm) =	ssettm $0x1  }
0x91: {  	s18 =	sld [smem:$0x3FFB];
	_ =	sdelay $0x3  }
0x92: {  	_ =	strace s18  }
0x93: {  	s2 =	sld [smem:$0x3FFC];
	_ =	sdelay $0x3  }
0x94: {  	_ =	strace s2  }
0x95: {  	s2 =	sld [smem:$0x3FFD];
	_ =	sdelay $0x3  }
0x96: {  	_ =	strace s2  }
0x97: {  	_ =	strace $0x8FFFFFFF  }
0x98: {  	s19 =	sld [smem:$0x3FDB];
	_ =	sdelay $0x1  }
0x99: {  	s20 =	simm.s32 $_scs_section_size  }
0x9a: {  	s4 =	simm.s32 $_size__tile_overlayer_lowered;
	s5 =	simm.s32 $_tile_overlayer_lowered  }
0x9b: {  	s6 =	simm.s32 $0x1BFF;
	s21 =	sshll.u32 s5, $0x1;
	s3 =	sadd.s32 s20, s19  }
0x9c: {  	s22 =	simm.s32 $0x0;
	s4 =	sshll.u32 s4, $0x1;
	s5 =	sadd.s32 s21, s3  }
0x9d: {  	[timem:s22], [sflag:s6] =	dma.local [hbm:s5], s4  }
0x9e: {  	_ =	swait.ge [sflag:s6], s4  }
0x9f: {  	s4 =	ssub.s32 $0x0, s4;
	[sflag:s6] =	ssyncset.done $0x0  }
0xa0: {  	[sflag:s6] =	ssyncadd.s32 s4;
	_ =	sdelay $0x1  }
0xa1: {  	s23 =	simm.s32 $0x1B8B  }
0xa2: {  	_ =	swait.ge [sflag:s23], $0x1  }
0xa3: {  	[sflag:s23] =	ssyncset.done $0x0  }
0xa4: {  	[sflag:s23] =	ssyncadd.s32 $0xFFFFFFFF  }
0xa5: {  	s4 =	sld [smem:$0x0]  }
0xa6: {  	s5 =	sand.u32 $0xFFFFFFFE, s1  }
0xa7: {  	p0 =	sne.s32 s1, s5  }
0xa8: {  	s5 =	sshll.u32 @p0 s5, $0xE  }
0xa9: {  	s5 =	sadd.s32 @p0 $0x11B8D, s5;
	s6 =	sshll.u32 @p0 s4, $0x11  }
0xaa: {  	s5 =	sor.u32 @p0 s6, s5  }
0xab: {  	[sflag:s5] =	ssyncadd.remote.s32 @p0 $0x1;
	_ =	sdelay $0x1  }
0xac: {  	s5 =	simm.s32 @p0 $0x1B8D  }
0xad: {  	_ =	swait.eq @p0 [sflag:s5], $0x1  }
0xae: {  	[sflag:s5] =	ssyncadd.s32 @p0 $0xFFFFFFFF  }
0xaf: {  	s6 =	sshll.u32 @!p0 s1, $0xE  }
0xb0: {  	s6 =	sor.u32 @!p0 $0x4000, s6;
	s5 =	simm.s32 @!p0 $0x1B8D  }
0xb1: {  	s4 =	sshll.u32 @!p0 s4, $0x11;
	s6 =	sadd.s32 @!p0 $0x11B8D, s6;
	_ =	swait.eq @!p0 [sflag:s5], $0x1  }
0xb2: {  	s4 =	sor.u32 @!p0 s4, s6;
	[sflag:s5] =	ssyncadd.s32 @!p0 $0xFFFFFFFF  }
0xb3: {  	s25 =	simm.s32 $0x1B8E;
	s24 =	sld [smem:$0x3FFE];
	[sflag:s4] =	ssyncadd.remote.s32 @!p0 $0x1  }
0xb4: {  	s26 =	simm.s32 $execute0_lowered;
	[smem:$0x3FD2] =	sst s25  }
0xb5: {  	s5 =	sshll.u32 s26, $0x1;
	_ =	strace $0x80000049;
	[dreg:$0x1] =	wrdreg $0xFFFFFFFF  }
0xb6: {  	s28 =	simm.s32 $_size_execute0_lowered;
	s3 =	sadd.s32 s3, s5;
	[dreg:$0x0] =	wrdreg $0x0  }
0xb7: {  	s5 =	sshll.u32 s28, $0x1;
	[dreg:$0x2] =	wrdreg s3  }
0xb8: {  	[dreg:$0x3] =	wrdreg s5  }
0xb9: {  	[dreg:$0x4] =	wrdreg $0xC0  }
0xba: {  	_ =	task [dreg:s22], $0x5FFFF  }
0xbb: {  	[dreg:$0x1] =	wrdreg $0xFFFFFFFF  }
0xbc: {  	[dreg:$0x0] =	wrdreg $0x60  }
0xbd: {  	[dreg:$0x2] =	wrdreg s24  }
0xbe: {  	[dreg:$0x3] =	wrdreg $0x9  }
0xbf: {  	_ =	task.clear_ibuf [dreg:s22], $0x4FFFF;
	_ =	strace $0x90000049  }
0xc0: {  	s29 =	simm.s32 $0x9;
	_ =	strace $0x8000004B  }
0xc1: {  	_ =	swait.ge [sflag:s29], $0x1  }
0xc2: {  	[sflag:s29] =	ssyncadd.s32 $0xFFFFFFFF  }
0xc3: {  	_ =	strace $0x9000004B  }
0xc4: {  	_ =	sfence  }
0xc5: {  	s30 =	sld [smem:$0x0];
	_ =	sdelay $0x2  }
0xc6: {  	s31 =	sshll.u32 s1, $0xD;
	s1 =	sshrl.u32 s1, $0x2  }
0xc7: {  	s4 =	sand.u32 $0x4000, s31;
	s1 =	sadd.s32 s1, s30  }
0xc8: {  	s0 =	sor.u32 s4, s0;
	s1 =	sshll.u32 s1, $0x11  }
0xc9: {  	s0 =	sor.u32 s1, s0  }
0xca: {  	s0 =	sadd.s32 $0x8F2B, s0  }
0xcb: {  	[sflag:s0] =	ssyncadd.remote.s32 $0x1  }
0xcc: {  	_ =	sfence.sel $0xFFFF  }
0xcd: {  	[dreg:$0x0] =	wrdreg $0xFFFFFFFF;
	(pc) =	sbr.abs _section_cstart, $3  }
0xce: {  	[dreg:$0x1] =	wrdreg $0xFFFFFFFF  }
0xcf: {  	_ =	task.clear_ibuf [dreg:s22], $0x2FFFF;
	_ =	strace $0x9FFFFFFF  }
0xd0: {  	(tm) =	ssettm $0x7FFFFFFF  }
0xd1: {  	_ =	shalt  }
tec
execute0_lowered:
.L_overlay_start_1:
0x0: {  	(tag) =	ssettag $0x1  }
0x1: {  	s1 =	srdreg.scid;
	s0 =	stileid.u32  }
0x2: {  	s17 =	sand.u32 $0x1, s1;
	s29 =	sshll.u32 s0, $0x1  }
0x3: {  	s13 =	sor.u32 s17, s29  }
0x4: {  	s9 =	rddreg [dreg:$0x0];
	s2 =	simm.s32 $0x0;
	s3 =	smul.u32 $0x64, s13  }
0x5: {  	s4 =	simm.s32 $0x2;
	[smem:$0x7FF] =	sst s2;
	s14 =	sadd.s32 $0x2C00, s9  }
0x6: {  	s1 =	rddreg [dreg:$0x1];
	_ =	strace $0x8000004A;
	s3 =	sadd.s32 s14, s3  }
0x7: {  	[tilespmem:s2], [sflag:$0x2] =	stream.linear.gather [hbm4b:s3+s2], $0x320, $0x38;
	[tilespmem:$0x19380] =	vst v63  }
0x8: {  	_ =	swait.ge [sflag:s4], $0x320  }
0x9: {  	s6 =	simm.s32 $0x320;
	s7 =	simm.s32 $0x380;
	[sflag:s4] =	ssyncset.done $0x0  }
0xa: {  	s8 =	simm.s32 $0x1;
	s5 =	sadd.s32 $0x7C00, s9;
	[sflag:s4] =	ssyncadd.s32 $0xFFFFFCE0  }
0xb: {  	[tilespmem:s7], [sflag:$0x1] =	stream.indirect.gather [hbm4b:s5+s6], $0x80, s2, s6, $0xb8;
	[tilespmem:$0x19380] =	vst v63  }
0xc: {  	s10 =	smul.u32 $0x3200, s13;
	_ =	swait.ge [sflag:s8], $0x19000  }
0xd: {  	s20 =	sadd.s32 $0x167600, s9;
	[sflag:s8] =	ssyncset.done $0x0  }
0xe: {  	s12 =	smul.u32 $0x320, s13;
	s9 =	sadd.s32 s20, s10;
	[sflag:s8] =	ssyncadd.s32 $0xFFFE7000  }
0xf: {  	[hbm4b:s9+s2] =	stream.linear.scatter [tilespmem:s7], [sflag:$0x2], $0x19000, $0x38;
	[tilespmem:$0x19380] =	vst v63  }
0x10: {  	s11 =	sadd.s32 $0x6400, s12;
	_ =	swait.ge [sflag:s4], $0x19000  }
0x11: {  	s30 =	sshrl.u32 s11, $0x3;
	[sflag:s4] =	ssyncset.done $0x0  }
0x12: {  	s10 =	sadd.s32 s14, s30;
	[sflag:s4] =	ssyncadd.s32 $0xFFFE7000  }
0x13: {  	[tilespmem:s2], [sflag:$0x2] =	stream.linear.gather [hbm4b:s10+s2], $0x320, $0x38;
	[tilespmem:$0x19380] =	vst v63  }
0x14: {  	_ =	swait.ge [sflag:s4], $0x320  }
0x15: {  	[sflag:s4] =	ssyncset.done $0x0  }
0x16: {  	[sflag:s4] =	ssyncadd.s32 $0xFFFFFCE0  }
0x17: {  	[tilespmem:s7], [sflag:$0x1] =	stream.indirect.gather [hbm4b:s5+s6], $0x80, s2, s6, $0xb8;
	[tilespmem:$0x19380] =	vst v63  }
0x18: {  	_ =	swait.ge [sflag:s8], $0x19000  }
0x19: {  	s11 =	sshll.u32 s11, $0x4;
	[sflag:s8] =	ssyncset.done $0x0  }
0x1a: {  	s11 =	sadd.s32 s20, s11;
	[sflag:s8] =	ssyncadd.s32 $0xFFFE7000  }
0x1b: {  	[hbm4b:s11+s2] =	stream.linear.scatter [tilespmem:s7], [sflag:$0x2], $0x19000, $0x38;
	[tilespmem:$0x19380] =	vst v63  }
0x1c: {  	s15 =	sadd.s32 $0xC800, s12;
	_ =	swait.ge [sflag:s4], $0x19000  }
0x1d: {  	s12 =	sshrl.u32 s15, $0x3;
	[sflag:s4] =	ssyncset.done $0x0  }
0x1e: {  	s12 =	sadd.s32 s14, s12;
	[sflag:s4] =	ssyncadd.s32 $0xFFFE7000  }
0x1f: {  	[tilespmem:s2], [sflag:$0x2] =	stream.linear.gather [hbm4b:s12+s2], $0x320, $0x38;
	[tilespmem:$0x19380] =	vst v63  }
0x20: {  	_ =	swait.ge [sflag:s4], $0x320  }
0x21: {  	[sflag:s4] =	ssyncset.done $0x0  }
0x22: {  	p0 =	sgt.u32 s0, $0x1;
	[sflag:s4] =	ssyncadd.s32 $0xFFFFFCE0  }
0x23: {  	[tilespmem:s7], [sflag:$0x1] =	stream.indirect.gather [hbm4b:s5+s6], $0x80, s2, s6, $0xb8;
	[tilespmem:$0x19380] =	vst v63  }
0x24: {  	s16 =	simm.s32 @!p0 $0x0;
	_ =	swait.ge [sflag:s8], $0x19000  }
0x25: {  	s22 =	ssub.s32 $0x2, s17;
	s15 =	sshll.u32 s15, $0x4;
	[sflag:s8] =	ssyncset.done $0x0  }
0x26: {  	s21 =	sor.u32 $0x60, s13;
	s13 =	sadd.s32 s20, s15;
	[sflag:s8] =	ssyncadd.s32 $0xFFFE7000  }
0x27: {  	[hbm4b:s13+s2] =	stream.linear.scatter [tilespmem:s7], [sflag:$0x2], $0x19000, $0x38;
	[tilespmem:$0x19380] =	vst v63  }
0x28: {  	s17 =	simm.s32 @!p0 $0x1;
	s31 =	smul.u32 $0x64, s21;
	_ =	swait.ge [sflag:s4], $0x19000  }
0x29: {  	s18 =	simm.s32 @!p0 $0x320;
	s23 =	sshrl.u32 s22, $0x1;
	[sflag:s4] =	ssyncset.done $0x0  }
0x2a: {  	s14 =	sadd.s32 s14, s31;
	s15 =	simm.s32 @!p0 $0x2;
	[sflag:s4] =	ssyncadd.s32 $0xFFFE7000  }
0x2b: {  	[tilespmem:s16], [sflag:$0x2] =	stream.linear.gather @!p0 [hbm4b:s14+s16], $0x320, $0x38;
	[tilespmem:$0x19380] =	vst v63  }
0x2c: {  	s22 =	ssub.s32 s22, s23;
	s21 =	smul.u32 $0x3200, s21;
	_ =	swait.ge @!p0 [sflag:s15], $0x320  }
0x2d: {  	s19 =	simm.s32 @!p0 $0x380;
	s22 =	smax.u32 s22, $0x1;
	[sflag:s15] =	ssyncset.done @!p0 $0x0  }
0x2e: {  	s20 =	sadd.s32 s20, s21;
	s21 =	sadd.s32 $0xFFFFFFFF, s22;
	[sflag:s15] =	ssyncadd.s32 @!p0 $0xFFFFFCE0  }
0x2f: {  	[tilespmem:s19], [sflag:$0x1] =	stream.indirect.gather @!p0 [hbm4b:s5+s18], $0x80, s16, s18, $0xb8;
	[tilespmem:$0x19380] =	vst v63  }
0x30: {  	p1 =	sne.s32 s21, $0x0;
	_ =	swait.ge @!p0 [sflag:s17], $0x19000  }
.Ltmp0:
0x31: {  	[sflag:s17] =	ssyncset.done @!p0 $0x0;
	(pc) =	sbr.rel @!p1 .LBB2_2-.Ltmp0, $4  }
0x32: {  	[sflag:s17] =	ssyncadd.s32 @!p0 $0xFFFE7000  }
0x33: {  	[hbm4b:s20+s16] =	stream.linear.scatter @!p0 [tilespmem:s19], [sflag:$0x2], $0x19000, $0x38;
	[tilespmem:$0x19380] =	vst v63  }
0x34: {  	_ =	swait.ge @!p0 [sflag:s15], $0x19000  }
0x35: {  	[sflag:s15] =	ssyncset.done @!p0 $0x0  }
.LBB2_1:
0x36: {  	s21 =	sadd.s32 $0xFFFFFFFF, s21;
	[sflag:s15] =	ssyncadd.s32 @!p0 $0xFFFE7000  }
0x37: {  	[tilespmem:s2], [sflag:$0x2] =	stream.linear.gather [hbm4b:s3+s2], $0x320, $0x38;
	[tilespmem:$0x19380] =	vst v63  }
0x38: {  	p1 =	sne.s32 s21, $0x0;
	_ =	swait.ge [sflag:s4], $0x320  }
0x39: {  	[sflag:s4] =	ssyncset.done $0x0  }
0x3a: {  	[sflag:s4] =	ssyncadd.s32 $0xFFFFFCE0  }
0x3b: {  	[tilespmem:s7], [sflag:$0x1] =	stream.indirect.gather [hbm4b:s5+s6], $0x80, s2, s6, $0xb8;
	[tilespmem:$0x19380] =	vst v63  }
0x3c: {  	_ =	swait.ge [sflag:s8], $0x19000  }
0x3d: {  	[sflag:s8] =	ssyncset.done $0x0  }
0x3e: {  	[sflag:s8] =	ssyncadd.s32 $0xFFFE7000  }
0x3f: {  	[hbm4b:s9+s2] =	stream.linear.scatter [tilespmem:s7], [sflag:$0x2], $0x19000, $0x38;
	[tilespmem:$0x19380] =	vst v63  }
0x40: {  	_ =	swait.ge [sflag:s4], $0x19000  }
0x41: {  	[sflag:s4] =	ssyncset.done $0x0  }
0x42: {  	[sflag:s4] =	ssyncadd.s32 $0xFFFE7000  }
0x43: {  	[tilespmem:s2], [sflag:$0x2] =	stream.linear.gather [hbm4b:s10+s2], $0x320, $0x38;
	[tilespmem:$0x19380] =	vst v63  }
0x44: {  	_ =	swait.ge [sflag:s4], $0x320  }
0x45: {  	[sflag:s4] =	ssyncset.done $0x0  }
0x46: {  	[sflag:s4] =	ssyncadd.s32 $0xFFFFFCE0  }
0x47: {  	[tilespmem:s7], [sflag:$0x1] =	stream.indirect.gather [hbm4b:s5+s6], $0x80, s2, s6, $0xb8;
	[tilespmem:$0x19380] =	vst v63  }
0x48: {  	_ =	swait.ge [sflag:s8], $0x19000  }
0x49: {  	[sflag:s8] =	ssyncset.done $0x0  }
0x4a: {  	[sflag:s8] =	ssyncadd.s32 $0xFFFE7000  }
0x4b: {  	[hbm4b:s11+s2] =	stream.linear.scatter [tilespmem:s7], [sflag:$0x2], $0x19000, $0x38;
	[tilespmem:$0x19380] =	vst v63  }
0x4c: {  	_ =	swait.ge [sflag:s4], $0x19000  }
0x4d: {  	[sflag:s4] =	ssyncset.done $0x0  }
0x4e: {  	[sflag:s4] =	ssyncadd.s32 $0xFFFE7000  }
0x4f: {  	[tilespmem:s2], [sflag:$0x2] =	stream.linear.gather [hbm4b:s12+s2], $0x320, $0x38;
	[tilespmem:$0x19380] =	vst v63  }
0x50: {  	_ =	swait.ge [sflag:s4], $0x320  }
0x51: {  	[sflag:s4] =	ssyncset.done $0x0  }
0x52: {  	[sflag:s4] =	ssyncadd.s32 $0xFFFFFCE0  }
0x53: {  	[tilespmem:s7], [sflag:$0x1] =	stream.indirect.gather [hbm4b:s5+s6], $0x80, s2, s6, $0xb8;
	[tilespmem:$0x19380] =	vst v63  }
0x54: {  	_ =	swait.ge [sflag:s8], $0x19000  }
0x55: {  	[sflag:s8] =	ssyncset.done $0x0  }
0x56: {  	[sflag:s8] =	ssyncadd.s32 $0xFFFE7000  }
0x57: {  	[hbm4b:s13+s2] =	stream.linear.scatter [tilespmem:s7], [sflag:$0x2], $0x19000, $0x38;
	[tilespmem:$0x19380] =	vst v63  }
0x58: {  	_ =	swait.ge [sflag:s4], $0x19000  }
0x59: {  	[sflag:s4] =	ssyncset.done $0x0  }
0x5a: {  	[sflag:s4] =	ssyncadd.s32 $0xFFFE7000  }
0x5b: {  	[tilespmem:s16], [sflag:$0x2] =	stream.linear.gather @!p0 [hbm4b:s14+s16], $0x320, $0x38;
	[tilespmem:$0x19380] =	vst v63  }
0x5c: {  	_ =	swait.ge @!p0 [sflag:s15], $0x320  }
0x5d: {  	[sflag:s15] =	ssyncset.done @!p0 $0x0  }
0x5e: {  	[sflag:s15] =	ssyncadd.s32 @!p0 $0xFFFFFCE0  }
0x5f: {  	[tilespmem:s19], [sflag:$0x1] =	stream.indirect.gather @!p0 [hbm4b:s5+s18], $0x80, s16, s18, $0xb8;
	[tilespmem:$0x19380] =	vst v63  }
0x60: {  	_ =	swait.ge @!p0 [sflag:s17], $0x19000  }
.Ltmp1:
0x61: {  	[sflag:s17] =	ssyncset.done @!p0 $0x0;
	(pc) =	sbr.rel @p1 .LBB2_1-.Ltmp1, $4  }
0x62: {  	[sflag:s17] =	ssyncadd.s32 @!p0 $0xFFFE7000  }
0x63: {  	[hbm4b:s20+s16] =	stream.linear.scatter @!p0 [tilespmem:s19], [sflag:$0x2], $0x19000, $0x38;
	[tilespmem:$0x19380] =	vst v63  }
0x64: {  	_ =	swait.ge @!p0 [sflag:s15], $0x19000  }
0x65: {  	[sflag:s15] =	ssyncset.done @!p0 $0x0  }
.LBB2_2:
0x66: {  	[sflag:s15] =	ssyncadd.s32 @!p0 $0xFFFE7000  }
0x67: {  	_ =	sfence.sel $0x180000  }
0x68: {  	[bflag:$0x0] =	sbarrier.arrive $0xFFFF  }
0x69: {  	p0 =	sne.s32 s0, $0x0;
	_ =	strace $0x9000004A  }
0x6a: {  	s0 =	sadd.s32 @!p0 $0x100000, s1;
	[bflag:$0x2] =	sbarrier.arrive $0xFFFF  }
0x6b: {  	[sflag:s0] =	ssyncadd.tile.s32 @!p0 $0x1;
	_ =	shalt  }
.Lfunc_end2:
_tile_overlayer_lowered:
.L_overlay_start_2:
0x6c: {  	(tag) =	ssettag $0x2  }
0x6d: {  	s0 =	rddreg [dreg:$0x0];
	s2 =	stileid.u32  }
0x6e: {  	s1 =	rddreg [dreg:$0x1];
	p0 =	sne.s32 s2, $0x0  }
0x6f: {  	s3 =	rddreg [dreg:$0x2];
	[bflag:$0x3] =	sbarrier.arrive $0xFFFF;
	s2 =	simm.s32 @!p0 $0x1C02  }
0x70: {  	[timem:s3], [sflag:s2] =	dma.local @!p0 [hbm:s0], s1  }
0x71: {  	s0 =	simm.s32 @!p0 $0x2  }
0x72: {  	_ =	swait.ge @!p0 [sflag:s0], s1  }
0x73: {  	s1 =	ssub.s32 @!p0 $0x0, s1;
	[sflag:s0] =	ssyncset.done @!p0 $0x0  }
0x74: {  	[sflag:s0] =	ssyncadd.s32 @!p0 s1  }
0x75: {  	[bflag:$0x3] =	sbarrier.arrive $0xFFFF  }
0x76: {  	_ =	shalt  }

</sc_bundles>
